<compile_context>
chip_gen: v7x
topology: tpu7x:2x2x1
jax: 0.10.2.dev20260603
libtpu: 0.0.44.dev20260713+nightly
codegen_flags: <defaults>
</compile_context>

<pallas_src>
import functools

import jax
import jax.numpy as jnp
from jax import lax
from jax.experimental import pallas as pl
from jax.experimental.pallas import tpu as pltpu
from jax.experimental.pallas import tpu_sc as plsc

N_FACTORS = 64
BATCH = 16384
N_USERS = 1000000
N_BOOKS = 100000

_info = plsc.get_sparse_core_info()
NC = _info.num_cores
NS = _info.num_subcores
LANES = _info.num_lanes
NW = NC * NS
BPW = BATCH // NW
GCHUNK = 128
CH = 256
NPASS = BPW // CH


def _body(user_hbm, book_hbm, ut_hbm, bt_hbm, out_hbm,
          uidx_v, bidx_v, uflat_v, bflat_v, ubuf_v, bbuf_v, out_v,
          sem_u, sem_b):
  wid = lax.axis_index("s") * NC + lax.axis_index("c")
  base = wid * BPW

  pltpu.sync_copy(user_hbm.at[pl.ds(base, BPW)], uidx_v)
  pltpu.sync_copy(book_hbm.at[pl.ds(base, BPW)], bidx_v)

  for p in range(NPASS):
    def jbody(j, carry):
      ju = j * N_USERS
      jb = j * N_BOOKS
      for g in range(CH // LANES):
        sl = pl.ds(g * LANES, LANES)
        src = pl.ds(p * CH + g * LANES, LANES)
        uflat_v[j, sl] = uidx_v[src] + ju
        bflat_v[j, sl] = bidx_v[src] + jb
      copies = []
      for c in range(CH // GCHUNK):
        csl = pl.ds(c * GCHUNK, GCHUNK)
        copies.append(pltpu.async_copy(
            ut_hbm.at[uflat_v.at[j, csl]], ubuf_v.at[j, csl], sem_u))
        copies.append(pltpu.async_copy(
            bt_hbm.at[bflat_v.at[j, csl]], bbuf_v.at[j, csl], sem_b))
      for cp in copies:
        cp.wait()
      return carry

    lax.fori_loop(0, N_FACTORS, jbody, 0)

    def gbody(g, carry):
      sl = pl.ds(g * LANES, LANES)
      acc = jnp.zeros((LANES,), jnp.float32)
      for j in range(N_FACTORS):
        acc = acc + ubuf_v[j, sl] * bbuf_v[j, sl]
      out_v[sl] = acc
      return carry

    lax.fori_loop(0, CH // LANES, gbody, 0)
    pltpu.sync_copy(out_v, out_hbm.at[pl.ds(base + p * CH, CH)])


@jax.jit
def kernel(user, book, user_emb, book_emb):
  ut = user_emb.T.reshape(-1)
  bt = book_emb.T.reshape(-1)
  mesh = plsc.VectorSubcoreMesh(core_axis_name="c", subcore_axis_name="s")
  run = functools.partial(
      pl.kernel,
      out_type=jax.ShapeDtypeStruct((BATCH,), jnp.float32),
      mesh=mesh,
      compiler_params=pltpu.CompilerParams(needs_layout_passes=False),
      scratch_types=[
          pltpu.VMEM((BPW,), jnp.int32),
          pltpu.VMEM((BPW,), jnp.int32),
          pltpu.VMEM((N_FACTORS, CH), jnp.int32),
          pltpu.VMEM((N_FACTORS, CH), jnp.int32),
          pltpu.VMEM((N_FACTORS, CH), jnp.float32),
          pltpu.VMEM((N_FACTORS, CH), jnp.float32),
          pltpu.VMEM((CH,), jnp.float32),
          pltpu.SemaphoreType.DMA,
          pltpu.SemaphoreType.DMA,
      ],
  )(_body)
  return run(user.astype(jnp.int32), book.astype(jnp.int32), ut, bt)

# --- scband reference (transcript-rebuilt; emitter-appended) ---
"""Pipeline reference for scband-matrix-factorization-58884001628464 (READ-ONLY COPY).

The authoritative reference and input builder live on the scoring server;
editing this copy changes nothing except your own understanding.
"""

import jax, jax.numpy as jnp
import numpy as np

N_USERS = 1000000
N_BOOKS = 100000
N_FACTORS = 64
BATCH = 16384

def setup_inputs(seed: int = 0) -> dict:
    key = jax.random.key(seed)
    k1, k2, k3, k4 = jax.random.split(key, 4)
    user = jax.random.randint(k1, (BATCH,), 0, N_USERS, dtype=jnp.int64 if jax.config.jax_enable_x64 else jnp.int32)
    book = jax.random.randint(k2, (BATCH,), 0, N_BOOKS, dtype=jnp.int64 if jax.config.jax_enable_x64 else jnp.int32)
    user_emb = jax.random.normal(k3, (N_USERS, N_FACTORS), dtype=jnp.float32)
    book_emb = jax.random.normal(k4, (N_BOOKS, N_FACTORS), dtype=jnp.float32)
    return {"user": user, "book": book, "user_emb": user_emb, "book_emb": book_emb}

def reference(user, book, user_emb, book_emb):
    u = jnp.take(user_emb, user, axis=0)
    b = jnp.take(book_emb, book, axis=0)
    return (u * b).sum(axis=1)

if __name__ == "__main__":
    import jax
    _d = setup_inputs()
    print(jax.jit(kernel)(*tuple(_d.values())))

</pallas_src>

<mosaic_0001>
#map = affine_map<(d0, d1) -> (0)>
module attributes {stable_mosaic.version = 14 : i64} {
  func.func @_body(%arg0: i32, %arg1: i32, %arg2: memref<16384xi32, #tpu.memory_space<hbm>>, %arg3: memref<16384xi32, #tpu.memory_space<hbm>>, %arg4: memref<64000000xf32, #tpu.memory_space<hbm>>, %arg5: memref<6400000xf32, #tpu.memory_space<hbm>>, %arg6: memref<16384xf32, #tpu.memory_space<hbm>>, %arg7: memref<512xi32, #tpu.memory_space<vmem>>, %arg8: memref<512xi32, #tpu.memory_space<vmem>>, %arg9: memref<64x256xi32, #tpu.memory_space<vmem>>, %arg10: memref<64x256xi32, #tpu.memory_space<vmem>>, %arg11: memref<64x256xf32, #tpu.memory_space<vmem>>, %arg12: memref<64x256xf32, #tpu.memory_space<vmem>>, %arg13: memref<256xf32, #tpu.memory_space<vmem>>, %arg14: memref<!tpu.dma_semaphore, #tpu.memory_space<semaphore_mem>>, %arg15: memref<!tpu.dma_semaphore, #tpu.memory_space<semaphore_mem>>) attributes {dimension_semantics = [#tpu.dimension_semantics<core_parallel>, #tpu.dimension_semantics<subcore_parallel>], iteration_bounds = array<i64: 2, 16>, scalar_prefetch = 0 : i64, scratch_operands = 9 : i64, tpu.core_type = #tpu.core_type<sc_vector_subcore>, window_params = [{transform_indices = #map}, {transform_indices = #map}, {transform_indices = #map}, {transform_indices = #map}, {transform_indices = #map}]} {
    %mul3A = arith.constant 2 : i32
    %mul3A_0 = arith.muli %arg1, %mul3A : i32
    %add3A = arith.addi %mul3A_0, %arg0 : i32
    %mul3A_1 = arith.constant 512 : i32
    %mul3A_2 = arith.muli %add3A, %mul3A_1 : i32
    "tpu.region"() ({
      %run_scoped3A = tpu.sem_alloc : memref<!tpu.dma_semaphore, #tpu.memory_space<semaphore_mem>>
      %dma_start3A = tpu.memref_slice %arg2[%mul3A_2] : memref<16384xi32, #tpu.memory_space<hbm>> -> memref<512xi32, #tpu.memory_space<hbm>>
      %dma_start3A_30 = tpu.memref_slice %arg2[%mul3A_2] : memref<16384xi32, #tpu.memory_space<hbm>> -> memref<512xi32, #tpu.memory_space<hbm>>
      tpu.enqueue_dma source(%dma_start3A_30 : memref<512xi32, #tpu.memory_space<hbm>>) target(%arg7 : memref<512xi32, #tpu.memory_space<vmem>>) target_semaphore(%run_scoped3A : memref<!tpu.dma_semaphore, #tpu.memory_space<semaphore_mem>>)
      %dma_wait3A = tpu.memref_slice %arg2[%mul3A_2] : memref<16384xi32, #tpu.memory_space<hbm>> -> memref<512xi32, #tpu.memory_space<hbm>>
      %dma_wait3A_31 = tpu.memref_slice %arg2[%mul3A_2] : memref<16384xi32, #tpu.memory_space<hbm>> -> memref<512xi32, #tpu.memory_space<hbm>>
      tpu.wait_dma2 semaphore(%run_scoped3A : memref<!tpu.dma_semaphore, #tpu.memory_space<semaphore_mem>>) src(%dma_wait3A_31 : memref<512xi32, #tpu.memory_space<hbm>>) dst(%arg7 : memref<512xi32, #tpu.memory_space<vmem>>)
      tpu.yield
    }) : () -> ()
    "tpu.region"() ({
      %run_scoped3A = tpu.sem_alloc : memref<!tpu.dma_semaphore, #tpu.memory_space<semaphore_mem>>
      %dma_start3A = tpu.memref_slice %arg3[%mul3A_2] : memref<16384xi32, #tpu.memory_space<hbm>> -> memref<512xi32, #tpu.memory_space<hbm>>
      %dma_start3A_30 = tpu.memref_slice %arg3[%mul3A_2] : memref<16384xi32, #tpu.memory_space<hbm>> -> memref<512xi32, #tpu.memory_space<hbm>>
      tpu.enqueue_dma source(%dma_start3A_30 : memref<512xi32, #tpu.memory_space<hbm>>) target(%arg8 : memref<512xi32, #tpu.memory_space<vmem>>) target_semaphore(%run_scoped3A : memref<!tpu.dma_semaphore, #tpu.memory_space<semaphore_mem>>)
      %dma_wait3A = tpu.memref_slice %arg3[%mul3A_2] : memref<16384xi32, #tpu.memory_space<hbm>> -> memref<512xi32, #tpu.memory_space<hbm>>
      %dma_wait3A_31 = tpu.memref_slice %arg3[%mul3A_2] : memref<16384xi32, #tpu.memory_space<hbm>> -> memref<512xi32, #tpu.memory_space<hbm>>
      tpu.wait_dma2 semaphore(%run_scoped3A : memref<!tpu.dma_semaphore, #tpu.memory_space<semaphore_mem>>) src(%dma_wait3A_31 : memref<512xi32, #tpu.memory_space<hbm>>) dst(%arg8 : memref<512xi32, #tpu.memory_space<vmem>>)
      tpu.yield
    }) : () -> ()
    %scan3A = arith.constant 0 : i32
    %scan3A_3 = arith.constant 0 : i32
    %scan3A_4 = arith.constant 64 : i32
    %scan3A_5 = arith.addi %scan3A_3, %scan3A_4 : i32
    %scan3A_6 = arith.constant 1 : i32
    scf.for %scan3A_30 = %scan3A_3 to %scan3A_5 step %scan3A_6  : i32 {
      %mul3A_31 = arith.constant 1000000 : i32
      %mul3A_32 = arith.muli %scan3A_30, %mul3A_31 : i32
      %mul3A_33 = arith.constant 100000 : i32
      %mul3A_34 = arith.muli %scan3A_30, %mul3A_33 : i32
      %get3A = arith.constant 0 : index
      %get3A_35 = tpu.vector_load %arg7[%get3A] {strides = array<i32>} : memref<512xi32, #tpu.memory_space<vmem>>, vector<16xi32>,
      %add3A_36 = vector.broadcast %mul3A_32 : i32 to vector<16xi32>
      %add3A_37 = arith.addi %get3A_35, %add3A_36 : vector<16xi32>
      %swap3A = arith.index_cast %scan3A_30 : i32 to index
      %swap3A_38 = arith.constant 0 : index
      %swap3A_39 = tpu.vector_load %arg9[%swap3A, %swap3A_38] {strides = array<i32>} : memref<64x256xi32, #tpu.memory_space<vmem>>, vector<16xi32>,
      tpu.vector_store %arg9[%swap3A, %swap3A_38], %add3A_37 {strides = array<i32>} : memref<64x256xi32, #tpu.memory_space<vmem>>, vector<16xi32>,
      %get3A_40 = arith.constant 0 : index
      %get3A_41 = tpu.vector_load %arg8[%get3A_40] {strides = array<i32>} : memref<512xi32, #tpu.memory_space<vmem>>, vector<16xi32>,
      %add3A_42 = vector.broadcast %mul3A_34 : i32 to vector<16xi32>
      %add3A_43 = arith.addi %get3A_41, %add3A_42 : vector<16xi32>
      %swap3A_44 = arith.index_cast %scan3A_30 : i32 to index
      %swap3A_45 = arith.constant 0 : index
      %swap3A_46 = tpu.vector_load %arg10[%swap3A_44, %swap3A_45] {strides = array<i32>} : memref<64x256xi32, #tpu.memory_space<vmem>>, vector<16xi32>,
      tpu.vector_store %arg10[%swap3A_44, %swap3A_45], %add3A_43 {strides = array<i32>} : memref<64x256xi32, #tpu.memory_space<vmem>>, vector<16xi32>,
      %get3A_47 = arith.constant 16 : index
      %get3A_48 = tpu.vector_load %arg7[%get3A_47] {strides = array<i32>} : memref<512xi32, #tpu.memory_space<vmem>>, vector<16xi32>,
      %add3A_49 = vector.broadcast %mul3A_32 : i32 to vector<16xi32>
      %add3A_50 = arith.addi %get3A_48, %add3A_49 : vector<16xi32>
      %swap3A_51 = arith.index_cast %scan3A_30 : i32 to index
      %swap3A_52 = arith.constant 16 : index
      %swap3A_53 = tpu.vector_load %arg9[%swap3A_51, %swap3A_52] {strides = array<i32>} : memref<64x256xi32, #tpu.memory_space<vmem>>, vector<16xi32>,
      tpu.vector_store %arg9[%swap3A_51, %swap3A_52], %add3A_50 {strides = array<i32>} : memref<64x256xi32, #tpu.memory_space<vmem>>, vector<16xi32>,
      %get3A_54 = arith.constant 16 : index
      %get3A_55 = tpu.vector_load %arg8[%get3A_54] {strides = array<i32>} : memref<512xi32, #tpu.memory_space<vmem>>, vector<16xi32>,
      %add3A_56 = vector.broadcast %mul3A_34 : i32 to vector<16xi32>
      %add3A_57 = arith.addi %get3A_55, %add3A_56 : vector<16xi32>
      %swap3A_58 = arith.index_cast %scan3A_30 : i32 to index
      %swap3A_59 = arith.constant 16 : index
      %swap3A_60 = tpu.vector_load %arg10[%swap3A_58, %swap3A_59] {strides = array<i32>} : memref<64x256xi32, #tpu.memory_space<vmem>>, vector<16xi32>,
      tpu.vector_store %arg10[%swap3A_58, %swap3A_59], %add3A_57 {strides = array<i32>} : memref<64x256xi32, #tpu.memory_space<vmem>>, vector<16xi32>,
      %get3A_61 = arith.constant 32 : index
      %get3A_62 = tpu.vector_load %arg7[%get3A_61] {strides = array<i32>} : memref<512xi32, #tpu.memory_space<vmem>>, vector<16xi32>,
      %add3A_63 = vector.broadcast %mul3A_32 : i32 to vector<16xi32>
      %add3A_64 = arith.addi %get3A_62, %add3A_63 : vector<16xi32>
      %swap3A_65 = arith.index_cast %scan3A_30 : i32 to index
      %swap3A_66 = arith.constant 32 : index
      %swap3A_67 = tpu.vector_load %arg9[%swap3A_65, %swap3A_66] {strides = array<i32>} : memref<64x256xi32, #tpu.memory_space<vmem>>, vector<16xi32>,
      tpu.vector_store %arg9[%swap3A_65, %swap3A_66], %add3A_64 {strides = array<i32>} : memref<64x256xi32, #tpu.memory_space<vmem>>, vector<16xi32>,
      %get3A_68 = arith.constant 32 : index
      %get3A_69 = tpu.vector_load %arg8[%get3A_68] {strides = array<i32>} : memref<512xi32, #tpu.memory_space<vmem>>, vector<16xi32>,
      %add3A_70 = vector.broadcast %mul3A_34 : i32 to vector<16xi32>
      %add3A_71 = arith.addi %get3A_69, %add3A_70 : vector<16xi32>
      %swap3A_72 = arith.index_cast %scan3A_30 : i32 to index
      %swap3A_73 = arith.constant 32 : index
      %swap3A_74 = tpu.vector_load %arg10[%swap3A_72, %swap3A_73] {strides = array<i32>} : memref<64x256xi32, #tpu.memory_space<vmem>>, vector<16xi32>,
      tpu.vector_store %arg10[%swap3A_72, %swap3A_73], %add3A_71 {strides = array<i32>} : memref<64x256xi32, #tpu.memory_space<vmem>>, vector<16xi32>,
      %get3A_75 = arith.constant 48 : index
      %get3A_76 = tpu.vector_load %arg7[%get3A_75] {strides = array<i32>} : memref<512xi32, #tpu.memory_space<vmem>>, vector<16xi32>,
      %add3A_77 = vector.broadcast %mul3A_32 : i32 to vector<16xi32>
      %add3A_78 = arith.addi %get3A_76, %add3A_77 : vector<16xi32>
      %swap3A_79 = arith.index_cast %scan3A_30 : i32 to index
      %swap3A_80 = arith.constant 48 : index
      %swap3A_81 = tpu.vector_load %arg9[%swap3A_79, %swap3A_80] {strides = array<i32>} : memref<64x256xi32, #tpu.memory_space<vmem>>, vector<16xi32>,
      tpu.vector_store %arg9[%swap3A_79, %swap3A_80], %add3A_78 {strides = array<i32>} : memref<64x256xi32, #tpu.memory_space<vmem>>, vector<16xi32>,
      %get3A_82 = arith.constant 48 : index
      %get3A_83 = tpu.vector_load %arg8[%get3A_82] {strides = array<i32>} : memref<512xi32, #tpu.memory_space<vmem>>, vector<16xi32>,
      %add3A_84 = vector.broadcast %mul3A_34 : i32 to vector<16xi32>
      %add3A_85 = arith.addi %get3A_83, %add3A_84 : vector<16xi32>
      %swap3A_86 = arith.index_cast %scan3A_30 : i32 to index
      %swap3A_87 = arith.constant 48 : index
      %swap3A_88 = tpu.vector_load %arg10[%swap3A_86, %swap3A_87] {strides = array<i32>} : memref<64x256xi32, #tpu.memory_space<vmem>>, vector<16xi32>,
      tpu.vector_store %arg10[%swap3A_86, %swap3A_87], %add3A_85 {strides = array<i32>} : memref<64x256xi32, #tpu.memory_space<vmem>>, vector<16xi32>,
      %get3A_89 = arith.constant 64 : index
      %get3A_90 = tpu.vector_load %arg7[%get3A_89] {strides = array<i32>} : memref<512xi32, #tpu.memory_space<vmem>>, vector<16xi32>,
      %add3A_91 = vector.broadcast %mul3A_32 : i32 to vector<16xi32>
      %add3A_92 = arith.addi %get3A_90, %add3A_91 : vector<16xi32>
      %swap3A_93 = arith.index_cast %scan3A_30 : i32 to index
      %swap3A_94 = arith.constant 64 : index
      %swap3A_95 = tpu.vector_load %arg9[%swap3A_93, %swap3A_94] {strides = array<i32>} : memref<64x256xi32, #tpu.memory_space<vmem>>, vector<16xi32>,
      tpu.vector_store %arg9[%swap3A_93, %swap3A_94], %add3A_92 {strides = array<i32>} : memref<64x256xi32, #tpu.memory_space<vmem>>, vector<16xi32>,
      %get3A_96 = arith.constant 64 : index
      %get3A_97 = tpu.vector_load %arg8[%get3A_96] {strides = array<i32>} : memref<512xi32, #tpu.memory_space<vmem>>, vector<16xi32>,
      %add3A_98 = vector.broadcast %mul3A_34 : i32 to vector<16xi32>
      %add3A_99 = arith.addi %get3A_97, %add3A_98 : vector<16xi32>
      %swap3A_100 = arith.index_cast %scan3A_30 : i32 to index
      %swap3A_101 = arith.constant 64 : index
      %swap3A_102 = tpu.vector_load %arg10[%swap3A_100, %swap3A_101] {strides = array<i32>} : memref<64x256xi32, #tpu.memory_space<vmem>>, vector<16xi32>,
      tpu.vector_store %arg10[%swap3A_100, %swap3A_101], %add3A_99 {strides = array<i32>} : memref<64x256xi32, #tpu.memory_space<vmem>>, vector<16xi32>,
      %get3A_103 = arith.constant 80 : index
      %get3A_104 = tpu.vector_load %arg7[%get3A_103] {strides = array<i32>} : memref<512xi32, #tpu.memory_space<vmem>>, vector<16xi32>,
      %add3A_105 = vector.broadcast %mul3A_32 : i32 to vector<16xi32>
      %add3A_106 = arith.addi %get3A_104, %add3A_105 : vector<16xi32>
      %swap3A_107 = arith.index_cast %scan3A_30 : i32 to index
      %swap3A_108 = arith.constant 80 : index
      %swap3A_109 = tpu.vector_load %arg9[%swap3A_107, %swap3A_108] {strides = array<i32>} : memref<64x256xi32, #tpu.memory_space<vmem>>, vector<16xi32>,
      tpu.vector_store %arg9[%swap3A_107, %swap3A_108], %add3A_106 {strides = array<i32>} : memref<64x256xi32, #tpu.memory_space<vmem>>, vector<16xi32>,
      %get3A_110 = arith.constant 80 : index
      %get3A_111 = tpu.vector_load %arg8[%get3A_110] {strides = array<i32>} : memref<512xi32, #tpu.memory_space<vmem>>, vector<16xi32>,
      %add3A_112 = vector.broadcast %mul3A_34 : i32 to vector<16xi32>
      %add3A_113 = arith.addi %get3A_111, %add3A_112 : vector<16xi32>
      %swap3A_114 = arith.index_cast %scan3A_30 : i32 to index
      %swap3A_115 = arith.constant 80 : index
      %swap3A_116 = tpu.vector_load %arg10[%swap3A_114, %swap3A_115] {strides = array<i32>} : memref<64x256xi32, #tpu.memory_space<vmem>>, vector<16xi32>,
      tpu.vector_store %arg10[%swap3A_114, %swap3A_115], %add3A_113 {strides = array<i32>} : memref<64x256xi32, #tpu.memory_space<vmem>>, vector<16xi32>,
      %get3A_117 = arith.constant 96 : index
      %get3A_118 = tpu.vector_load %arg7[%get3A_117] {strides = array<i32>} : memref<512xi32, #tpu.memory_space<vmem>>, vector<16xi32>,
      %add3A_119 = vector.broadcast %mul3A_32 : i32 to vector<16xi32>
      %add3A_120 = arith.addi %get3A_118, %add3A_119 : vector<16xi32>
      %swap3A_121 = arith.index_cast %scan3A_30 : i32 to index
      %swap3A_122 = arith.constant 96 : index
      %swap3A_123 = tpu.vector_load %arg9[%swap3A_121, %swap3A_122] {strides = array<i32>} : memref<64x256xi32, #tpu.memory_space<vmem>>, vector<16xi32>,
      tpu.vector_store %arg9[%swap3A_121, %swap3A_122], %add3A_120 {strides = array<i32>} : memref<64x256xi32, #tpu.memory_space<vmem>>, vector<16xi32>,
      %get3A_124 = arith.constant 96 : index
      %get3A_125 = tpu.vector_load %arg8[%get3A_124] {strides = array<i32>} : memref<512xi32, #tpu.memory_space<vmem>>, vector<16xi32>,
      %add3A_126 = vector.broadcast %mul3A_34 : i32 to vector<16xi32>
      %add3A_127 = arith.addi %get3A_125, %add3A_126 : vector<16xi32>
      %swap3A_128 = arith.index_cast %scan3A_30 : i32 to index
      %swap3A_129 = arith.constant 96 : index
      %swap3A_130 = tpu.vector_load %arg10[%swap3A_128, %swap3A_129] {strides = array<i32>} : memref<64x256xi32, #tpu.memory_space<vmem>>, vector<16xi32>,
      tpu.vector_store %arg10[%swap3A_128, %swap3A_129], %add3A_127 {strides = array<i32>} : memref<64x256xi32, #tpu.memory_space<vmem>>, vector<16xi32>,
      %get3A_131 = arith.constant 112 : index
      %get3A_132 = tpu.vector_load %arg7[%get3A_131] {strides = array<i32>} : memref<512xi32, #tpu.memory_space<vmem>>, vector<16xi32>,
      %add3A_133 = vector.broadcast %mul3A_32 : i32 to vector<16xi32>
      %add3A_134 = arith.addi %get3A_132, %add3A_133 : vector<16xi32>
      %swap3A_135 = arith.index_cast %scan3A_30 : i32 to index
      %swap3A_136 = arith.constant 112 : index
      %swap3A_137 = tpu.vector_load %arg9[%swap3A_135, %swap3A_136] {strides = array<i32>} : memref<64x256xi32, #tpu.memory_space<vmem>>, vector<16xi32>,
      tpu.vector_store %arg9[%swap3A_135, %swap3A_136], %add3A_134 {strides = array<i32>} : memref<64x256xi32, #tpu.memory_space<vmem>>, vector<16xi32>,
      %get3A_138 = arith.constant 112 : index
      %get3A_139 = tpu.vector_load %arg8[%get3A_138] {strides = array<i32>} : memref<512xi32, #tpu.memory_space<vmem>>, vector<16xi32>,
      %add3A_140 = vector.broadcast %mul3A_34 : i32 to vector<16xi32>
      %add3A_141 = arith.addi %get3A_139, %add3A_140 : vector<16xi32>
      %swap3A_142 = arith.index_cast %scan3A_30 : i32 to index
      %swap3A_143 = arith.constant 112 : index
      %swap3A_144 = tpu.vector_load %arg10[%swap3A_142, %swap3A_143] {strides = array<i32>} : memref<64x256xi32, #tpu.memory_space<vmem>>, vector<16xi32>,
      tpu.vector_store %arg10[%swap3A_142, %swap3A_143], %add3A_141 {strides = array<i32>} : memref<64x256xi32, #tpu.memory_space<vmem>>, vector<16xi32>,
      %get3A_145 = arith.constant 128 : index
      %get3A_146 = tpu.vector_load %arg7[%get3A_145] {strides = array<i32>} : memref<512xi32, #tpu.memory_space<vmem>>, vector<16xi32>,
      %add3A_147 = vector.broadcast %mul3A_32 : i32 to vector<16xi32>
      %add3A_148 = arith.addi %get3A_146, %add3A_147 : vector<16xi32>
      %swap3A_149 = arith.index_cast %scan3A_30 : i32 to index
      %swap3A_150 = arith.constant 128 : index
      %swap3A_151 = tpu.vector_load %arg9[%swap3A_149, %swap3A_150] {strides = array<i32>} : memref<64x256xi32, #tpu.memory_space<vmem>>, vector<16xi32>,
      tpu.vector_store %arg9[%swap3A_149, %swap3A_150], %add3A_148 {strides = array<i32>} : memref<64x256xi32, #tpu.memory_space<vmem>>, vector<16xi32>,
      %get3A_152 = arith.constant 128 : index
      %get3A_153 = tpu.vector_load %arg8[%get3A_152] {strides = array<i32>} : memref<512xi32, #tpu.memory_space<vmem>>, vector<16xi32>,
      %add3A_154 = vector.broadcast %mul3A_34 : i32 to vector<16xi32>
      %add3A_155 = arith.addi %get3A_153, %add3A_154 : vector<16xi32>
      %swap3A_156 = arith.index_cast %scan3A_30 : i32 to index
      %swap3A_157 = arith.constant 128 : index
      %swap3A_158 = tpu.vector_load %arg10[%swap3A_156, %swap3A_157] {strides = array<i32>} : memref<64x256xi32, #tpu.memory_space<vmem>>, vector<16xi32>,
      tpu.vector_store %arg10[%swap3A_156, %swap3A_157], %add3A_155 {strides = array<i32>} : memref<64x256xi32, #tpu.memory_space<vmem>>, vector<16xi32>,
      %get3A_159 = arith.constant 144 : index
      %get3A_160 = tpu.vector_load %arg7[%get3A_159] {strides = array<i32>} : memref<512xi32, #tpu.memory_space<vmem>>, vector<16xi32>,
      %add3A_161 = vector.broadcast %mul3A_32 : i32 to vector<16xi32>
      %add3A_162 = arith.addi %get3A_160, %add3A_161 : vector<16xi32>
      %swap3A_163 = arith.index_cast %scan3A_30 : i32 to index
      %swap3A_164 = arith.constant 144 : index
      %swap3A_165 = tpu.vector_load %arg9[%swap3A_163, %swap3A_164] {strides = array<i32>} : memref<64x256xi32, #tpu.memory_space<vmem>>, vector<16xi32>,
      tpu.vector_store %arg9[%swap3A_163, %swap3A_164], %add3A_162 {strides = array<i32>} : memref<64x256xi32, #tpu.memory_space<vmem>>, vector<16xi32>,
      %get3A_166 = arith.constant 144 : index
      %get3A_167 = tpu.vector_load %arg8[%get3A_166] {strides = array<i32>} : memref<512xi32, #tpu.memory_space<vmem>>, vector<16xi32>,
      %add3A_168 = vector.broadcast %mul3A_34 : i32 to vector<16xi32>
      %add3A_169 = arith.addi %get3A_167, %add3A_168 : vector<16xi32>
      %swap3A_170 = arith.index_cast %scan3A_30 : i32 to index
      %swap3A_171 = arith.constant 144 : index
      %swap3A_172 = tpu.vector_load %arg10[%swap3A_170, %swap3A_171] {strides = array<i32>} : memref<64x256xi32, #tpu.memory_space<vmem>>, vector<16xi32>,
      tpu.vector_store %arg10[%swap3A_170, %swap3A_171], %add3A_169 {strides = array<i32>} : memref<64x256xi32, #tpu.memory_space<vmem>>, vector<16xi32>,
      %get3A_173 = arith.constant 160 : index
      %get3A_174 = tpu.vector_load %arg7[%get3A_173] {strides = array<i32>} : memref<512xi32, #tpu.memory_space<vmem>>, vector<16xi32>,
      %add3A_175 = vector.broadcast %mul3A_32 : i32 to vector<16xi32>
      %add3A_176 = arith.addi %get3A_174, %add3A_175 : vector<16xi32>
      %swap3A_177 = arith.index_cast %scan3A_30 : i32 to index
      %swap3A_178 = arith.constant 160 : index
      %swap3A_179 = tpu.vector_load %arg9[%swap3A_177, %swap3A_178] {strides = array<i32>} : memref<64x256xi32, #tpu.memory_space<vmem>>, vector<16xi32>,
      tpu.vector_store %arg9[%swap3A_177, %swap3A_178], %add3A_176 {strides = array<i32>} : memref<64x256xi32, #tpu.memory_space<vmem>>, vector<16xi32>,
      %get3A_180 = arith.constant 160 : index
      %get3A_181 = tpu.vector_load %arg8[%get3A_180] {strides = array<i32>} : memref<512xi32, #tpu.memory_space<vmem>>, vector<16xi32>,
      %add3A_182 = vector.broadcast %mul3A_34 : i32 to vector<16xi32>
      %add3A_183 = arith.addi %get3A_181, %add3A_182 : vector<16xi32>
      %swap3A_184 = arith.index_cast %scan3A_30 : i32 to index
      %swap3A_185 = arith.constant 160 : index
      %swap3A_186 = tpu.vector_load %arg10[%swap3A_184, %swap3A_185] {strides = array<i32>} : memref<64x256xi32, #tpu.memory_space<vmem>>, vector<16xi32>,
      tpu.vector_store %arg10[%swap3A_184, %swap3A_185], %add3A_183 {strides = array<i32>} : memref<64x256xi32, #tpu.memory_space<vmem>>, vector<16xi32>,
      %get3A_187 = arith.constant 176 : index
      %get3A_188 = tpu.vector_load %arg7[%get3A_187] {strides = array<i32>} : memref<512xi32, #tpu.memory_space<vmem>>, vector<16xi32>,
      %add3A_189 = vector.broadcast %mul3A_32 : i32 to vector<16xi32>
      %add3A_190 = arith.addi %get3A_188, %add3A_189 : vector<16xi32>
      %swap3A_191 = arith.index_cast %scan3A_30 : i32 to index
      %swap3A_192 = arith.constant 176 : index
      %swap3A_193 = tpu.vector_load %arg9[%swap3A_191, %swap3A_192] {strides = array<i32>} : memref<64x256xi32, #tpu.memory_space<vmem>>, vector<16xi32>,
      tpu.vector_store %arg9[%swap3A_191, %swap3A_192], %add3A_190 {strides = array<i32>} : memref<64x256xi32, #tpu.memory_space<vmem>>, vector<16xi32>,
      %get3A_194 = arith.constant 176 : index
      %get3A_195 = tpu.vector_load %arg8[%get3A_194] {strides = array<i32>} : memref<512xi32, #tpu.memory_space<vmem>>, vector<16xi32>,
      %add3A_196 = vector.broadcast %mul3A_34 : i32 to vector<16xi32>
      %add3A_197 = arith.addi %get3A_195, %add3A_196 : vector<16xi32>
      %swap3A_198 = arith.index_cast %scan3A_30 : i32 to index
      %swap3A_199 = arith.constant 176 : index
      %swap3A_200 = tpu.vector_load %arg10[%swap3A_198, %swap3A_199] {strides = array<i32>} : memref<64x256xi32, #tpu.memory_space<vmem>>, vector<16xi32>,
      tpu.vector_store %arg10[%swap3A_198, %swap3A_199], %add3A_197 {strides = array<i32>} : memref<64x256xi32, #tpu.memory_space<vmem>>, vector<16xi32>,
      %get3A_201 = arith.constant 192 : index
      %get3A_202 = tpu.vector_load %arg7[%get3A_201] {strides = array<i32>} : memref<512xi32, #tpu.memory_space<vmem>>, vector<16xi32>,
      %add3A_203 = vector.broadcast %mul3A_32 : i32 to vector<16xi32>
      %add3A_204 = arith.addi %get3A_202, %add3A_203 : vector<16xi32>
      %swap3A_205 = arith.index_cast %scan3A_30 : i32 to index
      %swap3A_206 = arith.constant 192 : index
      %swap3A_207 = tpu.vector_load %arg9[%swap3A_205, %swap3A_206] {strides = array<i32>} : memref<64x256xi32, #tpu.memory_space<vmem>>, vector<16xi32>,
      tpu.vector_store %arg9[%swap3A_205, %swap3A_206], %add3A_204 {strides = array<i32>} : memref<64x256xi32, #tpu.memory_space<vmem>>, vector<16xi32>,
      %get3A_208 = arith.constant 192 : index
      %get3A_209 = tpu.vector_load %arg8[%get3A_208] {strides = array<i32>} : memref<512xi32, #tpu.memory_space<vmem>>, vector<16xi32>,
      %add3A_210 = vector.broadcast %mul3A_34 : i32 to vector<16xi32>
      %add3A_211 = arith.addi %get3A_209, %add3A_210 : vector<16xi32>
      %swap3A_212 = arith.index_cast %scan3A_30 : i32 to index
      %swap3A_213 = arith.constant 192 : index
      %swap3A_214 = tpu.vector_load %arg10[%swap3A_212, %swap3A_213] {strides = array<i32>} : memref<64x256xi32, #tpu.memory_space<vmem>>, vector<16xi32>,
      tpu.vector_store %arg10[%swap3A_212, %swap3A_213], %add3A_211 {strides = array<i32>} : memref<64x256xi32, #tpu.memory_space<vmem>>, vector<16xi32>,
      %get3A_215 = arith.constant 208 : index
      %get3A_216 = tpu.vector_load %arg7[%get3A_215] {strides = array<i32>} : memref<512xi32, #tpu.memory_space<vmem>>, vector<16xi32>,
      %add3A_217 = vector.broadcast %mul3A_32 : i32 to vector<16xi32>
      %add3A_218 = arith.addi %get3A_216, %add3A_217 : vector<16xi32>
      %swap3A_219 = arith.index_cast %scan3A_30 : i32 to index
      %swap3A_220 = arith.constant 208 : index
      %swap3A_221 = tpu.vector_load %arg9[%swap3A_219, %swap3A_220] {strides = array<i32>} : memref<64x256xi32, #tpu.memory_space<vmem>>, vector<16xi32>,
      tpu.vector_store %arg9[%swap3A_219, %swap3A_220], %add3A_218 {strides = array<i32>} : memref<64x256xi32, #tpu.memory_space<vmem>>, vector<16xi32>,
      %get3A_222 = arith.constant 208 : index
      %get3A_223 = tpu.vector_load %arg8[%get3A_222] {strides = array<i32>} : memref<512xi32, #tpu.memory_space<vmem>>, vector<16xi32>,
      %add3A_224 = vector.broadcast %mul3A_34 : i32 to vector<16xi32>
      %add3A_225 = arith.addi %get3A_223, %add3A_224 : vector<16xi32>
      %swap3A_226 = arith.index_cast %scan3A_30 : i32 to index
      %swap3A_227 = arith.constant 208 : index
      %swap3A_228 = tpu.vector_load %arg10[%swap3A_226, %swap3A_227] {strides = array<i32>} : memref<64x256xi32, #tpu.memory_space<vmem>>, vector<16xi32>,
      tpu.vector_store %arg10[%swap3A_226, %swap3A_227], %add3A_225 {strides = array<i32>} : memref<64x256xi32, #tpu.memory_space<vmem>>, vector<16xi32>,
      %get3A_229 = arith.constant 224 : index
      %get3A_230 = tpu.vector_load %arg7[%get3A_229] {strides = array<i32>} : memref<512xi32, #tpu.memory_space<vmem>>, vector<16xi32>,
      %add3A_231 = vector.broadcast %mul3A_32 : i32 to vector<16xi32>
      %add3A_232 = arith.addi %get3A_230, %add3A_231 : vector<16xi32>
      %swap3A_233 = arith.index_cast %scan3A_30 : i32 to index
      %swap3A_234 = arith.constant 224 : index
      %swap3A_235 = tpu.vector_load %arg9[%swap3A_233, %swap3A_234] {strides = array<i32>} : memref<64x256xi32, #tpu.memory_space<vmem>>, vector<16xi32>,
      tpu.vector_store %arg9[%swap3A_233, %swap3A_234], %add3A_232 {strides = array<i32>} : memref<64x256xi32, #tpu.memory_space<vmem>>, vector<16xi32>,
      %get3A_236 = arith.constant 224 : index
      %get3A_237 = tpu.vector_load %arg8[%get3A_236] {strides = array<i32>} : memref<512xi32, #tpu.memory_space<vmem>>, vector<16xi32>,
      %add3A_238 = vector.broadcast %mul3A_34 : i32 to vector<16xi32>
      %add3A_239 = arith.addi %get3A_237, %add3A_238 : vector<16xi32>
      %swap3A_240 = arith.index_cast %scan3A_30 : i32 to index
      %swap3A_241 = arith.constant 224 : index
      %swap3A_242 = tpu.vector_load %arg10[%swap3A_240, %swap3A_241] {strides = array<i32>} : memref<64x256xi32, #tpu.memory_space<vmem>>, vector<16xi32>,
      tpu.vector_store %arg10[%swap3A_240, %swap3A_241], %add3A_239 {strides = array<i32>} : memref<64x256xi32, #tpu.memory_space<vmem>>, vector<16xi32>,
      %get3A_243 = arith.constant 240 : index
      %get3A_244 = tpu.vector_load %arg7[%get3A_243] {strides = array<i32>} : memref<512xi32, #tpu.memory_space<vmem>>, vector<16xi32>,
      %add3A_245 = vector.broadcast %mul3A_32 : i32 to vector<16xi32>
      %add3A_246 = arith.addi %get3A_244, %add3A_245 : vector<16xi32>
      %swap3A_247 = arith.index_cast %scan3A_30 : i32 to index
      %swap3A_248 = arith.constant 240 : index
      %swap3A_249 = tpu.vector_load %arg9[%swap3A_247, %swap3A_248] {strides = array<i32>} : memref<64x256xi32, #tpu.memory_space<vmem>>, vector<16xi32>,
      tpu.vector_store %arg9[%swap3A_247, %swap3A_248], %add3A_246 {strides = array<i32>} : memref<64x256xi32, #tpu.memory_space<vmem>>, vector<16xi32>,
      %get3A_250 = arith.constant 240 : index
      %get3A_251 = tpu.vector_load %arg8[%get3A_250] {strides = array<i32>} : memref<512xi32, #tpu.memory_space<vmem>>, vector<16xi32>,
      %add3A_252 = vector.broadcast %mul3A_34 : i32 to vector<16xi32>
      %add3A_253 = arith.addi %get3A_251, %add3A_252 : vector<16xi32>
      %swap3A_254 = arith.index_cast %scan3A_30 : i32 to index
      %swap3A_255 = arith.constant 240 : index
      %swap3A_256 = tpu.vector_load %arg10[%swap3A_254, %swap3A_255] {strides = array<i32>} : memref<64x256xi32, #tpu.memory_space<vmem>>, vector<16xi32>,
      tpu.vector_store %arg10[%swap3A_254, %swap3A_255], %add3A_253 {strides = array<i32>} : memref<64x256xi32, #tpu.memory_space<vmem>>, vector<16xi32>,
      %dma_start3A = arith.constant 0 : i32
      %dma_start3A_257 = tpu.memref_slice %arg11[%scan3A_30, %dma_start3A] : memref<64x256xf32, #tpu.memory_space<vmem>> -> memref<1x128xf32, #tpu.memory_space<vmem>>
      %dma_start3A_258 = tpu.memref_squeeze %dma_start3A_257 : memref<1x128xf32, #tpu.memory_space<vmem>> -> memref<128xf32, #tpu.memory_space<vmem>>
      %dma_start3A_259 = arith.constant 0 : i32
      %dma_start3A_260 = tpu.memref_slice %arg9[%scan3A_30, %dma_start3A_259] : memref<64x256xi32, #tpu.memory_space<vmem>> -> memref<1x128xi32, #tpu.memory_space<vmem>>
      %dma_start3A_261 = tpu.memref_squeeze %dma_start3A_260 : memref<1x128xi32, #tpu.memory_space<vmem>> -> memref<128xi32, #tpu.memory_space<vmem>>
      %dma_start3A_262 = arith.constant 0 : i32
      %dma_start3A_263 = tpu.memref_slice %arg4[%dma_start3A_262] : memref<64000000xf32, #tpu.memory_space<hbm>> -> memref<64000000xf32, #tpu.memory_space<hbm>>
      tpu.enqueue_indirect_dma source(%dma_start3A_263 : memref<64000000xf32, #tpu.memory_space<hbm>>) target(%dma_start3A_258 : memref<128xf32, #tpu.memory_space<vmem>>) offsets(%dma_start3A_261 : memref<128xi32, #tpu.memory_space<vmem>>) semaphore(%arg14 : memref<!tpu.dma_semaphore, #tpu.memory_space<semaphore_mem>>)
      %dma_start3A_264 = arith.constant 0 : i32
      %dma_start3A_265 = tpu.memref_slice %arg12[%scan3A_30, %dma_start3A_264] : memref<64x256xf32, #tpu.memory_space<vmem>> -> memref<1x128xf32, #tpu.memory_space<vmem>>
      %dma_start3A_266 = tpu.memref_squeeze %dma_start3A_265 : memref<1x128xf32, #tpu.memory_space<vmem>> -> memref<128xf32, #tpu.memory_space<vmem>>
      %dma_start3A_267 = arith.constant 0 : i32
      %dma_start3A_268 = tpu.memref_slice %arg10[%scan3A_30, %dma_start3A_267] : memref<64x256xi32, #tpu.memory_space<vmem>> -> memref<1x128xi32, #tpu.memory_space<vmem>>
      %dma_start3A_269 = tpu.memref_squeeze %dma_start3A_268 : memref<1x128xi32, #tpu.memory_space<vmem>> -> memref<128xi32, #tpu.memory_space<vmem>>
      %dma_start3A_270 = arith.constant 0 : i32
      %dma_start3A_271 = tpu.memref_slice %arg5[%dma_start3A_270] : memref<6400000xf32, #tpu.memory_space<hbm>> -> memref<6400000xf32, #tpu.memory_space<hbm>>
      tpu.enqueue_indirect_dma source(%dma_start3A_271 : memref<6400000xf32, #tpu.memory_space<hbm>>) target(%dma_start3A_266 : memref<128xf32, #tpu.memory_space<vmem>>) offsets(%dma_start3A_269 : memref<128xi32, #tpu.memory_space<vmem>>) semaphore(%arg15 : memref<!tpu.dma_semaphore, #tpu.memory_space<semaphore_mem>>)
      %dma_start3A_272 = arith.constant 128 : i32
      %dma_start3A_273 = tpu.memref_slice %arg11[%scan3A_30, %dma_start3A_272] : memref<64x256xf32, #tpu.memory_space<vmem>> -> memref<1x128xf32, #tpu.memory_space<vmem>>
      %dma_start3A_274 = tpu.memref_squeeze %dma_start3A_273 : memref<1x128xf32, #tpu.memory_space<vmem>> -> memref<128xf32, #tpu.memory_space<vmem>>
      %dma_start3A_275 = arith.constant 128 : i32
      %dma_start3A_276 = tpu.memref_slice %arg9[%scan3A_30, %dma_start3A_275] : memref<64x256xi32, #tpu.memory_space<vmem>> -> memref<1x128xi32, #tpu.memory_space<vmem>>
      %dma_start3A_277 = tpu.memref_squeeze %dma_start3A_276 : memref<1x128xi32, #tpu.memory_space<vmem>> -> memref<128xi32, #tpu.memory_space<vmem>>
      %dma_start3A_278 = arith.constant 0 : i32
      %dma_start3A_279 = tpu.memref_slice %arg4[%dma_start3A_278] : memref<64000000xf32, #tpu.memory_space<hbm>> -> memref<64000000xf32, #tpu.memory_space<hbm>>
      tpu.enqueue_indirect_dma source(%dma_start3A_279 : memref<64000000xf32, #tpu.memory_space<hbm>>) target(%dma_start3A_274 : memref<128xf32, #tpu.memory_space<vmem>>) offsets(%dma_start3A_277 : memref<128xi32, #tpu.memory_space<vmem>>) semaphore(%arg14 : memref<!tpu.dma_semaphore, #tpu.memory_space<semaphore_mem>>)
      %dma_start3A_280 = arith.constant 128 : i32
      %dma_start3A_281 = tpu.memref_slice %arg12[%scan3A_30, %dma_start3A_280] : memref<64x256xf32, #tpu.memory_space<vmem>> -> memref<1x128xf32, #tpu.memory_space<vmem>>
      %dma_start3A_282 = tpu.memref_squeeze %dma_start3A_281 : memref<1x128xf32, #tpu.memory_space<vmem>> -> memref<128xf32, #tpu.memory_space<vmem>>
      %dma_start3A_283 = arith.constant 128 : i32
      %dma_start3A_284 = tpu.memref_slice %arg10[%scan3A_30, %dma_start3A_283] : memref<64x256xi32, #tpu.memory_space<vmem>> -> memref<1x128xi32, #tpu.memory_space<vmem>>
      %dma_start3A_285 = tpu.memref_squeeze %dma_start3A_284 : memref<1x128xi32, #tpu.memory_space<vmem>> -> memref<128xi32, #tpu.memory_space<vmem>>
      %dma_start3A_286 = arith.constant 0 : i32
      %dma_start3A_287 = tpu.memref_slice %arg5[%dma_start3A_286] : memref<6400000xf32, #tpu.memory_space<hbm>> -> memref<6400000xf32, #tpu.memory_space<hbm>>
      tpu.enqueue_indirect_dma source(%dma_start3A_287 : memref<6400000xf32, #tpu.memory_space<hbm>>) target(%dma_start3A_282 : memref<128xf32, #tpu.memory_space<vmem>>) offsets(%dma_start3A_285 : memref<128xi32, #tpu.memory_space<vmem>>) semaphore(%arg15 : memref<!tpu.dma_semaphore, #tpu.memory_space<semaphore_mem>>)
      %dma_wait3A = arith.constant 0 : i32
      %dma_wait3A_288 = tpu.memref_slice %arg11[%scan3A_30, %dma_wait3A] : memref<64x256xf32, #tpu.memory_space<vmem>> -> memref<1x128xf32, #tpu.memory_space<vmem>>
      %dma_wait3A_289 = tpu.memref_squeeze %dma_wait3A_288 : memref<1x128xf32, #tpu.memory_space<vmem>> -> memref<128xf32, #tpu.memory_space<vmem>>
      %dma_wait3A_290 = arith.constant 0 : i32
      %dma_wait3A_291 = tpu.memref_slice %arg9[%scan3A_30, %dma_wait3A_290] : memref<64x256xi32, #tpu.memory_space<vmem>> -> memref<1x128xi32, #tpu.memory_space<vmem>>
      %dma_wait3A_292 = tpu.memref_squeeze %dma_wait3A_291 : memref<1x128xi32, #tpu.memory_space<vmem>> -> memref<128xi32, #tpu.memory_space<vmem>>
      %dma_wait3A_293 = arith.constant 0 : i32
      %dma_wait3A_294 = tpu.memref_slice %arg4[%dma_wait3A_293] : memref<64000000xf32, #tpu.memory_space<hbm>> -> memref<64000000xf32, #tpu.memory_space<hbm>>
      tpu.wait_indirect_dma semaphore(%arg14 : memref<!tpu.dma_semaphore, #tpu.memory_space<semaphore_mem>>) src(%dma_wait3A_294 : memref<64000000xf32, #tpu.memory_space<hbm>>) dst(%dma_wait3A_289 : memref<128xf32, #tpu.memory_space<vmem>>)
      %dma_wait3A_295 = arith.constant 0 : i32
      %dma_wait3A_296 = tpu.memref_slice %arg12[%scan3A_30, %dma_wait3A_295] : memref<64x256xf32, #tpu.memory_space<vmem>> -> memref<1x128xf32, #tpu.memory_space<vmem>>
      %dma_wait3A_297 = tpu.memref_squeeze %dma_wait3A_296 : memref<1x128xf32, #tpu.memory_space<vmem>> -> memref<128xf32, #tpu.memory_space<vmem>>
      %dma_wait3A_298 = arith.constant 0 : i32
      %dma_wait3A_299 = tpu.memref_slice %arg10[%scan3A_30, %dma_wait3A_298] : memref<64x256xi32, #tpu.memory_space<vmem>> -> memref<1x128xi32, #tpu.memory_space<vmem>>
      %dma_wait3A_300 = tpu.memref_squeeze %dma_wait3A_299 : memref<1x128xi32, #tpu.memory_space<vmem>> -> memref<128xi32, #tpu.memory_space<vmem>>
      %dma_wait3A_301 = arith.constant 0 : i32
      %dma_wait3A_302 = tpu.memref_slice %arg5[%dma_wait3A_301] : memref<6400000xf32, #tpu.memory_space<hbm>> -> memref<6400000xf32, #tpu.memory_space<hbm>>
      tpu.wait_indirect_dma semaphore(%arg15 : memref<!tpu.dma_semaphore, #tpu.memory_space<semaphore_mem>>) src(%dma_wait3A_302 : memref<6400000xf32, #tpu.memory_space<hbm>>) dst(%dma_wait3A_297 : memref<128xf32, #tpu.memory_space<vmem>>)
      %dma_wait3A_303 = arith.constant 128 : i32
      %dma_wait3A_304 = tpu.memref_slice %arg11[%scan3A_30, %dma_wait3A_303] : memref<64x256xf32, #tpu.memory_space<vmem>> -> memref<1x128xf32, #tpu.memory_space<vmem>>
      %dma_wait3A_305 = tpu.memref_squeeze %dma_wait3A_304 : memref<1x128xf32, #tpu.memory_space<vmem>> -> memref<128xf32, #tpu.memory_space<vmem>>
      %dma_wait3A_306 = arith.constant 128 : i32
      %dma_wait3A_307 = tpu.memref_slice %arg9[%scan3A_30, %dma_wait3A_306] : memref<64x256xi32, #tpu.memory_space<vmem>> -> memref<1x128xi32, #tpu.memory_space<vmem>>
      %dma_wait3A_308 = tpu.memref_squeeze %dma_wait3A_307 : memref<1x128xi32, #tpu.memory_space<vmem>> -> memref<128xi32, #tpu.memory_space<vmem>>
      %dma_wait3A_309 = arith.constant 0 : i32
      %dma_wait3A_310 = tpu.memref_slice %arg4[%dma_wait3A_309] : memref<64000000xf32, #tpu.memory_space<hbm>> -> memref<64000000xf32, #tpu.memory_space<hbm>>
      tpu.wait_indirect_dma semaphore(%arg14 : memref<!tpu.dma_semaphore, #tpu.memory_space<semaphore_mem>>) src(%dma_wait3A_310 : memref<64000000xf32, #tpu.memory_space<hbm>>) dst(%dma_wait3A_305 : memref<128xf32, #tpu.memory_space<vmem>>)
      %dma_wait3A_311 = arith.constant 128 : i32
      %dma_wait3A_312 = tpu.memref_slice %arg12[%scan3A_30, %dma_wait3A_311] : memref<64x256xf32, #tpu.memory_space<vmem>> -> memref<1x128xf32, #tpu.memory_space<vmem>>
      %dma_wait3A_313 = tpu.memref_squeeze %dma_wait3A_312 : memref<1x128xf32, #tpu.memory_space<vmem>> -> memref<128xf32, #tpu.memory_space<vmem>>
      %dma_wait3A_314 = arith.constant 128 : i32
      %dma_wait3A_315 = tpu.memref_slice %arg10[%scan3A_30, %dma_wait3A_314] : memref<64x256xi32, #tpu.memory_space<vmem>> -> memref<1x128xi32, #tpu.memory_space<vmem>>
      %dma_wait3A_316 = tpu.memref_squeeze %dma_wait3A_315 : memref<1x128xi32, #tpu.memory_space<vmem>> -> memref<128xi32, #tpu.memory_space<vmem>>
      %dma_wait3A_317 = arith.constant 0 : i32
      %dma_wait3A_318 = tpu.memref_slice %arg5[%dma_wait3A_317] : memref<6400000xf32, #tpu.memory_space<hbm>> -> memref<6400000xf32, #tpu.memory_space<hbm>>
      tpu.wait_indirect_dma semaphore(%arg15 : memref<!tpu.dma_semaphore, #tpu.memory_space<semaphore_mem>>) src(%dma_wait3A_318 : memref<6400000xf32, #tpu.memory_space<hbm>>) dst(%dma_wait3A_313 : memref<128xf32, #tpu.memory_space<vmem>>)
    }
    %scan3A_7 = arith.constant 64 : i32
    %scan3A_8 = arith.constant 0 : i32
    %scan3A_9 = arith.constant 0 : i32
    %scan3A_10 = arith.constant 16 : i32
    %scan3A_11 = arith.addi %scan3A_9, %scan3A_10 : i32
    %scan3A_12 = arith.constant 1 : i32
    scf.for %scan3A_30 = %scan3A_9 to %scan3A_11 step %scan3A_12  : i32 {
      %mul3A_31 = arith.constant 16 : i32
      %mul3A_32 = arith.muli %scan3A_30, %mul3A_31 : i32
      %broadcast_in_dim3A = arith.constant 0.000000e+00 : f32
      %broadcast_in_dim3A_33 = vector.broadcast %broadcast_in_dim3A : f32 to vector<16xf32>
      %get3A = arith.constant 0 : i32
      %get3A_34 = arith.index_cast %get3A : i32 to index
      %get3A_35 = arith.index_cast %mul3A_32 : i32 to index
      %get3A_36 = tpu.vector_load %arg11[%get3A_34, %get3A_35] {strides = array<i32>} : memref<64x256xf32, #tpu.memory_space<vmem>>, vector<16xf32>,
      %get3A_37 = arith.constant 0 : i32
      %get3A_38 = arith.index_cast %get3A_37 : i32 to index
      %get3A_39 = arith.index_cast %mul3A_32 : i32 to index
      %get3A_40 = tpu.vector_load %arg12[%get3A_38, %get3A_39] {strides = array<i32>} : memref<64x256xf32, #tpu.memory_space<vmem>>, vector<16xf32>,
      %mul3A_41 = arith.mulf %get3A_36, %get3A_40 : vector<16xf32>
      %add3A_42 = arith.addf %broadcast_in_dim3A_33, %mul3A_41 : vector<16xf32>
      %get3A_43 = arith.constant 1 : i32
      %get3A_44 = arith.index_cast %get3A_43 : i32 to index
      %get3A_45 = arith.index_cast %mul3A_32 : i32 to index
      %get3A_46 = tpu.vector_load %arg11[%get3A_44, %get3A_45] {strides = array<i32>} : memref<64x256xf32, #tpu.memory_space<vmem>>, vector<16xf32>,
      %get3A_47 = arith.constant 1 : i32
      %get3A_48 = arith.index_cast %get3A_47 : i32 to index
      %get3A_49 = arith.index_cast %mul3A_32 : i32 to index
      %get3A_50 = tpu.vector_load %arg12[%get3A_48, %get3A_49] {strides = array<i32>} : memref<64x256xf32, #tpu.memory_space<vmem>>, vector<16xf32>,
      %mul3A_51 = arith.mulf %get3A_46, %get3A_50 : vector<16xf32>
      %add3A_52 = arith.addf %add3A_42, %mul3A_51 : vector<16xf32>
      %get3A_53 = arith.constant 2 : i32
      %get3A_54 = arith.index_cast %get3A_53 : i32 to index
      %get3A_55 = arith.index_cast %mul3A_32 : i32 to index
      %get3A_56 = tpu.vector_load %arg11[%get3A_54, %get3A_55] {strides = array<i32>} : memref<64x256xf32, #tpu.memory_space<vmem>>, vector<16xf32>,
      %get3A_57 = arith.constant 2 : i32
      %get3A_58 = arith.index_cast %get3A_57 : i32 to index
      %get3A_59 = arith.index_cast %mul3A_32 : i32 to index
      %get3A_60 = tpu.vector_load %arg12[%get3A_58, %get3A_59] {strides = array<i32>} : memref<64x256xf32, #tpu.memory_space<vmem>>, vector<16xf32>,
      %mul3A_61 = arith.mulf %get3A_56, %get3A_60 : vector<16xf32>
      %add3A_62 = arith.addf %add3A_52, %mul3A_61 : vector<16xf32>
      %get3A_63 = arith.constant 3 : i32
      %get3A_64 = arith.index_cast %get3A_63 : i32 to index
      %get3A_65 = arith.index_cast %mul3A_32 : i32 to index
      %get3A_66 = tpu.vector_load %arg11[%get3A_64, %get3A_65] {strides = array<i32>} : memref<64x256xf32, #tpu.memory_space<vmem>>, vector<16xf32>,
      %get3A_67 = arith.constant 3 : i32
      %get3A_68 = arith.index_cast %get3A_67 : i32 to index
      %get3A_69 = arith.index_cast %mul3A_32 : i32 to index
      %get3A_70 = tpu.vector_load %arg12[%get3A_68, %get3A_69] {strides = array<i32>} : memref<64x256xf32, #tpu.memory_space<vmem>>, vector<16xf32>,
      %mul3A_71 = arith.mulf %get3A_66, %get3A_70 : vector<16xf32>
      %add3A_72 = arith.addf %add3A_62, %mul3A_71 : vector<16xf32>
      %get3A_73 = arith.constant 4 : i32
      %get3A_74 = arith.index_cast %get3A_73 : i32 to index
      %get3A_75 = arith.index_cast %mul3A_32 : i32 to index
      %get3A_76 = tpu.vector_load %arg11[%get3A_74, %get3A_75] {strides = array<i32>} : memref<64x256xf32, #tpu.memory_space<vmem>>, vector<16xf32>,
      %get3A_77 = arith.constant 4 : i32
      %get3A_78 = arith.index_cast %get3A_77 : i32 to index
      %get3A_79 = arith.index_cast %mul3A_32 : i32 to index
      %get3A_80 = tpu.vector_load %arg12[%get3A_78, %get3A_79] {strides = array<i32>} : memref<64x256xf32, #tpu.memory_space<vmem>>, vector<16xf32>,
      %mul3A_81 = arith.mulf %get3A_76, %get3A_80 : vector<16xf32>
      %add3A_82 = arith.addf %add3A_72, %mul3A_81 : vector<16xf32>
      %get3A_83 = arith.constant 5 : i32
      %get3A_84 = arith.index_cast %get3A_83 : i32 to index
      %get3A_85 = arith.index_cast %mul3A_32 : i32 to index
      %get3A_86 = tpu.vector_load %arg11[%get3A_84, %get3A_85] {strides = array<i32>} : memref<64x256xf32, #tpu.memory_space<vmem>>, vector<16xf32>,
      %get3A_87 = arith.constant 5 : i32
      %get3A_88 = arith.index_cast %get3A_87 : i32 to index
      %get3A_89 = arith.index_cast %mul3A_32 : i32 to index
      %get3A_90 = tpu.vector_load %arg12[%get3A_88, %get3A_89] {strides = array<i32>} : memref<64x256xf32, #tpu.memory_space<vmem>>, vector<16xf32>,
      %mul3A_91 = arith.mulf %get3A_86, %get3A_90 : vector<16xf32>
      %add3A_92 = arith.addf %add3A_82, %mul3A_91 : vector<16xf32>
      %get3A_93 = arith.constant 6 : i32
      %get3A_94 = arith.index_cast %get3A_93 : i32 to index
      %get3A_95 = arith.index_cast %mul3A_32 : i32 to index
      %get3A_96 = tpu.vector_load %arg11[%get3A_94, %get3A_95] {strides = array<i32>} : memref<64x256xf32, #tpu.memory_space<vmem>>, vector<16xf32>,
      %get3A_97 = arith.constant 6 : i32
      %get3A_98 = arith.index_cast %get3A_97 : i32 to index
      %get3A_99 = arith.index_cast %mul3A_32 : i32 to index
      %get3A_100 = tpu.vector_load %arg12[%get3A_98, %get3A_99] {strides = array<i32>} : memref<64x256xf32, #tpu.memory_space<vmem>>, vector<16xf32>,
      %mul3A_101 = arith.mulf %get3A_96, %get3A_100 : vector<16xf32>
      %add3A_102 = arith.addf %add3A_92, %mul3A_101 : vector<16xf32>
      %get3A_103 = arith.constant 7 : i32
      %get3A_104 = arith.index_cast %get3A_103 : i32 to index
      %get3A_105 = arith.index_cast %mul3A_32 : i32 to index
      %get3A_106 = tpu.vector_load %arg11[%get3A_104, %get3A_105] {strides = array<i32>} : memref<64x256xf32, #tpu.memory_space<vmem>>, vector<16xf32>,
      %get3A_107 = arith.constant 7 : i32
      %get3A_108 = arith.index_cast %get3A_107 : i32 to index
      %get3A_109 = arith.index_cast %mul3A_32 : i32 to index
      %get3A_110 = tpu.vector_load %arg12[%get3A_108, %get3A_109] {strides = array<i32>} : memref<64x256xf32, #tpu.memory_space<vmem>>, vector<16xf32>,
      %mul3A_111 = arith.mulf %get3A_106, %get3A_110 : vector<16xf32>
      %add3A_112 = arith.addf %add3A_102, %mul3A_111 : vector<16xf32>
      %get3A_113 = arith.constant 8 : i32
      %get3A_114 = arith.index_cast %get3A_113 : i32 to index
      %get3A_115 = arith.index_cast %mul3A_32 : i32 to index
      %get3A_116 = tpu.vector_load %arg11[%get3A_114, %get3A_115] {strides = array<i32>} : memref<64x256xf32, #tpu.memory_space<vmem>>, vector<16xf32>,
      %get3A_117 = arith.constant 8 : i32
      %get3A_118 = arith.index_cast %get3A_117 : i32 to index
      %get3A_119 = arith.index_cast %mul3A_32 : i32 to index
      %get3A_120 = tpu.vector_load %arg12[%get3A_118, %get3A_119] {strides = array<i32>} : memref<64x256xf32, #tpu.memory_space<vmem>>, vector<16xf32>,
      %mul3A_121 = arith.mulf %get3A_116, %get3A_120 : vector<16xf32>
      %add3A_122 = arith.addf %add3A_112, %mul3A_121 : vector<16xf32>
      %get3A_123 = arith.constant 9 : i32
      %get3A_124 = arith.index_cast %get3A_123 : i32 to index
      %get3A_125 = arith.index_cast %mul3A_32 : i32 to index
      %get3A_126 = tpu.vector_load %arg11[%get3A_124, %get3A_125] {strides = array<i32>} : memref<64x256xf32, #tpu.memory_space<vmem>>, vector<16xf32>,
      %get3A_127 = arith.constant 9 : i32
      %get3A_128 = arith.index_cast %get3A_127 : i32 to index
      %get3A_129 = arith.index_cast %mul3A_32 : i32 to index
      %get3A_130 = tpu.vector_load %arg12[%get3A_128, %get3A_129] {strides = array<i32>} : memref<64x256xf32, #tpu.memory_space<vmem>>, vector<16xf32>,
      %mul3A_131 = arith.mulf %get3A_126, %get3A_130 : vector<16xf32>
      %add3A_132 = arith.addf %add3A_122, %mul3A_131 : vector<16xf32>
      %get3A_133 = arith.constant 10 : i32
      %get3A_134 = arith.index_cast %get3A_133 : i32 to index
      %get3A_135 = arith.index_cast %mul3A_32 : i32 to index
      %get3A_136 = tpu.vector_load %arg11[%get3A_134, %get3A_135] {strides = array<i32>} : memref<64x256xf32, #tpu.memory_space<vmem>>, vector<16xf32>,
      %get3A_137 = arith.constant 10 : i32
      %get3A_138 = arith.index_cast %get3A_137 : i32 to index
      %get3A_139 = arith.index_cast %mul3A_32 : i32 to index
      %get3A_140 = tpu.vector_load %arg12[%get3A_138, %get3A_139] {strides = array<i32>} : memref<64x256xf32, #tpu.memory_space<vmem>>, vector<16xf32>,
      %mul3A_141 = arith.mulf %get3A_136, %get3A_140 : vector<16xf32>
      %add3A_142 = arith.addf %add3A_132, %mul3A_141 : vector<16xf32>
      %get3A_143 = arith.constant 11 : i32
      %get3A_144 = arith.index_cast %get3A_143 : i32 to index
      %get3A_145 = arith.index_cast %mul3A_32 : i32 to index
      %get3A_146 = tpu.vector_load %arg11[%get3A_144, %get3A_145] {strides = array<i32>} : memref<64x256xf32, #tpu.memory_space<vmem>>, vector<16xf32>,
      %get3A_147 = arith.constant 11 : i32
      %get3A_148 = arith.index_cast %get3A_147 : i32 to index
      %get3A_149 = arith.index_cast %mul3A_32 : i32 to index
      %get3A_150 = tpu.vector_load %arg12[%get3A_148, %get3A_149] {strides = array<i32>} : memref<64x256xf32, #tpu.memory_space<vmem>>, vector<16xf32>,
      %mul3A_151 = arith.mulf %get3A_146, %get3A_150 : vector<16xf32>
      %add3A_152 = arith.addf %add3A_142, %mul3A_151 : vector<16xf32>
      %get3A_153 = arith.constant 12 : i32
      %get3A_154 = arith.index_cast %get3A_153 : i32 to index
      %get3A_155 = arith.index_cast %mul3A_32 : i32 to index
      %get3A_156 = tpu.vector_load %arg11[%get3A_154, %get3A_155] {strides = array<i32>} : memref<64x256xf32, #tpu.memory_space<vmem>>, vector<16xf32>,
      %get3A_157 = arith.constant 12 : i32
      %get3A_158 = arith.index_cast %get3A_157 : i32 to index
      %get3A_159 = arith.index_cast %mul3A_32 : i32 to index
      %get3A_160 = tpu.vector_load %arg12[%get3A_158, %get3A_159] {strides = array<i32>} : memref<64x256xf32, #tpu.memory_space<vmem>>, vector<16xf32>,
      %mul3A_161 = arith.mulf %get3A_156, %get3A_160 : vector<16xf32>
      %add3A_162 = arith.addf %add3A_152, %mul3A_161 : vector<16xf32>
      %get3A_163 = arith.constant 13 : i32
      %get3A_164 = arith.index_cast %get3A_163 : i32 to index
      %get3A_165 = arith.index_cast %mul3A_32 : i32 to index
      %get3A_166 = tpu.vector_load %arg11[%get3A_164, %get3A_165] {strides = array<i32>} : memref<64x256xf32, #tpu.memory_space<vmem>>, vector<16xf32>,
      %get3A_167 = arith.constant 13 : i32
      %get3A_168 = arith.index_cast %get3A_167 : i32 to index
      %get3A_169 = arith.index_cast %mul3A_32 : i32 to index
      %get3A_170 = tpu.vector_load %arg12[%get3A_168, %get3A_169] {strides = array<i32>} : memref<64x256xf32, #tpu.memory_space<vmem>>, vector<16xf32>,
      %mul3A_171 = arith.mulf %get3A_166, %get3A_170 : vector<16xf32>
      %add3A_172 = arith.addf %add3A_162, %mul3A_171 : vector<16xf32>
      %get3A_173 = arith.constant 14 : i32
      %get3A_174 = arith.index_cast %get3A_173 : i32 to index
      %get3A_175 = arith.index_cast %mul3A_32 : i32 to index
      %get3A_176 = tpu.vector_load %arg11[%get3A_174, %get3A_175] {strides = array<i32>} : memref<64x256xf32, #tpu.memory_space<vmem>>, vector<16xf32>,
      %get3A_177 = arith.constant 14 : i32
      %get3A_178 = arith.index_cast %get3A_177 : i32 to index
      %get3A_179 = arith.index_cast %mul3A_32 : i32 to index
      %get3A_180 = tpu.vector_load %arg12[%get3A_178, %get3A_179] {strides = array<i32>} : memref<64x256xf32, #tpu.memory_space<vmem>>, vector<16xf32>,
      %mul3A_181 = arith.mulf %get3A_176, %get3A_180 : vector<16xf32>
      %add3A_182 = arith.addf %add3A_172, %mul3A_181 : vector<16xf32>
      %get3A_183 = arith.constant 15 : i32
      %get3A_184 = arith.index_cast %get3A_183 : i32 to index
      %get3A_185 = arith.index_cast %mul3A_32 : i32 to index
      %get3A_186 = tpu.vector_load %arg11[%get3A_184, %get3A_185] {strides = array<i32>} : memref<64x256xf32, #tpu.memory_space<vmem>>, vector<16xf32>,
      %get3A_187 = arith.constant 15 : i32
      %get3A_188 = arith.index_cast %get3A_187 : i32 to index
      %get3A_189 = arith.index_cast %mul3A_32 : i32 to index
      %get3A_190 = tpu.vector_load %arg12[%get3A_188, %get3A_189] {strides = array<i32>} : memref<64x256xf32, #tpu.memory_space<vmem>>, vector<16xf32>,
      %mul3A_191 = arith.mulf %get3A_186, %get3A_190 : vector<16xf32>
      %add3A_192 = arith.addf %add3A_182, %mul3A_191 : vector<16xf32>
      %get3A_193 = arith.constant 16 : i32
      %get3A_194 = arith.index_cast %get3A_193 : i32 to index
      %get3A_195 = arith.index_cast %mul3A_32 : i32 to index
      %get3A_196 = tpu.vector_load %arg11[%get3A_194, %get3A_195] {strides = array<i32>} : memref<64x256xf32, #tpu.memory_space<vmem>>, vector<16xf32>,
      %get3A_197 = arith.constant 16 : i32
      %get3A_198 = arith.index_cast %get3A_197 : i32 to index
      %get3A_199 = arith.index_cast %mul3A_32 : i32 to index
      %get3A_200 = tpu.vector_load %arg12[%get3A_198, %get3A_199] {strides = array<i32>} : memref<64x256xf32, #tpu.memory_space<vmem>>, vector<16xf32>,
      %mul3A_201 = arith.mulf %get3A_196, %get3A_200 : vector<16xf32>
      %add3A_202 = arith.addf %add3A_192, %mul3A_201 : vector<16xf32>
      %get3A_203 = arith.constant 17 : i32
      %get3A_204 = arith.index_cast %get3A_203 : i32 to index
      %get3A_205 = arith.index_cast %mul3A_32 : i32 to index
      %get3A_206 = tpu.vector_load %arg11[%get3A_204, %get3A_205] {strides = array<i32>} : memref<64x256xf32, #tpu.memory_space<vmem>>, vector<16xf32>,
      %get3A_207 = arith.constant 17 : i32
      %get3A_208 = arith.index_cast %get3A_207 : i32 to index
      %get3A_209 = arith.index_cast %mul3A_32 : i32 to index
      %get3A_210 = tpu.vector_load %arg12[%get3A_208, %get3A_209] {strides = array<i32>} : memref<64x256xf32, #tpu.memory_space<vmem>>, vector<16xf32>,
      %mul3A_211 = arith.mulf %get3A_206, %get3A_210 : vector<16xf32>
      %add3A_212 = arith.addf %add3A_202, %mul3A_211 : vector<16xf32>
      %get3A_213 = arith.constant 18 : i32
      %get3A_214 = arith.index_cast %get3A_213 : i32 to index
      %get3A_215 = arith.index_cast %mul3A_32 : i32 to index
      %get3A_216 = tpu.vector_load %arg11[%get3A_214, %get3A_215] {strides = array<i32>} : memref<64x256xf32, #tpu.memory_space<vmem>>, vector<16xf32>,
      %get3A_217 = arith.constant 18 : i32
      %get3A_218 = arith.index_cast %get3A_217 : i32 to index
      %get3A_219 = arith.index_cast %mul3A_32 : i32 to index
      %get3A_220 = tpu.vector_load %arg12[%get3A_218, %get3A_219] {strides = array<i32>} : memref<64x256xf32, #tpu.memory_space<vmem>>, vector<16xf32>,
      %mul3A_221 = arith.mulf %get3A_216, %get3A_220 : vector<16xf32>
      %add3A_222 = arith.addf %add3A_212, %mul3A_221 : vector<16xf32>
      %get3A_223 = arith.constant 19 : i32
      %get3A_224 = arith.index_cast %get3A_223 : i32 to index
      %get3A_225 = arith.index_cast %mul3A_32 : i32 to index
      %get3A_226 = tpu.vector_load %arg11[%get3A_224, %get3A_225] {strides = array<i32>} : memref<64x256xf32, #tpu.memory_space<vmem>>, vector<16xf32>,
      %get3A_227 = arith.constant 19 : i32
      %get3A_228 = arith.index_cast %get3A_227 : i32 to index
      %get3A_229 = arith.index_cast %mul3A_32 : i32 to index
      %get3A_230 = tpu.vector_load %arg12[%get3A_228, %get3A_229] {strides = array<i32>} : memref<64x256xf32, #tpu.memory_space<vmem>>, vector<16xf32>,
      %mul3A_231 = arith.mulf %get3A_226, %get3A_230 : vector<16xf32>
      %add3A_232 = arith.addf %add3A_222, %mul3A_231 : vector<16xf32>
      %get3A_233 = arith.constant 20 : i32
      %get3A_234 = arith.index_cast %get3A_233 : i32 to index
      %get3A_235 = arith.index_cast %mul3A_32 : i32 to index
      %get3A_236 = tpu.vector_load %arg11[%get3A_234, %get3A_235] {strides = array<i32>} : memref<64x256xf32, #tpu.memory_space<vmem>>, vector<16xf32>,
      %get3A_237 = arith.constant 20 : i32
      %get3A_238 = arith.index_cast %get3A_237 : i32 to index
      %get3A_239 = arith.index_cast %mul3A_32 : i32 to index
      %get3A_240 = tpu.vector_load %arg12[%get3A_238, %get3A_239] {strides = array<i32>} : memref<64x256xf32, #tpu.memory_space<vmem>>, vector<16xf32>,
      %mul3A_241 = arith.mulf %get3A_236, %get3A_240 : vector<16xf32>
      %add3A_242 = arith.addf %add3A_232, %mul3A_241 : vector<16xf32>
      %get3A_243 = arith.constant 21 : i32
      %get3A_244 = arith.index_cast %get3A_243 : i32 to index
      %get3A_245 = arith.index_cast %mul3A_32 : i32 to index
      %get3A_246 = tpu.vector_load %arg11[%get3A_244, %get3A_245] {strides = array<i32>} : memref<64x256xf32, #tpu.memory_space<vmem>>, vector<16xf32>,
      %get3A_247 = arith.constant 21 : i32
      %get3A_248 = arith.index_cast %get3A_247 : i32 to index
      %get3A_249 = arith.index_cast %mul3A_32 : i32 to index
      %get3A_250 = tpu.vector_load %arg12[%get3A_248, %get3A_249] {strides = array<i32>} : memref<64x256xf32, #tpu.memory_space<vmem>>, vector<16xf32>,
      %mul3A_251 = arith.mulf %get3A_246, %get3A_250 : vector<16xf32>
      %add3A_252 = arith.addf %add3A_242, %mul3A_251 : vector<16xf32>
      %get3A_253 = arith.constant 22 : i32
      %get3A_254 = arith.index_cast %get3A_253 : i32 to index
      %get3A_255 = arith.index_cast %mul3A_32 : i32 to index
      %get3A_256 = tpu.vector_load %arg11[%get3A_254, %get3A_255] {strides = array<i32>} : memref<64x256xf32, #tpu.memory_space<vmem>>, vector<16xf32>,
      %get3A_257 = arith.constant 22 : i32
      %get3A_258 = arith.index_cast %get3A_257 : i32 to index
      %get3A_259 = arith.index_cast %mul3A_32 : i32 to index
      %get3A_260 = tpu.vector_load %arg12[%get3A_258, %get3A_259] {strides = array<i32>} : memref<64x256xf32, #tpu.memory_space<vmem>>, vector<16xf32>,
      %mul3A_261 = arith.mulf %get3A_256, %get3A_260 : vector<16xf32>
      %add3A_262 = arith.addf %add3A_252, %mul3A_261 : vector<16xf32>
      %get3A_263 = arith.constant 23 : i32
      %get3A_264 = arith.index_cast %get3A_263 : i32 to index
      %get3A_265 = arith.index_cast %mul3A_32 : i32 to index
      %get3A_266 = tpu.vector_load %arg11[%get3A_264, %get3A_265] {strides = array<i32>} : memref<64x256xf32, #tpu.memory_space<vmem>>, vector<16xf32>,
      %get3A_267 = arith.constant 23 : i32
      %get3A_268 = arith.index_cast %get3A_267 : i32 to index
      %get3A_269 = arith.index_cast %mul3A_32 : i32 to index
      %get3A_270 = tpu.vector_load %arg12[%get3A_268, %get3A_269] {strides = array<i32>} : memref<64x256xf32, #tpu.memory_space<vmem>>, vector<16xf32>,
      %mul3A_271 = arith.mulf %get3A_266, %get3A_270 : vector<16xf32>
      %add3A_272 = arith.addf %add3A_262, %mul3A_271 : vector<16xf32>
      %get3A_273 = arith.constant 24 : i32
      %get3A_274 = arith.index_cast %get3A_273 : i32 to index
      %get3A_275 = arith.index_cast %mul3A_32 : i32 to index
      %get3A_276 = tpu.vector_load %arg11[%get3A_274, %get3A_275] {strides = array<i32>} : memref<64x256xf32, #tpu.memory_space<vmem>>, vector<16xf32>,
      %get3A_277 = arith.constant 24 : i32
      %get3A_278 = arith.index_cast %get3A_277 : i32 to index
      %get3A_279 = arith.index_cast %mul3A_32 : i32 to index
      %get3A_280 = tpu.vector_load %arg12[%get3A_278, %get3A_279] {strides = array<i32>} : memref<64x256xf32, #tpu.memory_space<vmem>>, vector<16xf32>,
      %mul3A_281 = arith.mulf %get3A_276, %get3A_280 : vector<16xf32>
      %add3A_282 = arith.addf %add3A_272, %mul3A_281 : vector<16xf32>
      %get3A_283 = arith.constant 25 : i32
      %get3A_284 = arith.index_cast %get3A_283 : i32 to index
      %get3A_285 = arith.index_cast %mul3A_32 : i32 to index
      %get3A_286 = tpu.vector_load %arg11[%get3A_284, %get3A_285] {strides = array<i32>} : memref<64x256xf32, #tpu.memory_space<vmem>>, vector<16xf32>,
      %get3A_287 = arith.constant 25 : i32
      %get3A_288 = arith.index_cast %get3A_287 : i32 to index
      %get3A_289 = arith.index_cast %mul3A_32 : i32 to index
      %get3A_290 = tpu.vector_load %arg12[%get3A_288, %get3A_289] {strides = array<i32>} : memref<64x256xf32, #tpu.memory_space<vmem>>, vector<16xf32>,
      %mul3A_291 = arith.mulf %get3A_286, %get3A_290 : vector<16xf32>
      %add3A_292 = arith.addf %add3A_282, %mul3A_291 : vector<16xf32>
      %get3A_293 = arith.constant 26 : i32
      %get3A_294 = arith.index_cast %get3A_293 : i32 to index
      %get3A_295 = arith.index_cast %mul3A_32 : i32 to index
      %get3A_296 = tpu.vector_load %arg11[%get3A_294, %get3A_295] {strides = array<i32>} : memref<64x256xf32, #tpu.memory_space<vmem>>, vector<16xf32>,
      %get3A_297 = arith.constant 26 : i32
      %get3A_298 = arith.index_cast %get3A_297 : i32 to index
      %get3A_299 = arith.index_cast %mul3A_32 : i32 to index
      %get3A_300 = tpu.vector_load %arg12[%get3A_298, %get3A_299] {strides = array<i32>} : memref<64x256xf32, #tpu.memory_space<vmem>>, vector<16xf32>,
      %mul3A_301 = arith.mulf %get3A_296, %get3A_300 : vector<16xf32>
      %add3A_302 = arith.addf %add3A_292, %mul3A_301 : vector<16xf32>
      %get3A_303 = arith.constant 27 : i32
      %get3A_304 = arith.index_cast %get3A_303 : i32 to index
      %get3A_305 = arith.index_cast %mul3A_32 : i32 to index
      %get3A_306 = tpu.vector_load %arg11[%get3A_304, %get3A_305] {strides = array<i32>} : memref<64x256xf32, #tpu.memory_space<vmem>>, vector<16xf32>,
      %get3A_307 = arith.constant 27 : i32
      %get3A_308 = arith.index_cast %get3A_307 : i32 to index
      %get3A_309 = arith.index_cast %mul3A_32 : i32 to index
      %get3A_310 = tpu.vector_load %arg12[%get3A_308, %get3A_309] {strides = array<i32>} : memref<64x256xf32, #tpu.memory_space<vmem>>, vector<16xf32>,
      %mul3A_311 = arith.mulf %get3A_306, %get3A_310 : vector<16xf32>
      %add3A_312 = arith.addf %add3A_302, %mul3A_311 : vector<16xf32>
      %get3A_313 = arith.constant 28 : i32
      %get3A_314 = arith.index_cast %get3A_313 : i32 to index
      %get3A_315 = arith.index_cast %mul3A_32 : i32 to index
      %get3A_316 = tpu.vector_load %arg11[%get3A_314, %get3A_315] {strides = array<i32>} : memref<64x256xf32, #tpu.memory_space<vmem>>, vector<16xf32>,
      %get3A_317 = arith.constant 28 : i32
      %get3A_318 = arith.index_cast %get3A_317 : i32 to index
      %get3A_319 = arith.index_cast %mul3A_32 : i32 to index
      %get3A_320 = tpu.vector_load %arg12[%get3A_318, %get3A_319] {strides = array<i32>} : memref<64x256xf32, #tpu.memory_space<vmem>>, vector<16xf32>,
      %mul3A_321 = arith.mulf %get3A_316, %get3A_320 : vector<16xf32>
      %add3A_322 = arith.addf %add3A_312, %mul3A_321 : vector<16xf32>
      %get3A_323 = arith.constant 29 : i32
      %get3A_324 = arith.index_cast %get3A_323 : i32 to index
      %get3A_325 = arith.index_cast %mul3A_32 : i32 to index
      %get3A_326 = tpu.vector_load %arg11[%get3A_324, %get3A_325] {strides = array<i32>} : memref<64x256xf32, #tpu.memory_space<vmem>>, vector<16xf32>,
      %get3A_327 = arith.constant 29 : i32
      %get3A_328 = arith.index_cast %get3A_327 : i32 to index
      %get3A_329 = arith.index_cast %mul3A_32 : i32 to index
      %get3A_330 = tpu.vector_load %arg12[%get3A_328, %get3A_329] {strides = array<i32>} : memref<64x256xf32, #tpu.memory_space<vmem>>, vector<16xf32>,
      %mul3A_331 = arith.mulf %get3A_326, %get3A_330 : vector<16xf32>
      %add3A_332 = arith.addf %add3A_322, %mul3A_331 : vector<16xf32>
      %get3A_333 = arith.constant 30 : i32
      %get3A_334 = arith.index_cast %get3A_333 : i32 to index
      %get3A_335 = arith.index_cast %mul3A_32 : i32 to index
      %get3A_336 = tpu.vector_load %arg11[%get3A_334, %get3A_335] {strides = array<i32>} : memref<64x256xf32, #tpu.memory_space<vmem>>, vector<16xf32>,
      %get3A_337 = arith.constant 30 : i32
      %get3A_338 = arith.index_cast %get3A_337 : i32 to index
      %get3A_339 = arith.index_cast %mul3A_32 : i32 to index
      %get3A_340 = tpu.vector_load %arg12[%get3A_338, %get3A_339] {strides = array<i32>} : memref<64x256xf32, #tpu.memory_space<vmem>>, vector<16xf32>,
      %mul3A_341 = arith.mulf %get3A_336, %get3A_340 : vector<16xf32>
      %add3A_342 = arith.addf %add3A_332, %mul3A_341 : vector<16xf32>
      %get3A_343 = arith.constant 31 : i32
      %get3A_344 = arith.index_cast %get3A_343 : i32 to index
      %get3A_345 = arith.index_cast %mul3A_32 : i32 to index
      %get3A_346 = tpu.vector_load %arg11[%get3A_344, %get3A_345] {strides = array<i32>} : memref<64x256xf32, #tpu.memory_space<vmem>>, vector<16xf32>,
      %get3A_347 = arith.constant 31 : i32
      %get3A_348 = arith.index_cast %get3A_347 : i32 to index
      %get3A_349 = arith.index_cast %mul3A_32 : i32 to index
      %get3A_350 = tpu.vector_load %arg12[%get3A_348, %get3A_349] {strides = array<i32>} : memref<64x256xf32, #tpu.memory_space<vmem>>, vector<16xf32>,
      %mul3A_351 = arith.mulf %get3A_346, %get3A_350 : vector<16xf32>
      %add3A_352 = arith.addf %add3A_342, %mul3A_351 : vector<16xf32>
      %get3A_353 = arith.constant 32 : i32
      %get3A_354 = arith.index_cast %get3A_353 : i32 to index
      %get3A_355 = arith.index_cast %mul3A_32 : i32 to index
      %get3A_356 = tpu.vector_load %arg11[%get3A_354, %get3A_355] {strides = array<i32>} : memref<64x256xf32, #tpu.memory_space<vmem>>, vector<16xf32>,
      %get3A_357 = arith.constant 32 : i32
      %get3A_358 = arith.index_cast %get3A_357 : i32 to index
      %get3A_359 = arith.index_cast %mul3A_32 : i32 to index
      %get3A_360 = tpu.vector_load %arg12[%get3A_358, %get3A_359] {strides = array<i32>} : memref<64x256xf32, #tpu.memory_space<vmem>>, vector<16xf32>,
      %mul3A_361 = arith.mulf %get3A_356, %get3A_360 : vector<16xf32>
      %add3A_362 = arith.addf %add3A_352, %mul3A_361 : vector<16xf32>
      %get3A_363 = arith.constant 33 : i32
      %get3A_364 = arith.index_cast %get3A_363 : i32 to index
      %get3A_365 = arith.index_cast %mul3A_32 : i32 to index
      %get3A_366 = tpu.vector_load %arg11[%get3A_364, %get3A_365] {strides = array<i32>} : memref<64x256xf32, #tpu.memory_space<vmem>>, vector<16xf32>,
      %get3A_367 = arith.constant 33 : i32
      %get3A_368 = arith.index_cast %get3A_367 : i32 to index
      %get3A_369 = arith.index_cast %mul3A_32 : i32 to index
      %get3A_370 = tpu.vector_load %arg12[%get3A_368, %get3A_369] {strides = array<i32>} : memref<64x256xf32, #tpu.memory_space<vmem>>, vector<16xf32>,
      %mul3A_371 = arith.mulf %get3A_366, %get3A_370 : vector<16xf32>
      %add3A_372 = arith.addf %add3A_362, %mul3A_371 : vector<16xf32>
      %get3A_373 = arith.constant 34 : i32
      %get3A_374 = arith.index_cast %get3A_373 : i32 to index
      %get3A_375 = arith.index_cast %mul3A_32 : i32 to index
      %get3A_376 = tpu.vector_load %arg11[%get3A_374, %get3A_375] {strides = array<i32>} : memref<64x256xf32, #tpu.memory_space<vmem>>, vector<16xf32>,
      %get3A_377 = arith.constant 34 : i32
      %get3A_378 = arith.index_cast %get3A_377 : i32 to index
      %get3A_379 = arith.index_cast %mul3A_32 : i32 to index
      %get3A_380 = tpu.vector_load %arg12[%get3A_378, %get3A_379] {strides = array<i32>} : memref<64x256xf32, #tpu.memory_space<vmem>>, vector<16xf32>,
      %mul3A_381 = arith.mulf %get3A_376, %get3A_380 : vector<16xf32>
      %add3A_382 = arith.addf %add3A_372, %mul3A_381 : vector<16xf32>
      %get3A_383 = arith.constant 35 : i32
      %get3A_384 = arith.index_cast %get3A_383 : i32 to index
      %get3A_385 = arith.index_cast %mul3A_32 : i32 to index
      %get3A_386 = tpu.vector_load %arg11[%get3A_384, %get3A_385] {strides = array<i32>} : memref<64x256xf32, #tpu.memory_space<vmem>>, vector<16xf32>,
      %get3A_387 = arith.constant 35 : i32
      %get3A_388 = arith.index_cast %get3A_387 : i32 to index
      %get3A_389 = arith.index_cast %mul3A_32 : i32 to index
      %get3A_390 = tpu.vector_load %arg12[%get3A_388, %get3A_389] {strides = array<i32>} : memref<64x256xf32, #tpu.memory_space<vmem>>, vector<16xf32>,
      %mul3A_391 = arith.mulf %get3A_386, %get3A_390 : vector<16xf32>
      %add3A_392 = arith.addf %add3A_382, %mul3A_391 : vector<16xf32>
      %get3A_393 = arith.constant 36 : i32
      %get3A_394 = arith.index_cast %get3A_393 : i32 to index
      %get3A_395 = arith.index_cast %mul3A_32 : i32 to index
      %get3A_396 = tpu.vector_load %arg11[%get3A_394, %get3A_395] {strides = array<i32>} : memref<64x256xf32, #tpu.memory_space<vmem>>, vector<16xf32>,
      %get3A_397 = arith.constant 36 : i32
      %get3A_398 = arith.index_cast %get3A_397 : i32 to index
      %get3A_399 = arith.index_cast %mul3A_32 : i32 to index
      %get3A_400 = tpu.vector_load %arg12[%get3A_398, %get3A_399] {strides = array<i32>} : memref<64x256xf32, #tpu.memory_space<vmem>>, vector<16xf32>,
      %mul3A_401 = arith.mulf %get3A_396, %get3A_400 : vector<16xf32>
      %add3A_402 = arith.addf %add3A_392, %mul3A_401 : vector<16xf32>
      %get3A_403 = arith.constant 37 : i32
      %get3A_404 = arith.index_cast %get3A_403 : i32 to index
      %get3A_405 = arith.index_cast %mul3A_32 : i32 to index
      %get3A_406 = tpu.vector_load %arg11[%get3A_404, %get3A_405] {strides = array<i32>} : memref<64x256xf32, #tpu.memory_space<vmem>>, vector<16xf32>,
      %get3A_407 = arith.constant 37 : i32
      %get3A_408 = arith.index_cast %get3A_407 : i32 to index
      %get3A_409 = arith.index_cast %mul3A_32 : i32 to index
      %get3A_410 = tpu.vector_load %arg12[%get3A_408, %get3A_409] {strides = array<i32>} : memref<64x256xf32, #tpu.memory_space<vmem>>, vector<16xf32>,
      %mul3A_411 = arith.mulf %get3A_406, %get3A_410 : vector<16xf32>
      %add3A_412 = arith.addf %add3A_402, %mul3A_411 : vector<16xf32>
      %get3A_413 = arith.constant 38 : i32
      %get3A_414 = arith.index_cast %get3A_413 : i32 to index
      %get3A_415 = arith.index_cast %mul3A_32 : i32 to index
      %get3A_416 = tpu.vector_load %arg11[%get3A_414, %get3A_415] {strides = array<i32>} : memref<64x256xf32, #tpu.memory_space<vmem>>, vector<16xf32>,
      %get3A_417 = arith.constant 38 : i32
      %get3A_418 = arith.index_cast %get3A_417 : i32 to index
      %get3A_419 = arith.index_cast %mul3A_32 : i32 to index
      %get3A_420 = tpu.vector_load %arg12[%get3A_418, %get3A_419] {strides = array<i32>} : memref<64x256xf32, #tpu.memory_space<vmem>>, vector<16xf32>,
      %mul3A_421 = arith.mulf %get3A_416, %get3A_420 : vector<16xf32>
      %add3A_422 = arith.addf %add3A_412, %mul3A_421 : vector<16xf32>
      %get3A_423 = arith.constant 39 : i32
      %get3A_424 = arith.index_cast %get3A_423 : i32 to index
      %get3A_425 = arith.index_cast %mul3A_32 : i32 to index
      %get3A_426 = tpu.vector_load %arg11[%get3A_424, %get3A_425] {strides = array<i32>} : memref<64x256xf32, #tpu.memory_space<vmem>>, vector<16xf32>,
      %get3A_427 = arith.constant 39 : i32
      %get3A_428 = arith.index_cast %get3A_427 : i32 to index
      %get3A_429 = arith.index_cast %mul3A_32 : i32 to index
      %get3A_430 = tpu.vector_load %arg12[%get3A_428, %get3A_429] {strides = array<i32>} : memref<64x256xf32, #tpu.memory_space<vmem>>, vector<16xf32>,
      %mul3A_431 = arith.mulf %get3A_426, %get3A_430 : vector<16xf32>
      %add3A_432 = arith.addf %add3A_422, %mul3A_431 : vector<16xf32>
      %get3A_433 = arith.constant 40 : i32
      %get3A_434 = arith.index_cast %get3A_433 : i32 to index
      %get3A_435 = arith.index_cast %mul3A_32 : i32 to index
      %get3A_436 = tpu.vector_load %arg11[%get3A_434, %get3A_435] {strides = array<i32>} : memref<64x256xf32, #tpu.memory_space<vmem>>, vector<16xf32>,
      %get3A_437 = arith.constant 40 : i32
      %get3A_438 = arith.index_cast %get3A_437 : i32 to index
      %get3A_439 = arith.index_cast %mul3A_32 : i32 to index
      %get3A_440 = tpu.vector_load %arg12[%get3A_438, %get3A_439] {strides = array<i32>} : memref<64x256xf32, #tpu.memory_space<vmem>>, vector<16xf32>,
      %mul3A_441 = arith.mulf %get3A_436, %get3A_440 : vector<16xf32>
      %add3A_442 = arith.addf %add3A_432, %mul3A_441 : vector<16xf32>
      %get3A_443 = arith.constant 41 : i32
      %get3A_444 = arith.index_cast %get3A_443 : i32 to index
      %get3A_445 = arith.index_cast %mul3A_32 : i32 to index
      %get3A_446 = tpu.vector_load %arg11[%get3A_444, %get3A_445] {strides = array<i32>} : memref<64x256xf32, #tpu.memory_space<vmem>>, vector<16xf32>,
      %get3A_447 = arith.constant 41 : i32
      %get3A_448 = arith.index_cast %get3A_447 : i32 to index
      %get3A_449 = arith.index_cast %mul3A_32 : i32 to index
      %get3A_450 = tpu.vector_load %arg12[%get3A_448, %get3A_449] {strides = array<i32>} : memref<64x256xf32, #tpu.memory_space<vmem>>, vector<16xf32>,
      %mul3A_451 = arith.mulf %get3A_446, %get3A_450 : vector<16xf32>
      %add3A_452 = arith.addf %add3A_442, %mul3A_451 : vector<16xf32>
      %get3A_453 = arith.constant 42 : i32
      %get3A_454 = arith.index_cast %get3A_453 : i32 to index
      %get3A_455 = arith.index_cast %mul3A_32 : i32 to index
      %get3A_456 = tpu.vector_load %arg11[%get3A_454, %get3A_455] {strides = array<i32>} : memref<64x256xf32, #tpu.memory_space<vmem>>, vector<16xf32>,
      %get3A_457 = arith.constant 42 : i32
      %get3A_458 = arith.index_cast %get3A_457 : i32 to index
      %get3A_459 = arith.index_cast %mul3A_32 : i32 to index
      %get3A_460 = tpu.vector_load %arg12[%get3A_458, %get3A_459] {strides = array<i32>} : memref<64x256xf32, #tpu.memory_space<vmem>>, vector<16xf32>,
      %mul3A_461 = arith.mulf %get3A_456, %get3A_460 : vector<16xf32>
      %add3A_462 = arith.addf %add3A_452, %mul3A_461 : vector<16xf32>
      %get3A_463 = arith.constant 43 : i32
      %get3A_464 = arith.index_cast %get3A_463 : i32 to index
      %get3A_465 = arith.index_cast %mul3A_32 : i32 to index
      %get3A_466 = tpu.vector_load %arg11[%get3A_464, %get3A_465] {strides = array<i32>} : memref<64x256xf32, #tpu.memory_space<vmem>>, vector<16xf32>,
      %get3A_467 = arith.constant 43 : i32
      %get3A_468 = arith.index_cast %get3A_467 : i32 to index
      %get3A_469 = arith.index_cast %mul3A_32 : i32 to index
      %get3A_470 = tpu.vector_load %arg12[%get3A_468, %get3A_469] {strides = array<i32>} : memref<64x256xf32, #tpu.memory_space<vmem>>, vector<16xf32>,
      %mul3A_471 = arith.mulf %get3A_466, %get3A_470 : vector<16xf32>
      %add3A_472 = arith.addf %add3A_462, %mul3A_471 : vector<16xf32>
      %get3A_473 = arith.constant 44 : i32
      %get3A_474 = arith.index_cast %get3A_473 : i32 to index
      %get3A_475 = arith.index_cast %mul3A_32 : i32 to index
      %get3A_476 = tpu.vector_load %arg11[%get3A_474, %get3A_475] {strides = array<i32>} : memref<64x256xf32, #tpu.memory_space<vmem>>, vector<16xf32>,
      %get3A_477 = arith.constant 44 : i32
      %get3A_478 = arith.index_cast %get3A_477 : i32 to index
      %get3A_479 = arith.index_cast %mul3A_32 : i32 to index
      %get3A_480 = tpu.vector_load %arg12[%get3A_478, %get3A_479] {strides = array<i32>} : memref<64x256xf32, #tpu.memory_space<vmem>>, vector<16xf32>,
      %mul3A_481 = arith.mulf %get3A_476, %get3A_480 : vector<16xf32>
      %add3A_482 = arith.addf %add3A_472, %mul3A_481 : vector<16xf32>
      %get3A_483 = arith.constant 45 : i32
      %get3A_484 = arith.index_cast %get3A_483 : i32 to index
      %get3A_485 = arith.index_cast %mul3A_32 : i32 to index
      %get3A_486 = tpu.vector_load %arg11[%get3A_484, %get3A_485] {strides = array<i32>} : memref<64x256xf32, #tpu.memory_space<vmem>>, vector<16xf32>,
      %get3A_487 = arith.constant 45 : i32
      %get3A_488 = arith.index_cast %get3A_487 : i32 to index
      %get3A_489 = arith.index_cast %mul3A_32 : i32 to index
      %get3A_490 = tpu.vector_load %arg12[%get3A_488, %get3A_489] {strides = array<i32>} : memref<64x256xf32, #tpu.memory_space<vmem>>, vector<16xf32>,
      %mul3A_491 = arith.mulf %get3A_486, %get3A_490 : vector<16xf32>
      %add3A_492 = arith.addf %add3A_482, %mul3A_491 : vector<16xf32>
      %get3A_493 = arith.constant 46 : i32
      %get3A_494 = arith.index_cast %get3A_493 : i32 to index
      %get3A_495 = arith.index_cast %mul3A_32 : i32 to index
      %get3A_496 = tpu.vector_load %arg11[%get3A_494, %get3A_495] {strides = array<i32>} : memref<64x256xf32, #tpu.memory_space<vmem>>, vector<16xf32>,
      %get3A_497 = arith.constant 46 : i32
      %get3A_498 = arith.index_cast %get3A_497 : i32 to index
      %get3A_499 = arith.index_cast %mul3A_32 : i32 to index
      %get3A_500 = tpu.vector_load %arg12[%get3A_498, %get3A_499] {strides = array<i32>} : memref<64x256xf32, #tpu.memory_space<vmem>>, vector<16xf32>,
      %mul3A_501 = arith.mulf %get3A_496, %get3A_500 : vector<16xf32>
      %add3A_502 = arith.addf %add3A_492, %mul3A_501 : vector<16xf32>
      %get3A_503 = arith.constant 47 : i32
      %get3A_504 = arith.index_cast %get3A_503 : i32 to index
      %get3A_505 = arith.index_cast %mul3A_32 : i32 to index
      %get3A_506 = tpu.vector_load %arg11[%get3A_504, %get3A_505] {strides = array<i32>} : memref<64x256xf32, #tpu.memory_space<vmem>>, vector<16xf32>,
      %get3A_507 = arith.constant 47 : i32
      %get3A_508 = arith.index_cast %get3A_507 : i32 to index
      %get3A_509 = arith.index_cast %mul3A_32 : i32 to index
      %get3A_510 = tpu.vector_load %arg12[%get3A_508, %get3A_509] {strides = array<i32>} : memref<64x256xf32, #tpu.memory_space<vmem>>, vector<16xf32>,
      %mul3A_511 = arith.mulf %get3A_506, %get3A_510 : vector<16xf32>
      %add3A_512 = arith.addf %add3A_502, %mul3A_511 : vector<16xf32>
      %get3A_513 = arith.constant 48 : i32
      %get3A_514 = arith.index_cast %get3A_513 : i32 to index
      %get3A_515 = arith.index_cast %mul3A_32 : i32 to index
      %get3A_516 = tpu.vector_load %arg11[%get3A_514, %get3A_515] {strides = array<i32>} : memref<64x256xf32, #tpu.memory_space<vmem>>, vector<16xf32>,
      %get3A_517 = arith.constant 48 : i32
      %get3A_518 = arith.index_cast %get3A_517 : i32 to index
      %get3A_519 = arith.index_cast %mul3A_32 : i32 to index
      %get3A_520 = tpu.vector_load %arg12[%get3A_518, %get3A_519] {strides = array<i32>} : memref<64x256xf32, #tpu.memory_space<vmem>>, vector<16xf32>,
      %mul3A_521 = arith.mulf %get3A_516, %get3A_520 : vector<16xf32>
      %add3A_522 = arith.addf %add3A_512, %mul3A_521 : vector<16xf32>
      %get3A_523 = arith.constant 49 : i32
      %get3A_524 = arith.index_cast %get3A_523 : i32 to index
      %get3A_525 = arith.index_cast %mul3A_32 : i32 to index
      %get3A_526 = tpu.vector_load %arg11[%get3A_524, %get3A_525] {strides = array<i32>} : memref<64x256xf32, #tpu.memory_space<vmem>>, vector<16xf32>,
      %get3A_527 = arith.constant 49 : i32
      %get3A_528 = arith.index_cast %get3A_527 : i32 to index
      %get3A_529 = arith.index_cast %mul3A_32 : i32 to index
      %get3A_530 = tpu.vector_load %arg12[%get3A_528, %get3A_529] {strides = array<i32>} : memref<64x256xf32, #tpu.memory_space<vmem>>, vector<16xf32>,
      %mul3A_531 = arith.mulf %get3A_526, %get3A_530 : vector<16xf32>
      %add3A_532 = arith.addf %add3A_522, %mul3A_531 : vector<16xf32>
      %get3A_533 = arith.constant 50 : i32
      %get3A_534 = arith.index_cast %get3A_533 : i32 to index
      %get3A_535 = arith.index_cast %mul3A_32 : i32 to index
      %get3A_536 = tpu.vector_load %arg11[%get3A_534, %get3A_535] {strides = array<i32>} : memref<64x256xf32, #tpu.memory_space<vmem>>, vector<16xf32>,
      %get3A_537 = arith.constant 50 : i32
      %get3A_538 = arith.index_cast %get3A_537 : i32 to index
      %get3A_539 = arith.index_cast %mul3A_32 : i32 to index
      %get3A_540 = tpu.vector_load %arg12[%get3A_538, %get3A_539] {strides = array<i32>} : memref<64x256xf32, #tpu.memory_space<vmem>>, vector<16xf32>,
      %mul3A_541 = arith.mulf %get3A_536, %get3A_540 : vector<16xf32>
      %add3A_542 = arith.addf %add3A_532, %mul3A_541 : vector<16xf32>
      %get3A_543 = arith.constant 51 : i32
      %get3A_544 = arith.index_cast %get3A_543 : i32 to index
      %get3A_545 = arith.index_cast %mul3A_32 : i32 to index
      %get3A_546 = tpu.vector_load %arg11[%get3A_544, %get3A_545] {strides = array<i32>} : memref<64x256xf32, #tpu.memory_space<vmem>>, vector<16xf32>,
      %get3A_547 = arith.constant 51 : i32
      %get3A_548 = arith.index_cast %get3A_547 : i32 to index
      %get3A_549 = arith.index_cast %mul3A_32 : i32 to index
      %get3A_550 = tpu.vector_load %arg12[%get3A_548, %get3A_549] {strides = array<i32>} : memref<64x256xf32, #tpu.memory_space<vmem>>, vector<16xf32>,
      %mul3A_551 = arith.mulf %get3A_546, %get3A_550 : vector<16xf32>
      %add3A_552 = arith.addf %add3A_542, %mul3A_551 : vector<16xf32>
      %get3A_553 = arith.constant 52 : i32
      %get3A_554 = arith.index_cast %get3A_553 : i32 to index
      %get3A_555 = arith.index_cast %mul3A_32 : i32 to index
      %get3A_556 = tpu.vector_load %arg11[%get3A_554, %get3A_555] {strides = array<i32>} : memref<64x256xf32, #tpu.memory_space<vmem>>, vector<16xf32>,
      %get3A_557 = arith.constant 52 : i32
      %get3A_558 = arith.index_cast %get3A_557 : i32 to index
      %get3A_559 = arith.index_cast %mul3A_32 : i32 to index
      %get3A_560 = tpu.vector_load %arg12[%get3A_558, %get3A_559] {strides = array<i32>} : memref<64x256xf32, #tpu.memory_space<vmem>>, vector<16xf32>,
      %mul3A_561 = arith.mulf %get3A_556, %get3A_560 : vector<16xf32>
      %add3A_562 = arith.addf %add3A_552, %mul3A_561 : vector<16xf32>
      %get3A_563 = arith.constant 53 : i32
      %get3A_564 = arith.index_cast %get3A_563 : i32 to index
      %get3A_565 = arith.index_cast %mul3A_32 : i32 to index
      %get3A_566 = tpu.vector_load %arg11[%get3A_564, %get3A_565] {strides = array<i32>} : memref<64x256xf32, #tpu.memory_space<vmem>>, vector<16xf32>,
      %get3A_567 = arith.constant 53 : i32
      %get3A_568 = arith.index_cast %get3A_567 : i32 to index
      %get3A_569 = arith.index_cast %mul3A_32 : i32 to index
      %get3A_570 = tpu.vector_load %arg12[%get3A_568, %get3A_569] {strides = array<i32>} : memref<64x256xf32, #tpu.memory_space<vmem>>, vector<16xf32>,
      %mul3A_571 = arith.mulf %get3A_566, %get3A_570 : vector<16xf32>
      %add3A_572 = arith.addf %add3A_562, %mul3A_571 : vector<16xf32>
      %get3A_573 = arith.constant 54 : i32
      %get3A_574 = arith.index_cast %get3A_573 : i32 to index
      %get3A_575 = arith.index_cast %mul3A_32 : i32 to index
      %get3A_576 = tpu.vector_load %arg11[%get3A_574, %get3A_575] {strides = array<i32>} : memref<64x256xf32, #tpu.memory_space<vmem>>, vector<16xf32>,
      %get3A_577 = arith.constant 54 : i32
      %get3A_578 = arith.index_cast %get3A_577 : i32 to index
      %get3A_579 = arith.index_cast %mul3A_32 : i32 to index
      %get3A_580 = tpu.vector_load %arg12[%get3A_578, %get3A_579] {strides = array<i32>} : memref<64x256xf32, #tpu.memory_space<vmem>>, vector<16xf32>,
      %mul3A_581 = arith.mulf %get3A_576, %get3A_580 : vector<16xf32>
      %add3A_582 = arith.addf %add3A_572, %mul3A_581 : vector<16xf32>
      %get3A_583 = arith.constant 55 : i32
      %get3A_584 = arith.index_cast %get3A_583 : i32 to index
      %get3A_585 = arith.index_cast %mul3A_32 : i32 to index
      %get3A_586 = tpu.vector_load %arg11[%get3A_584, %get3A_585] {strides = array<i32>} : memref<64x256xf32, #tpu.memory_space<vmem>>, vector<16xf32>,
      %get3A_587 = arith.constant 55 : i32
      %get3A_588 = arith.index_cast %get3A_587 : i32 to index
      %get3A_589 = arith.index_cast %mul3A_32 : i32 to index
      %get3A_590 = tpu.vector_load %arg12[%get3A_588, %get3A_589] {strides = array<i32>} : memref<64x256xf32, #tpu.memory_space<vmem>>, vector<16xf32>,
      %mul3A_591 = arith.mulf %get3A_586, %get3A_590 : vector<16xf32>
      %add3A_592 = arith.addf %add3A_582, %mul3A_591 : vector<16xf32>
      %get3A_593 = arith.constant 56 : i32
      %get3A_594 = arith.index_cast %get3A_593 : i32 to index
      %get3A_595 = arith.index_cast %mul3A_32 : i32 to index
      %get3A_596 = tpu.vector_load %arg11[%get3A_594, %get3A_595] {strides = array<i32>} : memref<64x256xf32, #tpu.memory_space<vmem>>, vector<16xf32>,
      %get3A_597 = arith.constant 56 : i32
      %get3A_598 = arith.index_cast %get3A_597 : i32 to index
      %get3A_599 = arith.index_cast %mul3A_32 : i32 to index
      %get3A_600 = tpu.vector_load %arg12[%get3A_598, %get3A_599] {strides = array<i32>} : memref<64x256xf32, #tpu.memory_space<vmem>>, vector<16xf32>,
      %mul3A_601 = arith.mulf %get3A_596, %get3A_600 : vector<16xf32>
      %add3A_602 = arith.addf %add3A_592, %mul3A_601 : vector<16xf32>
      %get3A_603 = arith.constant 57 : i32
      %get3A_604 = arith.index_cast %get3A_603 : i32 to index
      %get3A_605 = arith.index_cast %mul3A_32 : i32 to index
      %get3A_606 = tpu.vector_load %arg11[%get3A_604, %get3A_605] {strides = array<i32>} : memref<64x256xf32, #tpu.memory_space<vmem>>, vector<16xf32>,
      %get3A_607 = arith.constant 57 : i32
      %get3A_608 = arith.index_cast %get3A_607 : i32 to index
      %get3A_609 = arith.index_cast %mul3A_32 : i32 to index
      %get3A_610 = tpu.vector_load %arg12[%get3A_608, %get3A_609] {strides = array<i32>} : memref<64x256xf32, #tpu.memory_space<vmem>>, vector<16xf32>,
      %mul3A_611 = arith.mulf %get3A_606, %get3A_610 : vector<16xf32>
      %add3A_612 = arith.addf %add3A_602, %mul3A_611 : vector<16xf32>
      %get3A_613 = arith.constant 58 : i32
      %get3A_614 = arith.index_cast %get3A_613 : i32 to index
      %get3A_615 = arith.index_cast %mul3A_32 : i32 to index
      %get3A_616 = tpu.vector_load %arg11[%get3A_614, %get3A_615] {strides = array<i32>} : memref<64x256xf32, #tpu.memory_space<vmem>>, vector<16xf32>,
      %get3A_617 = arith.constant 58 : i32
      %get3A_618 = arith.index_cast %get3A_617 : i32 to index
      %get3A_619 = arith.index_cast %mul3A_32 : i32 to index
      %get3A_620 = tpu.vector_load %arg12[%get3A_618, %get3A_619] {strides = array<i32>} : memref<64x256xf32, #tpu.memory_space<vmem>>, vector<16xf32>,
      %mul3A_621 = arith.mulf %get3A_616, %get3A_620 : vector<16xf32>
      %add3A_622 = arith.addf %add3A_612, %mul3A_621 : vector<16xf32>
      %get3A_623 = arith.constant 59 : i32
      %get3A_624 = arith.index_cast %get3A_623 : i32 to index
      %get3A_625 = arith.index_cast %mul3A_32 : i32 to index
      %get3A_626 = tpu.vector_load %arg11[%get3A_624, %get3A_625] {strides = array<i32>} : memref<64x256xf32, #tpu.memory_space<vmem>>, vector<16xf32>,
      %get3A_627 = arith.constant 59 : i32
      %get3A_628 = arith.index_cast %get3A_627 : i32 to index
      %get3A_629 = arith.index_cast %mul3A_32 : i32 to index
      %get3A_630 = tpu.vector_load %arg12[%get3A_628, %get3A_629] {strides = array<i32>} : memref<64x256xf32, #tpu.memory_space<vmem>>, vector<16xf32>,
      %mul3A_631 = arith.mulf %get3A_626, %get3A_630 : vector<16xf32>
      %add3A_632 = arith.addf %add3A_622, %mul3A_631 : vector<16xf32>
      %get3A_633 = arith.constant 60 : i32
      %get3A_634 = arith.index_cast %get3A_633 : i32 to index
      %get3A_635 = arith.index_cast %mul3A_32 : i32 to index
      %get3A_636 = tpu.vector_load %arg11[%get3A_634, %get3A_635] {strides = array<i32>} : memref<64x256xf32, #tpu.memory_space<vmem>>, vector<16xf32>,
      %get3A_637 = arith.constant 60 : i32
      %get3A_638 = arith.index_cast %get3A_637 : i32 to index
      %get3A_639 = arith.index_cast %mul3A_32 : i32 to index
      %get3A_640 = tpu.vector_load %arg12[%get3A_638, %get3A_639] {strides = array<i32>} : memref<64x256xf32, #tpu.memory_space<vmem>>, vector<16xf32>,
      %mul3A_641 = arith.mulf %get3A_636, %get3A_640 : vector<16xf32>
      %add3A_642 = arith.addf %add3A_632, %mul3A_641 : vector<16xf32>
      %get3A_643 = arith.constant 61 : i32
      %get3A_644 = arith.index_cast %get3A_643 : i32 to index
      %get3A_645 = arith.index_cast %mul3A_32 : i32 to index
      %get3A_646 = tpu.vector_load %arg11[%get3A_644, %get3A_645] {strides = array<i32>} : memref<64x256xf32, #tpu.memory_space<vmem>>, vector<16xf32>,
      %get3A_647 = arith.constant 61 : i32
      %get3A_648 = arith.index_cast %get3A_647 : i32 to index
      %get3A_649 = arith.index_cast %mul3A_32 : i32 to index
      %get3A_650 = tpu.vector_load %arg12[%get3A_648, %get3A_649] {strides = array<i32>} : memref<64x256xf32, #tpu.memory_space<vmem>>, vector<16xf32>,
      %mul3A_651 = arith.mulf %get3A_646, %get3A_650 : vector<16xf32>
      %add3A_652 = arith.addf %add3A_642, %mul3A_651 : vector<16xf32>
      %get3A_653 = arith.constant 62 : i32
      %get3A_654 = arith.index_cast %get3A_653 : i32 to index
      %get3A_655 = arith.index_cast %mul3A_32 : i32 to index
      %get3A_656 = tpu.vector_load %arg11[%get3A_654, %get3A_655] {strides = array<i32>} : memref<64x256xf32, #tpu.memory_space<vmem>>, vector<16xf32>,
      %get3A_657 = arith.constant 62 : i32
      %get3A_658 = arith.index_cast %get3A_657 : i32 to index
      %get3A_659 = arith.index_cast %mul3A_32 : i32 to index
      %get3A_660 = tpu.vector_load %arg12[%get3A_658, %get3A_659] {strides = array<i32>} : memref<64x256xf32, #tpu.memory_space<vmem>>, vector<16xf32>,
      %mul3A_661 = arith.mulf %get3A_656, %get3A_660 : vector<16xf32>
      %add3A_662 = arith.addf %add3A_652, %mul3A_661 : vector<16xf32>
      %get3A_663 = arith.constant 63 : i32
      %get3A_664 = arith.index_cast %get3A_663 : i32 to index
      %get3A_665 = arith.index_cast %mul3A_32 : i32 to index
      %get3A_666 = tpu.vector_load %arg11[%get3A_664, %get3A_665] {strides = array<i32>} : memref<64x256xf32, #tpu.memory_space<vmem>>, vector<16xf32>,
      %get3A_667 = arith.constant 63 : i32
      %get3A_668 = arith.index_cast %get3A_667 : i32 to index
      %get3A_669 = arith.index_cast %mul3A_32 : i32 to index
      %get3A_670 = tpu.vector_load %arg12[%get3A_668, %get3A_669] {strides = array<i32>} : memref<64x256xf32, #tpu.memory_space<vmem>>, vector<16xf32>,
      %mul3A_671 = arith.mulf %get3A_666, %get3A_670 : vector<16xf32>
      %add3A_672 = arith.addf %add3A_662, %mul3A_671 : vector<16xf32>
      %swap3A = arith.index_cast %mul3A_32 : i32 to index
      %swap3A_673 = tpu.vector_load %arg13[%swap3A] {strides = array<i32>} : memref<256xf32, #tpu.memory_space<vmem>>, vector<16xf32>,
      tpu.vector_store %arg13[%swap3A], %add3A_672 {strides = array<i32>} : memref<256xf32, #tpu.memory_space<vmem>>, vector<16xf32>,
    }
    %scan3A_13 = arith.constant 16 : i32
    %add3A_14 = arith.constant 0 : i32
    %add3A_15 = arith.addi %mul3A_2, %add3A_14 : i32
    "tpu.region"() ({
      %run_scoped3A = tpu.sem_alloc : memref<!tpu.dma_semaphore, #tpu.memory_space<semaphore_mem>>
      %dma_start3A = tpu.memref_slice %arg6[%add3A_15] : memref<16384xf32, #tpu.memory_space<hbm>> -> memref<256xf32, #tpu.memory_space<hbm>>
      %dma_start3A_30 = tpu.memref_slice %arg6[%add3A_15] : memref<16384xf32, #tpu.memory_space<hbm>> -> memref<256xf32, #tpu.memory_space<hbm>>
      tpu.enqueue_dma source(%arg13 : memref<256xf32, #tpu.memory_space<vmem>>) target(%dma_start3A_30 : memref<256xf32, #tpu.memory_space<hbm>>) target_semaphore(%run_scoped3A : memref<!tpu.dma_semaphore, #tpu.memory_space<semaphore_mem>>)
      %dma_wait3A = tpu.memref_slice %arg6[%add3A_15] : memref<16384xf32, #tpu.memory_space<hbm>> -> memref<256xf32, #tpu.memory_space<hbm>>
      %dma_wait3A_31 = tpu.memref_slice %arg6[%add3A_15] : memref<16384xf32, #tpu.memory_space<hbm>> -> memref<256xf32, #tpu.memory_space<hbm>>
      tpu.wait_dma2 semaphore(%run_scoped3A : memref<!tpu.dma_semaphore, #tpu.memory_space<semaphore_mem>>) src(%arg13 : memref<256xf32, #tpu.memory_space<vmem>>) dst(%dma_wait3A_31 : memref<256xf32, #tpu.memory_space<hbm>>)
      tpu.yield
    }) : () -> ()
    %scan3A_16 = arith.constant 0 : i32
    %scan3A_17 = arith.constant 0 : i32
    %scan3A_18 = arith.constant 64 : i32
    %scan3A_19 = arith.addi %scan3A_17, %scan3A_18 : i32
    %scan3A_20 = arith.constant 1 : i32
    scf.for %scan3A_30 = %scan3A_17 to %scan3A_19 step %scan3A_20  : i32 {
      %mul3A_31 = arith.constant 1000000 : i32
      %mul3A_32 = arith.muli %scan3A_30, %mul3A_31 : i32
      %mul3A_33 = arith.constant 100000 : i32
      %mul3A_34 = arith.muli %scan3A_30, %mul3A_33 : i32
      %get3A = arith.constant 256 : index
      %get3A_35 = tpu.vector_load %arg7[%get3A] {strides = array<i32>} : memref<512xi32, #tpu.memory_space<vmem>>, vector<16xi32>,
      %add3A_36 = vector.broadcast %mul3A_32 : i32 to vector<16xi32>
      %add3A_37 = arith.addi %get3A_35, %add3A_36 : vector<16xi32>
      %swap3A = arith.index_cast %scan3A_30 : i32 to index
      %swap3A_38 = arith.constant 0 : index
      %swap3A_39 = tpu.vector_load %arg9[%swap3A, %swap3A_38] {strides = array<i32>} : memref<64x256xi32, #tpu.memory_space<vmem>>, vector<16xi32>,
      tpu.vector_store %arg9[%swap3A, %swap3A_38], %add3A_37 {strides = array<i32>} : memref<64x256xi32, #tpu.memory_space<vmem>>, vector<16xi32>,
      %get3A_40 = arith.constant 256 : index
      %get3A_41 = tpu.vector_load %arg8[%get3A_40] {strides = array<i32>} : memref<512xi32, #tpu.memory_space<vmem>>, vector<16xi32>,
      %add3A_42 = vector.broadcast %mul3A_34 : i32 to vector<16xi32>
      %add3A_43 = arith.addi %get3A_41, %add3A_42 : vector<16xi32>
      %swap3A_44 = arith.index_cast %scan3A_30 : i32 to index
      %swap3A_45 = arith.constant 0 : index
      %swap3A_46 = tpu.vector_load %arg10[%swap3A_44, %swap3A_45] {strides = array<i32>} : memref<64x256xi32, #tpu.memory_space<vmem>>, vector<16xi32>,
      tpu.vector_store %arg10[%swap3A_44, %swap3A_45], %add3A_43 {strides = array<i32>} : memref<64x256xi32, #tpu.memory_space<vmem>>, vector<16xi32>,
      %get3A_47 = arith.constant 272 : index
      %get3A_48 = tpu.vector_load %arg7[%get3A_47] {strides = array<i32>} : memref<512xi32, #tpu.memory_space<vmem>>, vector<16xi32>,
      %add3A_49 = vector.broadcast %mul3A_32 : i32 to vector<16xi32>
      %add3A_50 = arith.addi %get3A_48, %add3A_49 : vector<16xi32>
      %swap3A_51 = arith.index_cast %scan3A_30 : i32 to index
      %swap3A_52 = arith.constant 16 : index
      %swap3A_53 = tpu.vector_load %arg9[%swap3A_51, %swap3A_52] {strides = array<i32>} : memref<64x256xi32, #tpu.memory_space<vmem>>, vector<16xi32>,
      tpu.vector_store %arg9[%swap3A_51, %swap3A_52], %add3A_50 {strides = array<i32>} : memref<64x256xi32, #tpu.memory_space<vmem>>, vector<16xi32>,
      %get3A_54 = arith.constant 272 : index
      %get3A_55 = tpu.vector_load %arg8[%get3A_54] {strides = array<i32>} : memref<512xi32, #tpu.memory_space<vmem>>, vector<16xi32>,
      %add3A_56 = vector.broadcast %mul3A_34 : i32 to vector<16xi32>
      %add3A_57 = arith.addi %get3A_55, %add3A_56 : vector<16xi32>
      %swap3A_58 = arith.index_cast %scan3A_30 : i32 to index
      %swap3A_59 = arith.constant 16 : index
      %swap3A_60 = tpu.vector_load %arg10[%swap3A_58, %swap3A_59] {strides = array<i32>} : memref<64x256xi32, #tpu.memory_space<vmem>>, vector<16xi32>,
      tpu.vector_store %arg10[%swap3A_58, %swap3A_59], %add3A_57 {strides = array<i32>} : memref<64x256xi32, #tpu.memory_space<vmem>>, vector<16xi32>,
      %get3A_61 = arith.constant 288 : index
      %get3A_62 = tpu.vector_load %arg7[%get3A_61] {strides = array<i32>} : memref<512xi32, #tpu.memory_space<vmem>>, vector<16xi32>,
      %add3A_63 = vector.broadcast %mul3A_32 : i32 to vector<16xi32>
      %add3A_64 = arith.addi %get3A_62, %add3A_63 : vector<16xi32>
      %swap3A_65 = arith.index_cast %scan3A_30 : i32 to index
      %swap3A_66 = arith.constant 32 : index
      %swap3A_67 = tpu.vector_load %arg9[%swap3A_65, %swap3A_66] {strides = array<i32>} : memref<64x256xi32, #tpu.memory_space<vmem>>, vector<16xi32>,
      tpu.vector_store %arg9[%swap3A_65, %swap3A_66], %add3A_64 {strides = array<i32>} : memref<64x256xi32, #tpu.memory_space<vmem>>, vector<16xi32>,
      %get3A_68 = arith.constant 288 : index
      %get3A_69 = tpu.vector_load %arg8[%get3A_68] {strides = array<i32>} : memref<512xi32, #tpu.memory_space<vmem>>, vector<16xi32>,
      %add3A_70 = vector.broadcast %mul3A_34 : i32 to vector<16xi32>
      %add3A_71 = arith.addi %get3A_69, %add3A_70 : vector<16xi32>
      %swap3A_72 = arith.index_cast %scan3A_30 : i32 to index
      %swap3A_73 = arith.constant 32 : index
      %swap3A_74 = tpu.vector_load %arg10[%swap3A_72, %swap3A_73] {strides = array<i32>} : memref<64x256xi32, #tpu.memory_space<vmem>>, vector<16xi32>,
      tpu.vector_store %arg10[%swap3A_72, %swap3A_73], %add3A_71 {strides = array<i32>} : memref<64x256xi32, #tpu.memory_space<vmem>>, vector<16xi32>,
      %get3A_75 = arith.constant 304 : index
      %get3A_76 = tpu.vector_load %arg7[%get3A_75] {strides = array<i32>} : memref<512xi32, #tpu.memory_space<vmem>>, vector<16xi32>,
      %add3A_77 = vector.broadcast %mul3A_32 : i32 to vector<16xi32>
      %add3A_78 = arith.addi %get3A_76, %add3A_77 : vector<16xi32>
      %swap3A_79 = arith.index_cast %scan3A_30 : i32 to index
      %swap3A_80 = arith.constant 48 : index
      %swap3A_81 = tpu.vector_load %arg9[%swap3A_79, %swap3A_80] {strides = array<i32>} : memref<64x256xi32, #tpu.memory_space<vmem>>, vector<16xi32>,
      tpu.vector_store %arg9[%swap3A_79, %swap3A_80], %add3A_78 {strides = array<i32>} : memref<64x256xi32, #tpu.memory_space<vmem>>, vector<16xi32>,
      %get3A_82 = arith.constant 304 : index
      %get3A_83 = tpu.vector_load %arg8[%get3A_82] {strides = array<i32>} : memref<512xi32, #tpu.memory_space<vmem>>, vector<16xi32>,
      %add3A_84 = vector.broadcast %mul3A_34 : i32 to vector<16xi32>
      %add3A_85 = arith.addi %get3A_83, %add3A_84 : vector<16xi32>
      %swap3A_86 = arith.index_cast %scan3A_30 : i32 to index
      %swap3A_87 = arith.constant 48 : index
      %swap3A_88 = tpu.vector_load %arg10[%swap3A_86, %swap3A_87] {strides = array<i32>} : memref<64x256xi32, #tpu.memory_space<vmem>>, vector<16xi32>,
      tpu.vector_store %arg10[%swap3A_86, %swap3A_87], %add3A_85 {strides = array<i32>} : memref<64x256xi32, #tpu.memory_space<vmem>>, vector<16xi32>,
      %get3A_89 = arith.constant 320 : index
      %get3A_90 = tpu.vector_load %arg7[%get3A_89] {strides = array<i32>} : memref<512xi32, #tpu.memory_space<vmem>>, vector<16xi32>,
      %add3A_91 = vector.broadcast %mul3A_32 : i32 to vector<16xi32>
      %add3A_92 = arith.addi %get3A_90, %add3A_91 : vector<16xi32>
      %swap3A_93 = arith.index_cast %scan3A_30 : i32 to index
      %swap3A_94 = arith.constant 64 : index
      %swap3A_95 = tpu.vector_load %arg9[%swap3A_93, %swap3A_94] {strides = array<i32>} : memref<64x256xi32, #tpu.memory_space<vmem>>, vector<16xi32>,
      tpu.vector_store %arg9[%swap3A_93, %swap3A_94], %add3A_92 {strides = array<i32>} : memref<64x256xi32, #tpu.memory_space<vmem>>, vector<16xi32>,
      %get3A_96 = arith.constant 320 : index
      %get3A_97 = tpu.vector_load %arg8[%get3A_96] {strides = array<i32>} : memref<512xi32, #tpu.memory_space<vmem>>, vector<16xi32>,
      %add3A_98 = vector.broadcast %mul3A_34 : i32 to vector<16xi32>
      %add3A_99 = arith.addi %get3A_97, %add3A_98 : vector<16xi32>
      %swap3A_100 = arith.index_cast %scan3A_30 : i32 to index
      %swap3A_101 = arith.constant 64 : index
      %swap3A_102 = tpu.vector_load %arg10[%swap3A_100, %swap3A_101] {strides = array<i32>} : memref<64x256xi32, #tpu.memory_space<vmem>>, vector<16xi32>,
      tpu.vector_store %arg10[%swap3A_100, %swap3A_101], %add3A_99 {strides = array<i32>} : memref<64x256xi32, #tpu.memory_space<vmem>>, vector<16xi32>,
      %get3A_103 = arith.constant 336 : index
      %get3A_104 = tpu.vector_load %arg7[%get3A_103] {strides = array<i32>} : memref<512xi32, #tpu.memory_space<vmem>>, vector<16xi32>,
      %add3A_105 = vector.broadcast %mul3A_32 : i32 to vector<16xi32>
      %add3A_106 = arith.addi %get3A_104, %add3A_105 : vector<16xi32>
      %swap3A_107 = arith.index_cast %scan3A_30 : i32 to index
      %swap3A_108 = arith.constant 80 : index
      %swap3A_109 = tpu.vector_load %arg9[%swap3A_107, %swap3A_108] {strides = array<i32>} : memref<64x256xi32, #tpu.memory_space<vmem>>, vector<16xi32>,
      tpu.vector_store %arg9[%swap3A_107, %swap3A_108], %add3A_106 {strides = array<i32>} : memref<64x256xi32, #tpu.memory_space<vmem>>, vector<16xi32>,
      %get3A_110 = arith.constant 336 : index
      %get3A_111 = tpu.vector_load %arg8[%get3A_110] {strides = array<i32>} : memref<512xi32, #tpu.memory_space<vmem>>, vector<16xi32>,
      %add3A_112 = vector.broadcast %mul3A_34 : i32 to vector<16xi32>
      %add3A_113 = arith.addi %get3A_111, %add3A_112 : vector<16xi32>
      %swap3A_114 = arith.index_cast %scan3A_30 : i32 to index
      %swap3A_115 = arith.constant 80 : index
      %swap3A_116 = tpu.vector_load %arg10[%swap3A_114, %swap3A_115] {strides = array<i32>} : memref<64x256xi32, #tpu.memory_space<vmem>>, vector<16xi32>,
      tpu.vector_store %arg10[%swap3A_114, %swap3A_115], %add3A_113 {strides = array<i32>} : memref<64x256xi32, #tpu.memory_space<vmem>>, vector<16xi32>,
      %get3A_117 = arith.constant 352 : index
      %get3A_118 = tpu.vector_load %arg7[%get3A_117] {strides = array<i32>} : memref<512xi32, #tpu.memory_space<vmem>>, vector<16xi32>,
      %add3A_119 = vector.broadcast %mul3A_32 : i32 to vector<16xi32>
      %add3A_120 = arith.addi %get3A_118, %add3A_119 : vector<16xi32>
      %swap3A_121 = arith.index_cast %scan3A_30 : i32 to index
      %swap3A_122 = arith.constant 96 : index
      %swap3A_123 = tpu.vector_load %arg9[%swap3A_121, %swap3A_122] {strides = array<i32>} : memref<64x256xi32, #tpu.memory_space<vmem>>, vector<16xi32>,
      tpu.vector_store %arg9[%swap3A_121, %swap3A_122], %add3A_120 {strides = array<i32>} : memref<64x256xi32, #tpu.memory_space<vmem>>, vector<16xi32>,
      %get3A_124 = arith.constant 352 : index
      %get3A_125 = tpu.vector_load %arg8[%get3A_124] {strides = array<i32>} : memref<512xi32, #tpu.memory_space<vmem>>, vector<16xi32>,
      %add3A_126 = vector.broadcast %mul3A_34 : i32 to vector<16xi32>
      %add3A_127 = arith.addi %get3A_125, %add3A_126 : vector<16xi32>
      %swap3A_128 = arith.index_cast %scan3A_30 : i32 to index
      %swap3A_129 = arith.constant 96 : index
      %swap3A_130 = tpu.vector_load %arg10[%swap3A_128, %swap3A_129] {strides = array<i32>} : memref<64x256xi32, #tpu.memory_space<vmem>>, vector<16xi32>,
      tpu.vector_store %arg10[%swap3A_128, %swap3A_129], %add3A_127 {strides = array<i32>} : memref<64x256xi32, #tpu.memory_space<vmem>>, vector<16xi32>,
      %get3A_131 = arith.constant 368 : index
      %get3A_132 = tpu.vector_load %arg7[%get3A_131] {strides = array<i32>} : memref<512xi32, #tpu.memory_space<vmem>>, vector<16xi32>,
      %add3A_133 = vector.broadcast %mul3A_32 : i32 to vector<16xi32>
      %add3A_134 = arith.addi %get3A_132, %add3A_133 : vector<16xi32>
      %swap3A_135 = arith.index_cast %scan3A_30 : i32 to index
      %swap3A_136 = arith.constant 112 : index
      %swap3A_137 = tpu.vector_load %arg9[%swap3A_135, %swap3A_136] {strides = array<i32>} : memref<64x256xi32, #tpu.memory_space<vmem>>, vector<16xi32>,
      tpu.vector_store %arg9[%swap3A_135, %swap3A_136], %add3A_134 {strides = array<i32>} : memref<64x256xi32, #tpu.memory_space<vmem>>, vector<16xi32>,
      %get3A_138 = arith.constant 368 : index
      %get3A_139 = tpu.vector_load %arg8[%get3A_138] {strides = array<i32>} : memref<512xi32, #tpu.memory_space<vmem>>, vector<16xi32>,
      %add3A_140 = vector.broadcast %mul3A_34 : i32 to vector<16xi32>
      %add3A_141 = arith.addi %get3A_139, %add3A_140 : vector<16xi32>
      %swap3A_142 = arith.index_cast %scan3A_30 : i32 to index
      %swap3A_143 = arith.constant 112 : index
      %swap3A_144 = tpu.vector_load %arg10[%swap3A_142, %swap3A_143] {strides = array<i32>} : memref<64x256xi32, #tpu.memory_space<vmem>>, vector<16xi32>,
      tpu.vector_store %arg10[%swap3A_142, %swap3A_143], %add3A_141 {strides = array<i32>} : memref<64x256xi32, #tpu.memory_space<vmem>>, vector<16xi32>,
      %get3A_145 = arith.constant 384 : index
      %get3A_146 = tpu.vector_load %arg7[%get3A_145] {strides = array<i32>} : memref<512xi32, #tpu.memory_space<vmem>>, vector<16xi32>,
      %add3A_147 = vector.broadcast %mul3A_32 : i32 to vector<16xi32>
      %add3A_148 = arith.addi %get3A_146, %add3A_147 : vector<16xi32>
      %swap3A_149 = arith.index_cast %scan3A_30 : i32 to index
      %swap3A_150 = arith.constant 128 : index
      %swap3A_151 = tpu.vector_load %arg9[%swap3A_149, %swap3A_150] {strides = array<i32>} : memref<64x256xi32, #tpu.memory_space<vmem>>, vector<16xi32>,
      tpu.vector_store %arg9[%swap3A_149, %swap3A_150], %add3A_148 {strides = array<i32>} : memref<64x256xi32, #tpu.memory_space<vmem>>, vector<16xi32>,
      %get3A_152 = arith.constant 384 : index
      %get3A_153 = tpu.vector_load %arg8[%get3A_152] {strides = array<i32>} : memref<512xi32, #tpu.memory_space<vmem>>, vector<16xi32>,
      %add3A_154 = vector.broadcast %mul3A_34 : i32 to vector<16xi32>
      %add3A_155 = arith.addi %get3A_153, %add3A_154 : vector<16xi32>
      %swap3A_156 = arith.index_cast %scan3A_30 : i32 to index
      %swap3A_157 = arith.constant 128 : index
      %swap3A_158 = tpu.vector_load %arg10[%swap3A_156, %swap3A_157] {strides = array<i32>} : memref<64x256xi32, #tpu.memory_space<vmem>>, vector<16xi32>,
      tpu.vector_store %arg10[%swap3A_156, %swap3A_157], %add3A_155 {strides = array<i32>} : memref<64x256xi32, #tpu.memory_space<vmem>>, vector<16xi32>,
      %get3A_159 = arith.constant 400 : index
      %get3A_160 = tpu.vector_load %arg7[%get3A_159] {strides = array<i32>} : memref<512xi32, #tpu.memory_space<vmem>>, vector<16xi32>,
      %add3A_161 = vector.broadcast %mul3A_32 : i32 to vector<16xi32>
      %add3A_162 = arith.addi %get3A_160, %add3A_161 : vector<16xi32>
      %swap3A_163 = arith.index_cast %scan3A_30 : i32 to index
      %swap3A_164 = arith.constant 144 : index
      %swap3A_165 = tpu.vector_load %arg9[%swap3A_163, %swap3A_164] {strides = array<i32>} : memref<64x256xi32, #tpu.memory_space<vmem>>, vector<16xi32>,
      tpu.vector_store %arg9[%swap3A_163, %swap3A_164], %add3A_162 {strides = array<i32>} : memref<64x256xi32, #tpu.memory_space<vmem>>, vector<16xi32>,
      %get3A_166 = arith.constant 400 : index
      %get3A_167 = tpu.vector_load %arg8[%get3A_166] {strides = array<i32>} : memref<512xi32, #tpu.memory_space<vmem>>, vector<16xi32>,
      %add3A_168 = vector.broadcast %mul3A_34 : i32 to vector<16xi32>
      %add3A_169 = arith.addi %get3A_167, %add3A_168 : vector<16xi32>
      %swap3A_170 = arith.index_cast %scan3A_30 : i32 to index
      %swap3A_171 = arith.constant 144 : index
      %swap3A_172 = tpu.vector_load %arg10[%swap3A_170, %swap3A_171] {strides = array<i32>} : memref<64x256xi32, #tpu.memory_space<vmem>>, vector<16xi32>,
      tpu.vector_store %arg10[%swap3A_170, %swap3A_171], %add3A_169 {strides = array<i32>} : memref<64x256xi32, #tpu.memory_space<vmem>>, vector<16xi32>,
      %get3A_173 = arith.constant 416 : index
      %get3A_174 = tpu.vector_load %arg7[%get3A_173] {strides = array<i32>} : memref<512xi32, #tpu.memory_space<vmem>>, vector<16xi32>,
      %add3A_175 = vector.broadcast %mul3A_32 : i32 to vector<16xi32>
      %add3A_176 = arith.addi %get3A_174, %add3A_175 : vector<16xi32>
      %swap3A_177 = arith.index_cast %scan3A_30 : i32 to index
      %swap3A_178 = arith.constant 160 : index
      %swap3A_179 = tpu.vector_load %arg9[%swap3A_177, %swap3A_178] {strides = array<i32>} : memref<64x256xi32, #tpu.memory_space<vmem>>, vector<16xi32>,
      tpu.vector_store %arg9[%swap3A_177, %swap3A_178], %add3A_176 {strides = array<i32>} : memref<64x256xi32, #tpu.memory_space<vmem>>, vector<16xi32>,
      %get3A_180 = arith.constant 416 : index
      %get3A_181 = tpu.vector_load %arg8[%get3A_180] {strides = array<i32>} : memref<512xi32, #tpu.memory_space<vmem>>, vector<16xi32>,
      %add3A_182 = vector.broadcast %mul3A_34 : i32 to vector<16xi32>
      %add3A_183 = arith.addi %get3A_181, %add3A_182 : vector<16xi32>
      %swap3A_184 = arith.index_cast %scan3A_30 : i32 to index
      %swap3A_185 = arith.constant 160 : index
      %swap3A_186 = tpu.vector_load %arg10[%swap3A_184, %swap3A_185] {strides = array<i32>} : memref<64x256xi32, #tpu.memory_space<vmem>>, vector<16xi32>,
      tpu.vector_store %arg10[%swap3A_184, %swap3A_185], %add3A_183 {strides = array<i32>} : memref<64x256xi32, #tpu.memory_space<vmem>>, vector<16xi32>,
      %get3A_187 = arith.constant 432 : index
      %get3A_188 = tpu.vector_load %arg7[%get3A_187] {strides = array<i32>} : memref<512xi32, #tpu.memory_space<vmem>>, vector<16xi32>,
      %add3A_189 = vector.broadcast %mul3A_32 : i32 to vector<16xi32>
      %add3A_190 = arith.addi %get3A_188, %add3A_189 : vector<16xi32>
      %swap3A_191 = arith.index_cast %scan3A_30 : i32 to index
      %swap3A_192 = arith.constant 176 : index
      %swap3A_193 = tpu.vector_load %arg9[%swap3A_191, %swap3A_192] {strides = array<i32>} : memref<64x256xi32, #tpu.memory_space<vmem>>, vector<16xi32>,
      tpu.vector_store %arg9[%swap3A_191, %swap3A_192], %add3A_190 {strides = array<i32>} : memref<64x256xi32, #tpu.memory_space<vmem>>, vector<16xi32>,
      %get3A_194 = arith.constant 432 : index
      %get3A_195 = tpu.vector_load %arg8[%get3A_194] {strides = array<i32>} : memref<512xi32, #tpu.memory_space<vmem>>, vector<16xi32>,
      %add3A_196 = vector.broadcast %mul3A_34 : i32 to vector<16xi32>
      %add3A_197 = arith.addi %get3A_195, %add3A_196 : vector<16xi32>
      %swap3A_198 = arith.index_cast %scan3A_30 : i32 to index
      %swap3A_199 = arith.constant 176 : index
      %swap3A_200 = tpu.vector_load %arg10[%swap3A_198, %swap3A_199] {strides = array<i32>} : memref<64x256xi32, #tpu.memory_space<vmem>>, vector<16xi32>,
      tpu.vector_store %arg10[%swap3A_198, %swap3A_199], %add3A_197 {strides = array<i32>} : memref<64x256xi32, #tpu.memory_space<vmem>>, vector<16xi32>,
      %get3A_201 = arith.constant 448 : index
      %get3A_202 = tpu.vector_load %arg7[%get3A_201] {strides = array<i32>} : memref<512xi32, #tpu.memory_space<vmem>>, vector<16xi32>,
      %add3A_203 = vector.broadcast %mul3A_32 : i32 to vector<16xi32>
      %add3A_204 = arith.addi %get3A_202, %add3A_203 : vector<16xi32>
      %swap3A_205 = arith.index_cast %scan3A_30 : i32 to index
      %swap3A_206 = arith.constant 192 : index
      %swap3A_207 = tpu.vector_load %arg9[%swap3A_205, %swap3A_206] {strides = array<i32>} : memref<64x256xi32, #tpu.memory_space<vmem>>, vector<16xi32>,
      tpu.vector_store %arg9[%swap3A_205, %swap3A_206], %add3A_204 {strides = array<i32>} : memref<64x256xi32, #tpu.memory_space<vmem>>, vector<16xi32>,
      %get3A_208 = arith.constant 448 : index
      %get3A_209 = tpu.vector_load %arg8[%get3A_208] {strides = array<i32>} : memref<512xi32, #tpu.memory_space<vmem>>, vector<16xi32>,
      %add3A_210 = vector.broadcast %mul3A_34 : i32 to vector<16xi32>
      %add3A_211 = arith.addi %get3A_209, %add3A_210 : vector<16xi32>
      %swap3A_212 = arith.index_cast %scan3A_30 : i32 to index
      %swap3A_213 = arith.constant 192 : index
      %swap3A_214 = tpu.vector_load %arg10[%swap3A_212, %swap3A_213] {strides = array<i32>} : memref<64x256xi32, #tpu.memory_space<vmem>>, vector<16xi32>,
      tpu.vector_store %arg10[%swap3A_212, %swap3A_213], %add3A_211 {strides = array<i32>} : memref<64x256xi32, #tpu.memory_space<vmem>>, vector<16xi32>,
      %get3A_215 = arith.constant 464 : index
      %get3A_216 = tpu.vector_load %arg7[%get3A_215] {strides = array<i32>} : memref<512xi32, #tpu.memory_space<vmem>>, vector<16xi32>,
      %add3A_217 = vector.broadcast %mul3A_32 : i32 to vector<16xi32>
      %add3A_218 = arith.addi %get3A_216, %add3A_217 : vector<16xi32>
      %swap3A_219 = arith.index_cast %scan3A_30 : i32 to index
      %swap3A_220 = arith.constant 208 : index
      %swap3A_221 = tpu.vector_load %arg9[%swap3A_219, %swap3A_220] {strides = array<i32>} : memref<64x256xi32, #tpu.memory_space<vmem>>, vector<16xi32>,
      tpu.vector_store %arg9[%swap3A_219, %swap3A_220], %add3A_218 {strides = array<i32>} : memref<64x256xi32, #tpu.memory_space<vmem>>, vector<16xi32>,
      %get3A_222 = arith.constant 464 : index
      %get3A_223 = tpu.vector_load %arg8[%get3A_222] {strides = array<i32>} : memref<512xi32, #tpu.memory_space<vmem>>, vector<16xi32>,
      %add3A_224 = vector.broadcast %mul3A_34 : i32 to vector<16xi32>
      %add3A_225 = arith.addi %get3A_223, %add3A_224 : vector<16xi32>
      %swap3A_226 = arith.index_cast %scan3A_30 : i32 to index
      %swap3A_227 = arith.constant 208 : index
      %swap3A_228 = tpu.vector_load %arg10[%swap3A_226, %swap3A_227] {strides = array<i32>} : memref<64x256xi32, #tpu.memory_space<vmem>>, vector<16xi32>,
      tpu.vector_store %arg10[%swap3A_226, %swap3A_227], %add3A_225 {strides = array<i32>} : memref<64x256xi32, #tpu.memory_space<vmem>>, vector<16xi32>,
      %get3A_229 = arith.constant 480 : index
      %get3A_230 = tpu.vector_load %arg7[%get3A_229] {strides = array<i32>} : memref<512xi32, #tpu.memory_space<vmem>>, vector<16xi32>,
      %add3A_231 = vector.broadcast %mul3A_32 : i32 to vector<16xi32>
      %add3A_232 = arith.addi %get3A_230, %add3A_231 : vector<16xi32>
      %swap3A_233 = arith.index_cast %scan3A_30 : i32 to index
      %swap3A_234 = arith.constant 224 : index
      %swap3A_235 = tpu.vector_load %arg9[%swap3A_233, %swap3A_234] {strides = array<i32>} : memref<64x256xi32, #tpu.memory_space<vmem>>, vector<16xi32>,
      tpu.vector_store %arg9[%swap3A_233, %swap3A_234], %add3A_232 {strides = array<i32>} : memref<64x256xi32, #tpu.memory_space<vmem>>, vector<16xi32>,
      %get3A_236 = arith.constant 480 : index
      %get3A_237 = tpu.vector_load %arg8[%get3A_236] {strides = array<i32>} : memref<512xi32, #tpu.memory_space<vmem>>, vector<16xi32>,
      %add3A_238 = vector.broadcast %mul3A_34 : i32 to vector<16xi32>
      %add3A_239 = arith.addi %get3A_237, %add3A_238 : vector<16xi32>
      %swap3A_240 = arith.index_cast %scan3A_30 : i32 to index
      %swap3A_241 = arith.constant 224 : index
      %swap3A_242 = tpu.vector_load %arg10[%swap3A_240, %swap3A_241] {strides = array<i32>} : memref<64x256xi32, #tpu.memory_space<vmem>>, vector<16xi32>,
      tpu.vector_store %arg10[%swap3A_240, %swap3A_241], %add3A_239 {strides = array<i32>} : memref<64x256xi32, #tpu.memory_space<vmem>>, vector<16xi32>,
      %get3A_243 = arith.constant 496 : index
      %get3A_244 = tpu.vector_load %arg7[%get3A_243] {strides = array<i32>} : memref<512xi32, #tpu.memory_space<vmem>>, vector<16xi32>,
      %add3A_245 = vector.broadcast %mul3A_32 : i32 to vector<16xi32>
      %add3A_246 = arith.addi %get3A_244, %add3A_245 : vector<16xi32>
      %swap3A_247 = arith.index_cast %scan3A_30 : i32 to index
      %swap3A_248 = arith.constant 240 : index
      %swap3A_249 = tpu.vector_load %arg9[%swap3A_247, %swap3A_248] {strides = array<i32>} : memref<64x256xi32, #tpu.memory_space<vmem>>, vector<16xi32>,
      tpu.vector_store %arg9[%swap3A_247, %swap3A_248], %add3A_246 {strides = array<i32>} : memref<64x256xi32, #tpu.memory_space<vmem>>, vector<16xi32>,
      %get3A_250 = arith.constant 496 : index
      %get3A_251 = tpu.vector_load %arg8[%get3A_250] {strides = array<i32>} : memref<512xi32, #tpu.memory_space<vmem>>, vector<16xi32>,
      %add3A_252 = vector.broadcast %mul3A_34 : i32 to vector<16xi32>
      %add3A_253 = arith.addi %get3A_251, %add3A_252 : vector<16xi32>
      %swap3A_254 = arith.index_cast %scan3A_30 : i32 to index
      %swap3A_255 = arith.constant 240 : index
      %swap3A_256 = tpu.vector_load %arg10[%swap3A_254, %swap3A_255] {strides = array<i32>} : memref<64x256xi32, #tpu.memory_space<vmem>>, vector<16xi32>,
      tpu.vector_store %arg10[%swap3A_254, %swap3A_255], %add3A_253 {strides = array<i32>} : memref<64x256xi32, #tpu.memory_space<vmem>>, vector<16xi32>,
      %dma_start3A = arith.constant 0 : i32
      %dma_start3A_257 = tpu.memref_slice %arg11[%scan3A_30, %dma_start3A] : memref<64x256xf32, #tpu.memory_space<vmem>> -> memref<1x128xf32, #tpu.memory_space<vmem>>
      %dma_start3A_258 = tpu.memref_squeeze %dma_start3A_257 : memref<1x128xf32, #tpu.memory_space<vmem>> -> memref<128xf32, #tpu.memory_space<vmem>>
      %dma_start3A_259 = arith.constant 0 : i32
      %dma_start3A_260 = tpu.memref_slice %arg9[%scan3A_30, %dma_start3A_259] : memref<64x256xi32, #tpu.memory_space<vmem>> -> memref<1x128xi32, #tpu.memory_space<vmem>>
      %dma_start3A_261 = tpu.memref_squeeze %dma_start3A_260 : memref<1x128xi32, #tpu.memory_space<vmem>> -> memref<128xi32, #tpu.memory_space<vmem>>
      %dma_start3A_262 = arith.constant 0 : i32
      %dma_start3A_263 = tpu.memref_slice %arg4[%dma_start3A_262] : memref<64000000xf32, #tpu.memory_space<hbm>> -> memref<64000000xf32, #tpu.memory_space<hbm>>
      tpu.enqueue_indirect_dma source(%dma_start3A_263 : memref<64000000xf32, #tpu.memory_space<hbm>>) target(%dma_start3A_258 : memref<128xf32, #tpu.memory_space<vmem>>) offsets(%dma_start3A_261 : memref<128xi32, #tpu.memory_space<vmem>>) semaphore(%arg14 : memref<!tpu.dma_semaphore, #tpu.memory_space<semaphore_mem>>)
      %dma_start3A_264 = arith.constant 0 : i32
      %dma_start3A_265 = tpu.memref_slice %arg12[%scan3A_30, %dma_start3A_264] : memref<64x256xf32, #tpu.memory_space<vmem>> -> memref<1x128xf32, #tpu.memory_space<vmem>>
      %dma_start3A_266 = tpu.memref_squeeze %dma_start3A_265 : memref<1x128xf32, #tpu.memory_space<vmem>> -> memref<128xf32, #tpu.memory_space<vmem>>
      %dma_start3A_267 = arith.constant 0 : i32
      %dma_start3A_268 = tpu.memref_slice %arg10[%scan3A_30, %dma_start3A_267] : memref<64x256xi32, #tpu.memory_space<vmem>> -> memref<1x128xi32, #tpu.memory_space<vmem>>
      %dma_start3A_269 = tpu.memref_squeeze %dma_start3A_268 : memref<1x128xi32, #tpu.memory_space<vmem>> -> memref<128xi32, #tpu.memory_space<vmem>>
      %dma_start3A_270 = arith.constant 0 : i32
      %dma_start3A_271 = tpu.memref_slice %arg5[%dma_start3A_270] : memref<6400000xf32, #tpu.memory_space<hbm>> -> memref<6400000xf32, #tpu.memory_space<hbm>>
      tpu.enqueue_indirect_dma source(%dma_start3A_271 : memref<6400000xf32, #tpu.memory_space<hbm>>) target(%dma_start3A_266 : memref<128xf32, #tpu.memory_space<vmem>>) offsets(%dma_start3A_269 : memref<128xi32, #tpu.memory_space<vmem>>) semaphore(%arg15 : memref<!tpu.dma_semaphore, #tpu.memory_space<semaphore_mem>>)
      %dma_start3A_272 = arith.constant 128 : i32
      %dma_start3A_273 = tpu.memref_slice %arg11[%scan3A_30, %dma_start3A_272] : memref<64x256xf32, #tpu.memory_space<vmem>> -> memref<1x128xf32, #tpu.memory_space<vmem>>
      %dma_start3A_274 = tpu.memref_squeeze %dma_start3A_273 : memref<1x128xf32, #tpu.memory_space<vmem>> -> memref<128xf32, #tpu.memory_space<vmem>>
      %dma_start3A_275 = arith.constant 128 : i32
      %dma_start3A_276 = tpu.memref_slice %arg9[%scan3A_30, %dma_start3A_275] : memref<64x256xi32, #tpu.memory_space<vmem>> -> memref<1x128xi32, #tpu.memory_space<vmem>>
      %dma_start3A_277 = tpu.memref_squeeze %dma_start3A_276 : memref<1x128xi32, #tpu.memory_space<vmem>> -> memref<128xi32, #tpu.memory_space<vmem>>
      %dma_start3A_278 = arith.constant 0 : i32
      %dma_start3A_279 = tpu.memref_slice %arg4[%dma_start3A_278] : memref<64000000xf32, #tpu.memory_space<hbm>> -> memref<64000000xf32, #tpu.memory_space<hbm>>
      tpu.enqueue_indirect_dma source(%dma_start3A_279 : memref<64000000xf32, #tpu.memory_space<hbm>>) target(%dma_start3A_274 : memref<128xf32, #tpu.memory_space<vmem>>) offsets(%dma_start3A_277 : memref<128xi32, #tpu.memory_space<vmem>>) semaphore(%arg14 : memref<!tpu.dma_semaphore, #tpu.memory_space<semaphore_mem>>)
      %dma_start3A_280 = arith.constant 128 : i32
      %dma_start3A_281 = tpu.memref_slice %arg12[%scan3A_30, %dma_start3A_280] : memref<64x256xf32, #tpu.memory_space<vmem>> -> memref<1x128xf32, #tpu.memory_space<vmem>>
      %dma_start3A_282 = tpu.memref_squeeze %dma_start3A_281 : memref<1x128xf32, #tpu.memory_space<vmem>> -> memref<128xf32, #tpu.memory_space<vmem>>
      %dma_start3A_283 = arith.constant 128 : i32
      %dma_start3A_284 = tpu.memref_slice %arg10[%scan3A_30, %dma_start3A_283] : memref<64x256xi32, #tpu.memory_space<vmem>> -> memref<1x128xi32, #tpu.memory_space<vmem>>
      %dma_start3A_285 = tpu.memref_squeeze %dma_start3A_284 : memref<1x128xi32, #tpu.memory_space<vmem>> -> memref<128xi32, #tpu.memory_space<vmem>>
      %dma_start3A_286 = arith.constant 0 : i32
      %dma_start3A_287 = tpu.memref_slice %arg5[%dma_start3A_286] : memref<6400000xf32, #tpu.memory_space<hbm>> -> memref<6400000xf32, #tpu.memory_space<hbm>>
      tpu.enqueue_indirect_dma source(%dma_start3A_287 : memref<6400000xf32, #tpu.memory_space<hbm>>) target(%dma_start3A_282 : memref<128xf32, #tpu.memory_space<vmem>>) offsets(%dma_start3A_285 : memref<128xi32, #tpu.memory_space<vmem>>) semaphore(%arg15 : memref<!tpu.dma_semaphore, #tpu.memory_space<semaphore_mem>>)
      %dma_wait3A = arith.constant 0 : i32
      %dma_wait3A_288 = tpu.memref_slice %arg11[%scan3A_30, %dma_wait3A] : memref<64x256xf32, #tpu.memory_space<vmem>> -> memref<1x128xf32, #tpu.memory_space<vmem>>
      %dma_wait3A_289 = tpu.memref_squeeze %dma_wait3A_288 : memref<1x128xf32, #tpu.memory_space<vmem>> -> memref<128xf32, #tpu.memory_space<vmem>>
      %dma_wait3A_290 = arith.constant 0 : i32
      %dma_wait3A_291 = tpu.memref_slice %arg9[%scan3A_30, %dma_wait3A_290] : memref<64x256xi32, #tpu.memory_space<vmem>> -> memref<1x128xi32, #tpu.memory_space<vmem>>
      %dma_wait3A_292 = tpu.memref_squeeze %dma_wait3A_291 : memref<1x128xi32, #tpu.memory_space<vmem>> -> memref<128xi32, #tpu.memory_space<vmem>>
      %dma_wait3A_293 = arith.constant 0 : i32
      %dma_wait3A_294 = tpu.memref_slice %arg4[%dma_wait3A_293] : memref<64000000xf32, #tpu.memory_space<hbm>> -> memref<64000000xf32, #tpu.memory_space<hbm>>
      tpu.wait_indirect_dma semaphore(%arg14 : memref<!tpu.dma_semaphore, #tpu.memory_space<semaphore_mem>>) src(%dma_wait3A_294 : memref<64000000xf32, #tpu.memory_space<hbm>>) dst(%dma_wait3A_289 : memref<128xf32, #tpu.memory_space<vmem>>)
      %dma_wait3A_295 = arith.constant 0 : i32
      %dma_wait3A_296 = tpu.memref_slice %arg12[%scan3A_30, %dma_wait3A_295] : memref<64x256xf32, #tpu.memory_space<vmem>> -> memref<1x128xf32, #tpu.memory_space<vmem>>
      %dma_wait3A_297 = tpu.memref_squeeze %dma_wait3A_296 : memref<1x128xf32, #tpu.memory_space<vmem>> -> memref<128xf32, #tpu.memory_space<vmem>>
      %dma_wait3A_298 = arith.constant 0 : i32
      %dma_wait3A_299 = tpu.memref_slice %arg10[%scan3A_30, %dma_wait3A_298] : memref<64x256xi32, #tpu.memory_space<vmem>> -> memref<1x128xi32, #tpu.memory_space<vmem>>
      %dma_wait3A_300 = tpu.memref_squeeze %dma_wait3A_299 : memref<1x128xi32, #tpu.memory_space<vmem>> -> memref<128xi32, #tpu.memory_space<vmem>>
      %dma_wait3A_301 = arith.constant 0 : i32
      %dma_wait3A_302 = tpu.memref_slice %arg5[%dma_wait3A_301] : memref<6400000xf32, #tpu.memory_space<hbm>> -> memref<6400000xf32, #tpu.memory_space<hbm>>
      tpu.wait_indirect_dma semaphore(%arg15 : memref<!tpu.dma_semaphore, #tpu.memory_space<semaphore_mem>>) src(%dma_wait3A_302 : memref<6400000xf32, #tpu.memory_space<hbm>>) dst(%dma_wait3A_297 : memref<128xf32, #tpu.memory_space<vmem>>)
      %dma_wait3A_303 = arith.constant 128 : i32
      %dma_wait3A_304 = tpu.memref_slice %arg11[%scan3A_30, %dma_wait3A_303] : memref<64x256xf32, #tpu.memory_space<vmem>> -> memref<1x128xf32, #tpu.memory_space<vmem>>
      %dma_wait3A_305 = tpu.memref_squeeze %dma_wait3A_304 : memref<1x128xf32, #tpu.memory_space<vmem>> -> memref<128xf32, #tpu.memory_space<vmem>>
      %dma_wait3A_306 = arith.constant 128 : i32
      %dma_wait3A_307 = tpu.memref_slice %arg9[%scan3A_30, %dma_wait3A_306] : memref<64x256xi32, #tpu.memory_space<vmem>> -> memref<1x128xi32, #tpu.memory_space<vmem>>
      %dma_wait3A_308 = tpu.memref_squeeze %dma_wait3A_307 : memref<1x128xi32, #tpu.memory_space<vmem>> -> memref<128xi32, #tpu.memory_space<vmem>>
      %dma_wait3A_309 = arith.constant 0 : i32
      %dma_wait3A_310 = tpu.memref_slice %arg4[%dma_wait3A_309] : memref<64000000xf32, #tpu.memory_space<hbm>> -> memref<64000000xf32, #tpu.memory_space<hbm>>
      tpu.wait_indirect_dma semaphore(%arg14 : memref<!tpu.dma_semaphore, #tpu.memory_space<semaphore_mem>>) src(%dma_wait3A_310 : memref<64000000xf32, #tpu.memory_space<hbm>>) dst(%dma_wait3A_305 : memref<128xf32, #tpu.memory_space<vmem>>)
      %dma_wait3A_311 = arith.constant 128 : i32
      %dma_wait3A_312 = tpu.memref_slice %arg12[%scan3A_30, %dma_wait3A_311] : memref<64x256xf32, #tpu.memory_space<vmem>> -> memref<1x128xf32, #tpu.memory_space<vmem>>
      %dma_wait3A_313 = tpu.memref_squeeze %dma_wait3A_312 : memref<1x128xf32, #tpu.memory_space<vmem>> -> memref<128xf32, #tpu.memory_space<vmem>>
      %dma_wait3A_314 = arith.constant 128 : i32
      %dma_wait3A_315 = tpu.memref_slice %arg10[%scan3A_30, %dma_wait3A_314] : memref<64x256xi32, #tpu.memory_space<vmem>> -> memref<1x128xi32, #tpu.memory_space<vmem>>
      %dma_wait3A_316 = tpu.memref_squeeze %dma_wait3A_315 : memref<1x128xi32, #tpu.memory_space<vmem>> -> memref<128xi32, #tpu.memory_space<vmem>>
      %dma_wait3A_317 = arith.constant 0 : i32
      %dma_wait3A_318 = tpu.memref_slice %arg5[%dma_wait3A_317] : memref<6400000xf32, #tpu.memory_space<hbm>> -> memref<6400000xf32, #tpu.memory_space<hbm>>
      tpu.wait_indirect_dma semaphore(%arg15 : memref<!tpu.dma_semaphore, #tpu.memory_space<semaphore_mem>>) src(%dma_wait3A_318 : memref<6400000xf32, #tpu.memory_space<hbm>>) dst(%dma_wait3A_313 : memref<128xf32, #tpu.memory_space<vmem>>)
    }
    %scan3A_21 = arith.constant 64 : i32
    %scan3A_22 = arith.constant 0 : i32
    %scan3A_23 = arith.constant 0 : i32
    %scan3A_24 = arith.constant 16 : i32
    %scan3A_25 = arith.addi %scan3A_23, %scan3A_24 : i32
    %scan3A_26 = arith.constant 1 : i32
    scf.for %scan3A_30 = %scan3A_23 to %scan3A_25 step %scan3A_26  : i32 {
      %mul3A_31 = arith.constant 16 : i32
      %mul3A_32 = arith.muli %scan3A_30, %mul3A_31 : i32
      %broadcast_in_dim3A = arith.constant 0.000000e+00 : f32
      %broadcast_in_dim3A_33 = vector.broadcast %broadcast_in_dim3A : f32 to vector<16xf32>
      %get3A = arith.constant 0 : i32
      %get3A_34 = arith.index_cast %get3A : i32 to index
      %get3A_35 = arith.index_cast %mul3A_32 : i32 to index
      %get3A_36 = tpu.vector_load %arg11[%get3A_34, %get3A_35] {strides = array<i32>} : memref<64x256xf32, #tpu.memory_space<vmem>>, vector<16xf32>,
      %get3A_37 = arith.constant 0 : i32
      %get3A_38 = arith.index_cast %get3A_37 : i32 to index
      %get3A_39 = arith.index_cast %mul3A_32 : i32 to index
      %get3A_40 = tpu.vector_load %arg12[%get3A_38, %get3A_39] {strides = array<i32>} : memref<64x256xf32, #tpu.memory_space<vmem>>, vector<16xf32>,
      %mul3A_41 = arith.mulf %get3A_36, %get3A_40 : vector<16xf32>
      %add3A_42 = arith.addf %broadcast_in_dim3A_33, %mul3A_41 : vector<16xf32>
      %get3A_43 = arith.constant 1 : i32
      %get3A_44 = arith.index_cast %get3A_43 : i32 to index
      %get3A_45 = arith.index_cast %mul3A_32 : i32 to index
      %get3A_46 = tpu.vector_load %arg11[%get3A_44, %get3A_45] {strides = array<i32>} : memref<64x256xf32, #tpu.memory_space<vmem>>, vector<16xf32>,
      %get3A_47 = arith.constant 1 : i32
      %get3A_48 = arith.index_cast %get3A_47 : i32 to index
      %get3A_49 = arith.index_cast %mul3A_32 : i32 to index
      %get3A_50 = tpu.vector_load %arg12[%get3A_48, %get3A_49] {strides = array<i32>} : memref<64x256xf32, #tpu.memory_space<vmem>>, vector<16xf32>,
      %mul3A_51 = arith.mulf %get3A_46, %get3A_50 : vector<16xf32>
      %add3A_52 = arith.addf %add3A_42, %mul3A_51 : vector<16xf32>
      %get3A_53 = arith.constant 2 : i32
      %get3A_54 = arith.index_cast %get3A_53 : i32 to index
      %get3A_55 = arith.index_cast %mul3A_32 : i32 to index
      %get3A_56 = tpu.vector_load %arg11[%get3A_54, %get3A_55] {strides = array<i32>} : memref<64x256xf32, #tpu.memory_space<vmem>>, vector<16xf32>,
      %get3A_57 = arith.constant 2 : i32
      %get3A_58 = arith.index_cast %get3A_57 : i32 to index
      %get3A_59 = arith.index_cast %mul3A_32 : i32 to index
      %get3A_60 = tpu.vector_load %arg12[%get3A_58, %get3A_59] {strides = array<i32>} : memref<64x256xf32, #tpu.memory_space<vmem>>, vector<16xf32>,
      %mul3A_61 = arith.mulf %get3A_56, %get3A_60 : vector<16xf32>
      %add3A_62 = arith.addf %add3A_52, %mul3A_61 : vector<16xf32>
      %get3A_63 = arith.constant 3 : i32
      %get3A_64 = arith.index_cast %get3A_63 : i32 to index
      %get3A_65 = arith.index_cast %mul3A_32 : i32 to index
      %get3A_66 = tpu.vector_load %arg11[%get3A_64, %get3A_65] {strides = array<i32>} : memref<64x256xf32, #tpu.memory_space<vmem>>, vector<16xf32>,
      %get3A_67 = arith.constant 3 : i32
      %get3A_68 = arith.index_cast %get3A_67 : i32 to index
      %get3A_69 = arith.index_cast %mul3A_32 : i32 to index
      %get3A_70 = tpu.vector_load %arg12[%get3A_68, %get3A_69] {strides = array<i32>} : memref<64x256xf32, #tpu.memory_space<vmem>>, vector<16xf32>,
      %mul3A_71 = arith.mulf %get3A_66, %get3A_70 : vector<16xf32>
      %add3A_72 = arith.addf %add3A_62, %mul3A_71 : vector<16xf32>
      %get3A_73 = arith.constant 4 : i32
      %get3A_74 = arith.index_cast %get3A_73 : i32 to index
      %get3A_75 = arith.index_cast %mul3A_32 : i32 to index
      %get3A_76 = tpu.vector_load %arg11[%get3A_74, %get3A_75] {strides = array<i32>} : memref<64x256xf32, #tpu.memory_space<vmem>>, vector<16xf32>,
      %get3A_77 = arith.constant 4 : i32
      %get3A_78 = arith.index_cast %get3A_77 : i32 to index
      %get3A_79 = arith.index_cast %mul3A_32 : i32 to index
      %get3A_80 = tpu.vector_load %arg12[%get3A_78, %get3A_79] {strides = array<i32>} : memref<64x256xf32, #tpu.memory_space<vmem>>, vector<16xf32>,
      %mul3A_81 = arith.mulf %get3A_76, %get3A_80 : vector<16xf32>
      %add3A_82 = arith.addf %add3A_72, %mul3A_81 : vector<16xf32>
      %get3A_83 = arith.constant 5 : i32
      %get3A_84 = arith.index_cast %get3A_83 : i32 to index
      %get3A_85 = arith.index_cast %mul3A_32 : i32 to index
      %get3A_86 = tpu.vector_load %arg11[%get3A_84, %get3A_85] {strides = array<i32>} : memref<64x256xf32, #tpu.memory_space<vmem>>, vector<16xf32>,
      %get3A_87 = arith.constant 5 : i32
      %get3A_88 = arith.index_cast %get3A_87 : i32 to index
      %get3A_89 = arith.index_cast %mul3A_32 : i32 to index
      %get3A_90 = tpu.vector_load %arg12[%get3A_88, %get3A_89] {strides = array<i32>} : memref<64x256xf32, #tpu.memory_space<vmem>>, vector<16xf32>,
      %mul3A_91 = arith.mulf %get3A_86, %get3A_90 : vector<16xf32>
      %add3A_92 = arith.addf %add3A_82, %mul3A_91 : vector<16xf32>
      %get3A_93 = arith.constant 6 : i32
      %get3A_94 = arith.index_cast %get3A_93 : i32 to index
      %get3A_95 = arith.index_cast %mul3A_32 : i32 to index
      %get3A_96 = tpu.vector_load %arg11[%get3A_94, %get3A_95] {strides = array<i32>} : memref<64x256xf32, #tpu.memory_space<vmem>>, vector<16xf32>,
      %get3A_97 = arith.constant 6 : i32
      %get3A_98 = arith.index_cast %get3A_97 : i32 to index
      %get3A_99 = arith.index_cast %mul3A_32 : i32 to index
      %get3A_100 = tpu.vector_load %arg12[%get3A_98, %get3A_99] {strides = array<i32>} : memref<64x256xf32, #tpu.memory_space<vmem>>, vector<16xf32>,
      %mul3A_101 = arith.mulf %get3A_96, %get3A_100 : vector<16xf32>
      %add3A_102 = arith.addf %add3A_92, %mul3A_101 : vector<16xf32>
      %get3A_103 = arith.constant 7 : i32
      %get3A_104 = arith.index_cast %get3A_103 : i32 to index
      %get3A_105 = arith.index_cast %mul3A_32 : i32 to index
      %get3A_106 = tpu.vector_load %arg11[%get3A_104, %get3A_105] {strides = array<i32>} : memref<64x256xf32, #tpu.memory_space<vmem>>, vector<16xf32>,
      %get3A_107 = arith.constant 7 : i32
      %get3A_108 = arith.index_cast %get3A_107 : i32 to index
      %get3A_109 = arith.index_cast %mul3A_32 : i32 to index
      %get3A_110 = tpu.vector_load %arg12[%get3A_108, %get3A_109] {strides = array<i32>} : memref<64x256xf32, #tpu.memory_space<vmem>>, vector<16xf32>,
      %mul3A_111 = arith.mulf %get3A_106, %get3A_110 : vector<16xf32>
      %add3A_112 = arith.addf %add3A_102, %mul3A_111 : vector<16xf32>
      %get3A_113 = arith.constant 8 : i32
      %get3A_114 = arith.index_cast %get3A_113 : i32 to index
      %get3A_115 = arith.index_cast %mul3A_32 : i32 to index
      %get3A_116 = tpu.vector_load %arg11[%get3A_114, %get3A_115] {strides = array<i32>} : memref<64x256xf32, #tpu.memory_space<vmem>>, vector<16xf32>,
      %get3A_117 = arith.constant 8 : i32
      %get3A_118 = arith.index_cast %get3A_117 : i32 to index
      %get3A_119 = arith.index_cast %mul3A_32 : i32 to index
      %get3A_120 = tpu.vector_load %arg12[%get3A_118, %get3A_119] {strides = array<i32>} : memref<64x256xf32, #tpu.memory_space<vmem>>, vector<16xf32>,
      %mul3A_121 = arith.mulf %get3A_116, %get3A_120 : vector<16xf32>
      %add3A_122 = arith.addf %add3A_112, %mul3A_121 : vector<16xf32>
      %get3A_123 = arith.constant 9 : i32
      %get3A_124 = arith.index_cast %get3A_123 : i32 to index
      %get3A_125 = arith.index_cast %mul3A_32 : i32 to index
      %get3A_126 = tpu.vector_load %arg11[%get3A_124, %get3A_125] {strides = array<i32>} : memref<64x256xf32, #tpu.memory_space<vmem>>, vector<16xf32>,
      %get3A_127 = arith.constant 9 : i32
      %get3A_128 = arith.index_cast %get3A_127 : i32 to index
      %get3A_129 = arith.index_cast %mul3A_32 : i32 to index
      %get3A_130 = tpu.vector_load %arg12[%get3A_128, %get3A_129] {strides = array<i32>} : memref<64x256xf32, #tpu.memory_space<vmem>>, vector<16xf32>,
      %mul3A_131 = arith.mulf %get3A_126, %get3A_130 : vector<16xf32>
      %add3A_132 = arith.addf %add3A_122, %mul3A_131 : vector<16xf32>
      %get3A_133 = arith.constant 10 : i32
      %get3A_134 = arith.index_cast %get3A_133 : i32 to index
      %get3A_135 = arith.index_cast %mul3A_32 : i32 to index
      %get3A_136 = tpu.vector_load %arg11[%get3A_134, %get3A_135] {strides = array<i32>} : memref<64x256xf32, #tpu.memory_space<vmem>>, vector<16xf32>,
      %get3A_137 = arith.constant 10 : i32
      %get3A_138 = arith.index_cast %get3A_137 : i32 to index
      %get3A_139 = arith.index_cast %mul3A_32 : i32 to index
      %get3A_140 = tpu.vector_load %arg12[%get3A_138, %get3A_139] {strides = array<i32>} : memref<64x256xf32, #tpu.memory_space<vmem>>, vector<16xf32>,
      %mul3A_141 = arith.mulf %get3A_136, %get3A_140 : vector<16xf32>
      %add3A_142 = arith.addf %add3A_132, %mul3A_141 : vector<16xf32>
      %get3A_143 = arith.constant 11 : i32
      %get3A_144 = arith.index_cast %get3A_143 : i32 to index
      %get3A_145 = arith.index_cast %mul3A_32 : i32 to index
      %get3A_146 = tpu.vector_load %arg11[%get3A_144, %get3A_145] {strides = array<i32>} : memref<64x256xf32, #tpu.memory_space<vmem>>, vector<16xf32>,
      %get3A_147 = arith.constant 11 : i32
      %get3A_148 = arith.index_cast %get3A_147 : i32 to index
      %get3A_149 = arith.index_cast %mul3A_32 : i32 to index
      %get3A_150 = tpu.vector_load %arg12[%get3A_148, %get3A_149] {strides = array<i32>} : memref<64x256xf32, #tpu.memory_space<vmem>>, vector<16xf32>,
      %mul3A_151 = arith.mulf %get3A_146, %get3A_150 : vector<16xf32>
      %add3A_152 = arith.addf %add3A_142, %mul3A_151 : vector<16xf32>
      %get3A_153 = arith.constant 12 : i32
      %get3A_154 = arith.index_cast %get3A_153 : i32 to index
      %get3A_155 = arith.index_cast %mul3A_32 : i32 to index
      %get3A_156 = tpu.vector_load %arg11[%get3A_154, %get3A_155] {strides = array<i32>} : memref<64x256xf32, #tpu.memory_space<vmem>>, vector<16xf32>,
      %get3A_157 = arith.constant 12 : i32
      %get3A_158 = arith.index_cast %get3A_157 : i32 to index
      %get3A_159 = arith.index_cast %mul3A_32 : i32 to index
      %get3A_160 = tpu.vector_load %arg12[%get3A_158, %get3A_159] {strides = array<i32>} : memref<64x256xf32, #tpu.memory_space<vmem>>, vector<16xf32>,
      %mul3A_161 = arith.mulf %get3A_156, %get3A_160 : vector<16xf32>
      %add3A_162 = arith.addf %add3A_152, %mul3A_161 : vector<16xf32>
      %get3A_163 = arith.constant 13 : i32
      %get3A_164 = arith.index_cast %get3A_163 : i32 to index
      %get3A_165 = arith.index_cast %mul3A_32 : i32 to index
      %get3A_166 = tpu.vector_load %arg11[%get3A_164, %get3A_165] {strides = array<i32>} : memref<64x256xf32, #tpu.memory_space<vmem>>, vector<16xf32>,
      %get3A_167 = arith.constant 13 : i32
      %get3A_168 = arith.index_cast %get3A_167 : i32 to index
      %get3A_169 = arith.index_cast %mul3A_32 : i32 to index
      %get3A_170 = tpu.vector_load %arg12[%get3A_168, %get3A_169] {strides = array<i32>} : memref<64x256xf32, #tpu.memory_space<vmem>>, vector<16xf32>,
      %mul3A_171 = arith.mulf %get3A_166, %get3A_170 : vector<16xf32>
      %add3A_172 = arith.addf %add3A_162, %mul3A_171 : vector<16xf32>
      %get3A_173 = arith.constant 14 : i32
      %get3A_174 = arith.index_cast %get3A_173 : i32 to index
      %get3A_175 = arith.index_cast %mul3A_32 : i32 to index
      %get3A_176 = tpu.vector_load %arg11[%get3A_174, %get3A_175] {strides = array<i32>} : memref<64x256xf32, #tpu.memory_space<vmem>>, vector<16xf32>,
      %get3A_177 = arith.constant 14 : i32
      %get3A_178 = arith.index_cast %get3A_177 : i32 to index
      %get3A_179 = arith.index_cast %mul3A_32 : i32 to index
      %get3A_180 = tpu.vector_load %arg12[%get3A_178, %get3A_179] {strides = array<i32>} : memref<64x256xf32, #tpu.memory_space<vmem>>, vector<16xf32>,
      %mul3A_181 = arith.mulf %get3A_176, %get3A_180 : vector<16xf32>
      %add3A_182 = arith.addf %add3A_172, %mul3A_181 : vector<16xf32>
      %get3A_183 = arith.constant 15 : i32
      %get3A_184 = arith.index_cast %get3A_183 : i32 to index
      %get3A_185 = arith.index_cast %mul3A_32 : i32 to index
      %get3A_186 = tpu.vector_load %arg11[%get3A_184, %get3A_185] {strides = array<i32>} : memref<64x256xf32, #tpu.memory_space<vmem>>, vector<16xf32>,
      %get3A_187 = arith.constant 15 : i32
      %get3A_188 = arith.index_cast %get3A_187 : i32 to index
      %get3A_189 = arith.index_cast %mul3A_32 : i32 to index
      %get3A_190 = tpu.vector_load %arg12[%get3A_188, %get3A_189] {strides = array<i32>} : memref<64x256xf32, #tpu.memory_space<vmem>>, vector<16xf32>,
      %mul3A_191 = arith.mulf %get3A_186, %get3A_190 : vector<16xf32>
      %add3A_192 = arith.addf %add3A_182, %mul3A_191 : vector<16xf32>
      %get3A_193 = arith.constant 16 : i32
      %get3A_194 = arith.index_cast %get3A_193 : i32 to index
      %get3A_195 = arith.index_cast %mul3A_32 : i32 to index
      %get3A_196 = tpu.vector_load %arg11[%get3A_194, %get3A_195] {strides = array<i32>} : memref<64x256xf32, #tpu.memory_space<vmem>>, vector<16xf32>,
      %get3A_197 = arith.constant 16 : i32
      %get3A_198 = arith.index_cast %get3A_197 : i32 to index
      %get3A_199 = arith.index_cast %mul3A_32 : i32 to index
      %get3A_200 = tpu.vector_load %arg12[%get3A_198, %get3A_199] {strides = array<i32>} : memref<64x256xf32, #tpu.memory_space<vmem>>, vector<16xf32>,
      %mul3A_201 = arith.mulf %get3A_196, %get3A_200 : vector<16xf32>
      %add3A_202 = arith.addf %add3A_192, %mul3A_201 : vector<16xf32>
      %get3A_203 = arith.constant 17 : i32
      %get3A_204 = arith.index_cast %get3A_203 : i32 to index
      %get3A_205 = arith.index_cast %mul3A_32 : i32 to index
      %get3A_206 = tpu.vector_load %arg11[%get3A_204, %get3A_205] {strides = array<i32>} : memref<64x256xf32, #tpu.memory_space<vmem>>, vector<16xf32>,
      %get3A_207 = arith.constant 17 : i32
      %get3A_208 = arith.index_cast %get3A_207 : i32 to index
      %get3A_209 = arith.index_cast %mul3A_32 : i32 to index
      %get3A_210 = tpu.vector_load %arg12[%get3A_208, %get3A_209] {strides = array<i32>} : memref<64x256xf32, #tpu.memory_space<vmem>>, vector<16xf32>,
      %mul3A_211 = arith.mulf %get3A_206, %get3A_210 : vector<16xf32>
      %add3A_212 = arith.addf %add3A_202, %mul3A_211 : vector<16xf32>
      %get3A_213 = arith.constant 18 : i32
      %get3A_214 = arith.index_cast %get3A_213 : i32 to index
      %get3A_215 = arith.index_cast %mul3A_32 : i32 to index
      %get3A_216 = tpu.vector_load %arg11[%get3A_214, %get3A_215] {strides = array<i32>} : memref<64x256xf32, #tpu.memory_space<vmem>>, vector<16xf32>,
      %get3A_217 = arith.constant 18 : i32
      %get3A_218 = arith.index_cast %get3A_217 : i32 to index
      %get3A_219 = arith.index_cast %mul3A_32 : i32 to index
      %get3A_220 = tpu.vector_load %arg12[%get3A_218, %get3A_219] {strides = array<i32>} : memref<64x256xf32, #tpu.memory_space<vmem>>, vector<16xf32>,
      %mul3A_221 = arith.mulf %get3A_216, %get3A_220 : vector<16xf32>
      %add3A_222 = arith.addf %add3A_212, %mul3A_221 : vector<16xf32>
      %get3A_223 = arith.constant 19 : i32
      %get3A_224 = arith.index_cast %get3A_223 : i32 to index
      %get3A_225 = arith.index_cast %mul3A_32 : i32 to index
      %get3A_226 = tpu.vector_load %arg11[%get3A_224, %get3A_225] {strides = array<i32>} : memref<64x256xf32, #tpu.memory_space<vmem>>, vector<16xf32>,
      %get3A_227 = arith.constant 19 : i32
      %get3A_228 = arith.index_cast %get3A_227 : i32 to index
      %get3A_229 = arith.index_cast %mul3A_32 : i32 to index
      %get3A_230 = tpu.vector_load %arg12[%get3A_228, %get3A_229] {strides = array<i32>} : memref<64x256xf32, #tpu.memory_space<vmem>>, vector<16xf32>,
      %mul3A_231 = arith.mulf %get3A_226, %get3A_230 : vector<16xf32>
      %add3A_232 = arith.addf %add3A_222, %mul3A_231 : vector<16xf32>
      %get3A_233 = arith.constant 20 : i32
      %get3A_234 = arith.index_cast %get3A_233 : i32 to index
      %get3A_235 = arith.index_cast %mul3A_32 : i32 to index
      %get3A_236 = tpu.vector_load %arg11[%get3A_234, %get3A_235] {strides = array<i32>} : memref<64x256xf32, #tpu.memory_space<vmem>>, vector<16xf32>,
      %get3A_237 = arith.constant 20 : i32
      %get3A_238 = arith.index_cast %get3A_237 : i32 to index
      %get3A_239 = arith.index_cast %mul3A_32 : i32 to index
      %get3A_240 = tpu.vector_load %arg12[%get3A_238, %get3A_239] {strides = array<i32>} : memref<64x256xf32, #tpu.memory_space<vmem>>, vector<16xf32>,
      %mul3A_241 = arith.mulf %get3A_236, %get3A_240 : vector<16xf32>
      %add3A_242 = arith.addf %add3A_232, %mul3A_241 : vector<16xf32>
      %get3A_243 = arith.constant 21 : i32
      %get3A_244 = arith.index_cast %get3A_243 : i32 to index
      %get3A_245 = arith.index_cast %mul3A_32 : i32 to index
      %get3A_246 = tpu.vector_load %arg11[%get3A_244, %get3A_245] {strides = array<i32>} : memref<64x256xf32, #tpu.memory_space<vmem>>, vector<16xf32>,
      %get3A_247 = arith.constant 21 : i32
      %get3A_248 = arith.index_cast %get3A_247 : i32 to index
      %get3A_249 = arith.index_cast %mul3A_32 : i32 to index
      %get3A_250 = tpu.vector_load %arg12[%get3A_248, %get3A_249] {strides = array<i32>} : memref<64x256xf32, #tpu.memory_space<vmem>>, vector<16xf32>,
      %mul3A_251 = arith.mulf %get3A_246, %get3A_250 : vector<16xf32>
      %add3A_252 = arith.addf %add3A_242, %mul3A_251 : vector<16xf32>
      %get3A_253 = arith.constant 22 : i32
      %get3A_254 = arith.index_cast %get3A_253 : i32 to index
      %get3A_255 = arith.index_cast %mul3A_32 : i32 to index
      %get3A_256 = tpu.vector_load %arg11[%get3A_254, %get3A_255] {strides = array<i32>} : memref<64x256xf32, #tpu.memory_space<vmem>>, vector<16xf32>,
      %get3A_257 = arith.constant 22 : i32
      %get3A_258 = arith.index_cast %get3A_257 : i32 to index
      %get3A_259 = arith.index_cast %mul3A_32 : i32 to index
      %get3A_260 = tpu.vector_load %arg12[%get3A_258, %get3A_259] {strides = array<i32>} : memref<64x256xf32, #tpu.memory_space<vmem>>, vector<16xf32>,
      %mul3A_261 = arith.mulf %get3A_256, %get3A_260 : vector<16xf32>
      %add3A_262 = arith.addf %add3A_252, %mul3A_261 : vector<16xf32>
      %get3A_263 = arith.constant 23 : i32
      %get3A_264 = arith.index_cast %get3A_263 : i32 to index
      %get3A_265 = arith.index_cast %mul3A_32 : i32 to index
      %get3A_266 = tpu.vector_load %arg11[%get3A_264, %get3A_265] {strides = array<i32>} : memref<64x256xf32, #tpu.memory_space<vmem>>, vector<16xf32>,
      %get3A_267 = arith.constant 23 : i32
      %get3A_268 = arith.index_cast %get3A_267 : i32 to index
      %get3A_269 = arith.index_cast %mul3A_32 : i32 to index
      %get3A_270 = tpu.vector_load %arg12[%get3A_268, %get3A_269] {strides = array<i32>} : memref<64x256xf32, #tpu.memory_space<vmem>>, vector<16xf32>,
      %mul3A_271 = arith.mulf %get3A_266, %get3A_270 : vector<16xf32>
      %add3A_272 = arith.addf %add3A_262, %mul3A_271 : vector<16xf32>
      %get3A_273 = arith.constant 24 : i32
      %get3A_274 = arith.index_cast %get3A_273 : i32 to index
      %get3A_275 = arith.index_cast %mul3A_32 : i32 to index
      %get3A_276 = tpu.vector_load %arg11[%get3A_274, %get3A_275] {strides = array<i32>} : memref<64x256xf32, #tpu.memory_space<vmem>>, vector<16xf32>,
      %get3A_277 = arith.constant 24 : i32
      %get3A_278 = arith.index_cast %get3A_277 : i32 to index
      %get3A_279 = arith.index_cast %mul3A_32 : i32 to index
      %get3A_280 = tpu.vector_load %arg12[%get3A_278, %get3A_279] {strides = array<i32>} : memref<64x256xf32, #tpu.memory_space<vmem>>, vector<16xf32>,
      %mul3A_281 = arith.mulf %get3A_276, %get3A_280 : vector<16xf32>
      %add3A_282 = arith.addf %add3A_272, %mul3A_281 : vector<16xf32>
      %get3A_283 = arith.constant 25 : i32
      %get3A_284 = arith.index_cast %get3A_283 : i32 to index
      %get3A_285 = arith.index_cast %mul3A_32 : i32 to index
      %get3A_286 = tpu.vector_load %arg11[%get3A_284, %get3A_285] {strides = array<i32>} : memref<64x256xf32, #tpu.memory_space<vmem>>, vector<16xf32>,
      %get3A_287 = arith.constant 25 : i32
      %get3A_288 = arith.index_cast %get3A_287 : i32 to index
      %get3A_289 = arith.index_cast %mul3A_32 : i32 to index
      %get3A_290 = tpu.vector_load %arg12[%get3A_288, %get3A_289] {strides = array<i32>} : memref<64x256xf32, #tpu.memory_space<vmem>>, vector<16xf32>,
      %mul3A_291 = arith.mulf %get3A_286, %get3A_290 : vector<16xf32>
      %add3A_292 = arith.addf %add3A_282, %mul3A_291 : vector<16xf32>
      %get3A_293 = arith.constant 26 : i32
      %get3A_294 = arith.index_cast %get3A_293 : i32 to index
      %get3A_295 = arith.index_cast %mul3A_32 : i32 to index
      %get3A_296 = tpu.vector_load %arg11[%get3A_294, %get3A_295] {strides = array<i32>} : memref<64x256xf32, #tpu.memory_space<vmem>>, vector<16xf32>,
      %get3A_297 = arith.constant 26 : i32
      %get3A_298 = arith.index_cast %get3A_297 : i32 to index
      %get3A_299 = arith.index_cast %mul3A_32 : i32 to index
      %get3A_300 = tpu.vector_load %arg12[%get3A_298, %get3A_299] {strides = array<i32>} : memref<64x256xf32, #tpu.memory_space<vmem>>, vector<16xf32>,
      %mul3A_301 = arith.mulf %get3A_296, %get3A_300 : vector<16xf32>
      %add3A_302 = arith.addf %add3A_292, %mul3A_301 : vector<16xf32>
      %get3A_303 = arith.constant 27 : i32
      %get3A_304 = arith.index_cast %get3A_303 : i32 to index
      %get3A_305 = arith.index_cast %mul3A_32 : i32 to index
      %get3A_306 = tpu.vector_load %arg11[%get3A_304, %get3A_305] {strides = array<i32>} : memref<64x256xf32, #tpu.memory_space<vmem>>, vector<16xf32>,
      %get3A_307 = arith.constant 27 : i32
      %get3A_308 = arith.index_cast %get3A_307 : i32 to index
      %get3A_309 = arith.index_cast %mul3A_32 : i32 to index
      %get3A_310 = tpu.vector_load %arg12[%get3A_308, %get3A_309] {strides = array<i32>} : memref<64x256xf32, #tpu.memory_space<vmem>>, vector<16xf32>,
      %mul3A_311 = arith.mulf %get3A_306, %get3A_310 : vector<16xf32>
      %add3A_312 = arith.addf %add3A_302, %mul3A_311 : vector<16xf32>
      %get3A_313 = arith.constant 28 : i32
      %get3A_314 = arith.index_cast %get3A_313 : i32 to index
      %get3A_315 = arith.index_cast %mul3A_32 : i32 to index
      %get3A_316 = tpu.vector_load %arg11[%get3A_314, %get3A_315] {strides = array<i32>} : memref<64x256xf32, #tpu.memory_space<vmem>>, vector<16xf32>,
      %get3A_317 = arith.constant 28 : i32
      %get3A_318 = arith.index_cast %get3A_317 : i32 to index
      %get3A_319 = arith.index_cast %mul3A_32 : i32 to index
      %get3A_320 = tpu.vector_load %arg12[%get3A_318, %get3A_319] {strides = array<i32>} : memref<64x256xf32, #tpu.memory_space<vmem>>, vector<16xf32>,
      %mul3A_321 = arith.mulf %get3A_316, %get3A_320 : vector<16xf32>
      %add3A_322 = arith.addf %add3A_312, %mul3A_321 : vector<16xf32>
      %get3A_323 = arith.constant 29 : i32
      %get3A_324 = arith.index_cast %get3A_323 : i32 to index
      %get3A_325 = arith.index_cast %mul3A_32 : i32 to index
      %get3A_326 = tpu.vector_load %arg11[%get3A_324, %get3A_325] {strides = array<i32>} : memref<64x256xf32, #tpu.memory_space<vmem>>, vector<16xf32>,
      %get3A_327 = arith.constant 29 : i32
      %get3A_328 = arith.index_cast %get3A_327 : i32 to index
      %get3A_329 = arith.index_cast %mul3A_32 : i32 to index
      %get3A_330 = tpu.vector_load %arg12[%get3A_328, %get3A_329] {strides = array<i32>} : memref<64x256xf32, #tpu.memory_space<vmem>>, vector<16xf32>,
      %mul3A_331 = arith.mulf %get3A_326, %get3A_330 : vector<16xf32>
      %add3A_332 = arith.addf %add3A_322, %mul3A_331 : vector<16xf32>
      %get3A_333 = arith.constant 30 : i32
      %get3A_334 = arith.index_cast %get3A_333 : i32 to index
      %get3A_335 = arith.index_cast %mul3A_32 : i32 to index
      %get3A_336 = tpu.vector_load %arg11[%get3A_334, %get3A_335] {strides = array<i32>} : memref<64x256xf32, #tpu.memory_space<vmem>>, vector<16xf32>,
      %get3A_337 = arith.constant 30 : i32
      %get3A_338 = arith.index_cast %get3A_337 : i32 to index
      %get3A_339 = arith.index_cast %mul3A_32 : i32 to index
      %get3A_340 = tpu.vector_load %arg12[%get3A_338, %get3A_339] {strides = array<i32>} : memref<64x256xf32, #tpu.memory_space<vmem>>, vector<16xf32>,
      %mul3A_341 = arith.mulf %get3A_336, %get3A_340 : vector<16xf32>
      %add3A_342 = arith.addf %add3A_332, %mul3A_341 : vector<16xf32>
      %get3A_343 = arith.constant 31 : i32
      %get3A_344 = arith.index_cast %get3A_343 : i32 to index
      %get3A_345 = arith.index_cast %mul3A_32 : i32 to index
      %get3A_346 = tpu.vector_load %arg11[%get3A_344, %get3A_345] {strides = array<i32>} : memref<64x256xf32, #tpu.memory_space<vmem>>, vector<16xf32>,
      %get3A_347 = arith.constant 31 : i32
      %get3A_348 = arith.index_cast %get3A_347 : i32 to index
      %get3A_349 = arith.index_cast %mul3A_32 : i32 to index
      %get3A_350 = tpu.vector_load %arg12[%get3A_348, %get3A_349] {strides = array<i32>} : memref<64x256xf32, #tpu.memory_space<vmem>>, vector<16xf32>,
      %mul3A_351 = arith.mulf %get3A_346, %get3A_350 : vector<16xf32>
      %add3A_352 = arith.addf %add3A_342, %mul3A_351 : vector<16xf32>
      %get3A_353 = arith.constant 32 : i32
      %get3A_354 = arith.index_cast %get3A_353 : i32 to index
      %get3A_355 = arith.index_cast %mul3A_32 : i32 to index
      %get3A_356 = tpu.vector_load %arg11[%get3A_354, %get3A_355] {strides = array<i32>} : memref<64x256xf32, #tpu.memory_space<vmem>>, vector<16xf32>,
      %get3A_357 = arith.constant 32 : i32
      %get3A_358 = arith.index_cast %get3A_357 : i32 to index
      %get3A_359 = arith.index_cast %mul3A_32 : i32 to index
      %get3A_360 = tpu.vector_load %arg12[%get3A_358, %get3A_359] {strides = array<i32>} : memref<64x256xf32, #tpu.memory_space<vmem>>, vector<16xf32>,
      %mul3A_361 = arith.mulf %get3A_356, %get3A_360 : vector<16xf32>
      %add3A_362 = arith.addf %add3A_352, %mul3A_361 : vector<16xf32>
      %get3A_363 = arith.constant 33 : i32
      %get3A_364 = arith.index_cast %get3A_363 : i32 to index
      %get3A_365 = arith.index_cast %mul3A_32 : i32 to index
      %get3A_366 = tpu.vector_load %arg11[%get3A_364, %get3A_365] {strides = array<i32>} : memref<64x256xf32, #tpu.memory_space<vmem>>, vector<16xf32>,
      %get3A_367 = arith.constant 33 : i32
      %get3A_368 = arith.index_cast %get3A_367 : i32 to index
      %get3A_369 = arith.index_cast %mul3A_32 : i32 to index
      %get3A_370 = tpu.vector_load %arg12[%get3A_368, %get3A_369] {strides = array<i32>} : memref<64x256xf32, #tpu.memory_space<vmem>>, vector<16xf32>,
      %mul3A_371 = arith.mulf %get3A_366, %get3A_370 : vector<16xf32>
      %add3A_372 = arith.addf %add3A_362, %mul3A_371 : vector<16xf32>
      %get3A_373 = arith.constant 34 : i32
      %get3A_374 = arith.index_cast %get3A_373 : i32 to index
      %get3A_375 = arith.index_cast %mul3A_32 : i32 to index
      %get3A_376 = tpu.vector_load %arg11[%get3A_374, %get3A_375] {strides = array<i32>} : memref<64x256xf32, #tpu.memory_space<vmem>>, vector<16xf32>,
      %get3A_377 = arith.constant 34 : i32
      %get3A_378 = arith.index_cast %get3A_377 : i32 to index
      %get3A_379 = arith.index_cast %mul3A_32 : i32 to index
      %get3A_380 = tpu.vector_load %arg12[%get3A_378, %get3A_379] {strides = array<i32>} : memref<64x256xf32, #tpu.memory_space<vmem>>, vector<16xf32>,
      %mul3A_381 = arith.mulf %get3A_376, %get3A_380 : vector<16xf32>
      %add3A_382 = arith.addf %add3A_372, %mul3A_381 : vector<16xf32>
      %get3A_383 = arith.constant 35 : i32
      %get3A_384 = arith.index_cast %get3A_383 : i32 to index
      %get3A_385 = arith.index_cast %mul3A_32 : i32 to index
      %get3A_386 = tpu.vector_load %arg11[%get3A_384, %get3A_385] {strides = array<i32>} : memref<64x256xf32, #tpu.memory_space<vmem>>, vector<16xf32>,
      %get3A_387 = arith.constant 35 : i32
      %get3A_388 = arith.index_cast %get3A_387 : i32 to index
      %get3A_389 = arith.index_cast %mul3A_32 : i32 to index
      %get3A_390 = tpu.vector_load %arg12[%get3A_388, %get3A_389] {strides = array<i32>} : memref<64x256xf32, #tpu.memory_space<vmem>>, vector<16xf32>,
      %mul3A_391 = arith.mulf %get3A_386, %get3A_390 : vector<16xf32>
      %add3A_392 = arith.addf %add3A_382, %mul3A_391 : vector<16xf32>
      %get3A_393 = arith.constant 36 : i32
      %get3A_394 = arith.index_cast %get3A_393 : i32 to index
      %get3A_395 = arith.index_cast %mul3A_32 : i32 to index
      %get3A_396 = tpu.vector_load %arg11[%get3A_394, %get3A_395] {strides = array<i32>} : memref<64x256xf32, #tpu.memory_space<vmem>>, vector<16xf32>,
      %get3A_397 = arith.constant 36 : i32
      %get3A_398 = arith.index_cast %get3A_397 : i32 to index
      %get3A_399 = arith.index_cast %mul3A_32 : i32 to index
      %get3A_400 = tpu.vector_load %arg12[%get3A_398, %get3A_399] {strides = array<i32>} : memref<64x256xf32, #tpu.memory_space<vmem>>, vector<16xf32>,
      %mul3A_401 = arith.mulf %get3A_396, %get3A_400 : vector<16xf32>
      %add3A_402 = arith.addf %add3A_392, %mul3A_401 : vector<16xf32>
      %get3A_403 = arith.constant 37 : i32
      %get3A_404 = arith.index_cast %get3A_403 : i32 to index
      %get3A_405 = arith.index_cast %mul3A_32 : i32 to index
      %get3A_406 = tpu.vector_load %arg11[%get3A_404, %get3A_405] {strides = array<i32>} : memref<64x256xf32, #tpu.memory_space<vmem>>, vector<16xf32>,
      %get3A_407 = arith.constant 37 : i32
      %get3A_408 = arith.index_cast %get3A_407 : i32 to index
      %get3A_409 = arith.index_cast %mul3A_32 : i32 to index
      %get3A_410 = tpu.vector_load %arg12[%get3A_408, %get3A_409] {strides = array<i32>} : memref<64x256xf32, #tpu.memory_space<vmem>>, vector<16xf32>,
      %mul3A_411 = arith.mulf %get3A_406, %get3A_410 : vector<16xf32>
      %add3A_412 = arith.addf %add3A_402, %mul3A_411 : vector<16xf32>
      %get3A_413 = arith.constant 38 : i32
      %get3A_414 = arith.index_cast %get3A_413 : i32 to index
      %get3A_415 = arith.index_cast %mul3A_32 : i32 to index
      %get3A_416 = tpu.vector_load %arg11[%get3A_414, %get3A_415] {strides = array<i32>} : memref<64x256xf32, #tpu.memory_space<vmem>>, vector<16xf32>,
      %get3A_417 = arith.constant 38 : i32
      %get3A_418 = arith.index_cast %get3A_417 : i32 to index
      %get3A_419 = arith.index_cast %mul3A_32 : i32 to index
      %get3A_420 = tpu.vector_load %arg12[%get3A_418, %get3A_419] {strides = array<i32>} : memref<64x256xf32, #tpu.memory_space<vmem>>, vector<16xf32>,
      %mul3A_421 = arith.mulf %get3A_416, %get3A_420 : vector<16xf32>
      %add3A_422 = arith.addf %add3A_412, %mul3A_421 : vector<16xf32>
      %get3A_423 = arith.constant 39 : i32
      %get3A_424 = arith.index_cast %get3A_423 : i32 to index
      %get3A_425 = arith.index_cast %mul3A_32 : i32 to index
      %get3A_426 = tpu.vector_load %arg11[%get3A_424, %get3A_425] {strides = array<i32>} : memref<64x256xf32, #tpu.memory_space<vmem>>, vector<16xf32>,
      %get3A_427 = arith.constant 39 : i32
      %get3A_428 = arith.index_cast %get3A_427 : i32 to index
      %get3A_429 = arith.index_cast %mul3A_32 : i32 to index
      %get3A_430 = tpu.vector_load %arg12[%get3A_428, %get3A_429] {strides = array<i32>} : memref<64x256xf32, #tpu.memory_space<vmem>>, vector<16xf32>,
      %mul3A_431 = arith.mulf %get3A_426, %get3A_430 : vector<16xf32>
      %add3A_432 = arith.addf %add3A_422, %mul3A_431 : vector<16xf32>
      %get3A_433 = arith.constant 40 : i32
      %get3A_434 = arith.index_cast %get3A_433 : i32 to index
      %get3A_435 = arith.index_cast %mul3A_32 : i32 to index
      %get3A_436 = tpu.vector_load %arg11[%get3A_434, %get3A_435] {strides = array<i32>} : memref<64x256xf32, #tpu.memory_space<vmem>>, vector<16xf32>,
      %get3A_437 = arith.constant 40 : i32
      %get3A_438 = arith.index_cast %get3A_437 : i32 to index
      %get3A_439 = arith.index_cast %mul3A_32 : i32 to index
      %get3A_440 = tpu.vector_load %arg12[%get3A_438, %get3A_439] {strides = array<i32>} : memref<64x256xf32, #tpu.memory_space<vmem>>, vector<16xf32>,
      %mul3A_441 = arith.mulf %get3A_436, %get3A_440 : vector<16xf32>
      %add3A_442 = arith.addf %add3A_432, %mul3A_441 : vector<16xf32>
      %get3A_443 = arith.constant 41 : i32
      %get3A_444 = arith.index_cast %get3A_443 : i32 to index
      %get3A_445 = arith.index_cast %mul3A_32 : i32 to index
      %get3A_446 = tpu.vector_load %arg11[%get3A_444, %get3A_445] {strides = array<i32>} : memref<64x256xf32, #tpu.memory_space<vmem>>, vector<16xf32>,
      %get3A_447 = arith.constant 41 : i32
      %get3A_448 = arith.index_cast %get3A_447 : i32 to index
      %get3A_449 = arith.index_cast %mul3A_32 : i32 to index
      %get3A_450 = tpu.vector_load %arg12[%get3A_448, %get3A_449] {strides = array<i32>} : memref<64x256xf32, #tpu.memory_space<vmem>>, vector<16xf32>,
      %mul3A_451 = arith.mulf %get3A_446, %get3A_450 : vector<16xf32>
      %add3A_452 = arith.addf %add3A_442, %mul3A_451 : vector<16xf32>
      %get3A_453 = arith.constant 42 : i32
      %get3A_454 = arith.index_cast %get3A_453 : i32 to index
      %get3A_455 = arith.index_cast %mul3A_32 : i32 to index
      %get3A_456 = tpu.vector_load %arg11[%get3A_454, %get3A_455] {strides = array<i32>} : memref<64x256xf32, #tpu.memory_space<vmem>>, vector<16xf32>,
      %get3A_457 = arith.constant 42 : i32
      %get3A_458 = arith.index_cast %get3A_457 : i32 to index
      %get3A_459 = arith.index_cast %mul3A_32 : i32 to index
      %get3A_460 = tpu.vector_load %arg12[%get3A_458, %get3A_459] {strides = array<i32>} : memref<64x256xf32, #tpu.memory_space<vmem>>, vector<16xf32>,
      %mul3A_461 = arith.mulf %get3A_456, %get3A_460 : vector<16xf32>
      %add3A_462 = arith.addf %add3A_452, %mul3A_461 : vector<16xf32>
      %get3A_463 = arith.constant 43 : i32
      %get3A_464 = arith.index_cast %get3A_463 : i32 to index
      %get3A_465 = arith.index_cast %mul3A_32 : i32 to index
      %get3A_466 = tpu.vector_load %arg11[%get3A_464, %get3A_465] {strides = array<i32>} : memref<64x256xf32, #tpu.memory_space<vmem>>, vector<16xf32>,
      %get3A_467 = arith.constant 43 : i32
      %get3A_468 = arith.index_cast %get3A_467 : i32 to index
      %get3A_469 = arith.index_cast %mul3A_32 : i32 to index
      %get3A_470 = tpu.vector_load %arg12[%get3A_468, %get3A_469] {strides = array<i32>} : memref<64x256xf32, #tpu.memory_space<vmem>>, vector<16xf32>,
      %mul3A_471 = arith.mulf %get3A_466, %get3A_470 : vector<16xf32>
      %add3A_472 = arith.addf %add3A_462, %mul3A_471 : vector<16xf32>
      %get3A_473 = arith.constant 44 : i32
      %get3A_474 = arith.index_cast %get3A_473 : i32 to index
      %get3A_475 = arith.index_cast %mul3A_32 : i32 to index
      %get3A_476 = tpu.vector_load %arg11[%get3A_474, %get3A_475] {strides = array<i32>} : memref<64x256xf32, #tpu.memory_space<vmem>>, vector<16xf32>,
      %get3A_477 = arith.constant 44 : i32
      %get3A_478 = arith.index_cast %get3A_477 : i32 to index
      %get3A_479 = arith.index_cast %mul3A_32 : i32 to index
      %get3A_480 = tpu.vector_load %arg12[%get3A_478, %get3A_479] {strides = array<i32>} : memref<64x256xf32, #tpu.memory_space<vmem>>, vector<16xf32>,
      %mul3A_481 = arith.mulf %get3A_476, %get3A_480 : vector<16xf32>
      %add3A_482 = arith.addf %add3A_472, %mul3A_481 : vector<16xf32>
      %get3A_483 = arith.constant 45 : i32
      %get3A_484 = arith.index_cast %get3A_483 : i32 to index
      %get3A_485 = arith.index_cast %mul3A_32 : i32 to index
      %get3A_486 = tpu.vector_load %arg11[%get3A_484, %get3A_485] {strides = array<i32>} : memref<64x256xf32, #tpu.memory_space<vmem>>, vector<16xf32>,
      %get3A_487 = arith.constant 45 : i32
      %get3A_488 = arith.index_cast %get3A_487 : i32 to index
      %get3A_489 = arith.index_cast %mul3A_32 : i32 to index
      %get3A_490 = tpu.vector_load %arg12[%get3A_488, %get3A_489] {strides = array<i32>} : memref<64x256xf32, #tpu.memory_space<vmem>>, vector<16xf32>,
      %mul3A_491 = arith.mulf %get3A_486, %get3A_490 : vector<16xf32>
      %add3A_492 = arith.addf %add3A_482, %mul3A_491 : vector<16xf32>
      %get3A_493 = arith.constant 46 : i32
      %get3A_494 = arith.index_cast %get3A_493 : i32 to index
      %get3A_495 = arith.index_cast %mul3A_32 : i32 to index
      %get3A_496 = tpu.vector_load %arg11[%get3A_494, %get3A_495] {strides = array<i32>} : memref<64x256xf32, #tpu.memory_space<vmem>>, vector<16xf32>,
      %get3A_497 = arith.constant 46 : i32
      %get3A_498 = arith.index_cast %get3A_497 : i32 to index
      %get3A_499 = arith.index_cast %mul3A_32 : i32 to index
      %get3A_500 = tpu.vector_load %arg12[%get3A_498, %get3A_499] {strides = array<i32>} : memref<64x256xf32, #tpu.memory_space<vmem>>, vector<16xf32>,
      %mul3A_501 = arith.mulf %get3A_496, %get3A_500 : vector<16xf32>
      %add3A_502 = arith.addf %add3A_492, %mul3A_501 : vector<16xf32>
      %get3A_503 = arith.constant 47 : i32
      %get3A_504 = arith.index_cast %get3A_503 : i32 to index
      %get3A_505 = arith.index_cast %mul3A_32 : i32 to index
      %get3A_506 = tpu.vector_load %arg11[%get3A_504, %get3A_505] {strides = array<i32>} : memref<64x256xf32, #tpu.memory_space<vmem>>, vector<16xf32>,
      %get3A_507 = arith.constant 47 : i32
      %get3A_508 = arith.index_cast %get3A_507 : i32 to index
      %get3A_509 = arith.index_cast %mul3A_32 : i32 to index
      %get3A_510 = tpu.vector_load %arg12[%get3A_508, %get3A_509] {strides = array<i32>} : memref<64x256xf32, #tpu.memory_space<vmem>>, vector<16xf32>,
      %mul3A_511 = arith.mulf %get3A_506, %get3A_510 : vector<16xf32>
      %add3A_512 = arith.addf %add3A_502, %mul3A_511 : vector<16xf32>
      %get3A_513 = arith.constant 48 : i32
      %get3A_514 = arith.index_cast %get3A_513 : i32 to index
      %get3A_515 = arith.index_cast %mul3A_32 : i32 to index
      %get3A_516 = tpu.vector_load %arg11[%get3A_514, %get3A_515] {strides = array<i32>} : memref<64x256xf32, #tpu.memory_space<vmem>>, vector<16xf32>,
      %get3A_517 = arith.constant 48 : i32
      %get3A_518 = arith.index_cast %get3A_517 : i32 to index
      %get3A_519 = arith.index_cast %mul3A_32 : i32 to index
      %get3A_520 = tpu.vector_load %arg12[%get3A_518, %get3A_519] {strides = array<i32>} : memref<64x256xf32, #tpu.memory_space<vmem>>, vector<16xf32>,
      %mul3A_521 = arith.mulf %get3A_516, %get3A_520 : vector<16xf32>
      %add3A_522 = arith.addf %add3A_512, %mul3A_521 : vector<16xf32>
      %get3A_523 = arith.constant 49 : i32
      %get3A_524 = arith.index_cast %get3A_523 : i32 to index
      %get3A_525 = arith.index_cast %mul3A_32 : i32 to index
      %get3A_526 = tpu.vector_load %arg11[%get3A_524, %get3A_525] {strides = array<i32>} : memref<64x256xf32, #tpu.memory_space<vmem>>, vector<16xf32>,
      %get3A_527 = arith.constant 49 : i32
      %get3A_528 = arith.index_cast %get3A_527 : i32 to index
      %get3A_529 = arith.index_cast %mul3A_32 : i32 to index
      %get3A_530 = tpu.vector_load %arg12[%get3A_528, %get3A_529] {strides = array<i32>} : memref<64x256xf32, #tpu.memory_space<vmem>>, vector<16xf32>,
      %mul3A_531 = arith.mulf %get3A_526, %get3A_530 : vector<16xf32>
      %add3A_532 = arith.addf %add3A_522, %mul3A_531 : vector<16xf32>
      %get3A_533 = arith.constant 50 : i32
      %get3A_534 = arith.index_cast %get3A_533 : i32 to index
      %get3A_535 = arith.index_cast %mul3A_32 : i32 to index
      %get3A_536 = tpu.vector_load %arg11[%get3A_534, %get3A_535] {strides = array<i32>} : memref<64x256xf32, #tpu.memory_space<vmem>>, vector<16xf32>,
      %get3A_537 = arith.constant 50 : i32
      %get3A_538 = arith.index_cast %get3A_537 : i32 to index
      %get3A_539 = arith.index_cast %mul3A_32 : i32 to index
      %get3A_540 = tpu.vector_load %arg12[%get3A_538, %get3A_539] {strides = array<i32>} : memref<64x256xf32, #tpu.memory_space<vmem>>, vector<16xf32>,
      %mul3A_541 = arith.mulf %get3A_536, %get3A_540 : vector<16xf32>
      %add3A_542 = arith.addf %add3A_532, %mul3A_541 : vector<16xf32>
      %get3A_543 = arith.constant 51 : i32
      %get3A_544 = arith.index_cast %get3A_543 : i32 to index
      %get3A_545 = arith.index_cast %mul3A_32 : i32 to index
      %get3A_546 = tpu.vector_load %arg11[%get3A_544, %get3A_545] {strides = array<i32>} : memref<64x256xf32, #tpu.memory_space<vmem>>, vector<16xf32>,
      %get3A_547 = arith.constant 51 : i32
      %get3A_548 = arith.index_cast %get3A_547 : i32 to index
      %get3A_549 = arith.index_cast %mul3A_32 : i32 to index
      %get3A_550 = tpu.vector_load %arg12[%get3A_548, %get3A_549] {strides = array<i32>} : memref<64x256xf32, #tpu.memory_space<vmem>>, vector<16xf32>,
      %mul3A_551 = arith.mulf %get3A_546, %get3A_550 : vector<16xf32>
      %add3A_552 = arith.addf %add3A_542, %mul3A_551 : vector<16xf32>
      %get3A_553 = arith.constant 52 : i32
      %get3A_554 = arith.index_cast %get3A_553 : i32 to index
      %get3A_555 = arith.index_cast %mul3A_32 : i32 to index
      %get3A_556 = tpu.vector_load %arg11[%get3A_554, %get3A_555] {strides = array<i32>} : memref<64x256xf32, #tpu.memory_space<vmem>>, vector<16xf32>,
      %get3A_557 = arith.constant 52 : i32
      %get3A_558 = arith.index_cast %get3A_557 : i32 to index
      %get3A_559 = arith.index_cast %mul3A_32 : i32 to index
      %get3A_560 = tpu.vector_load %arg12[%get3A_558, %get3A_559] {strides = array<i32>} : memref<64x256xf32, #tpu.memory_space<vmem>>, vector<16xf32>,
      %mul3A_561 = arith.mulf %get3A_556, %get3A_560 : vector<16xf32>
      %add3A_562 = arith.addf %add3A_552, %mul3A_561 : vector<16xf32>
      %get3A_563 = arith.constant 53 : i32
      %get3A_564 = arith.index_cast %get3A_563 : i32 to index
      %get3A_565 = arith.index_cast %mul3A_32 : i32 to index
      %get3A_566 = tpu.vector_load %arg11[%get3A_564, %get3A_565] {strides = array<i32>} : memref<64x256xf32, #tpu.memory_space<vmem>>, vector<16xf32>,
      %get3A_567 = arith.constant 53 : i32
      %get3A_568 = arith.index_cast %get3A_567 : i32 to index
      %get3A_569 = arith.index_cast %mul3A_32 : i32 to index
      %get3A_570 = tpu.vector_load %arg12[%get3A_568, %get3A_569] {strides = array<i32>} : memref<64x256xf32, #tpu.memory_space<vmem>>, vector<16xf32>,
      %mul3A_571 = arith.mulf %get3A_566, %get3A_570 : vector<16xf32>
      %add3A_572 = arith.addf %add3A_562, %mul3A_571 : vector<16xf32>
      %get3A_573 = arith.constant 54 : i32
      %get3A_574 = arith.index_cast %get3A_573 : i32 to index
      %get3A_575 = arith.index_cast %mul3A_32 : i32 to index
      %get3A_576 = tpu.vector_load %arg11[%get3A_574, %get3A_575] {strides = array<i32>} : memref<64x256xf32, #tpu.memory_space<vmem>>, vector<16xf32>,
      %get3A_577 = arith.constant 54 : i32
      %get3A_578 = arith.index_cast %get3A_577 : i32 to index
      %get3A_579 = arith.index_cast %mul3A_32 : i32 to index
      %get3A_580 = tpu.vector_load %arg12[%get3A_578, %get3A_579] {strides = array<i32>} : memref<64x256xf32, #tpu.memory_space<vmem>>, vector<16xf32>,
      %mul3A_581 = arith.mulf %get3A_576, %get3A_580 : vector<16xf32>
      %add3A_582 = arith.addf %add3A_572, %mul3A_581 : vector<16xf32>
      %get3A_583 = arith.constant 55 : i32
      %get3A_584 = arith.index_cast %get3A_583 : i32 to index
      %get3A_585 = arith.index_cast %mul3A_32 : i32 to index
      %get3A_586 = tpu.vector_load %arg11[%get3A_584, %get3A_585] {strides = array<i32>} : memref<64x256xf32, #tpu.memory_space<vmem>>, vector<16xf32>,
      %get3A_587 = arith.constant 55 : i32
      %get3A_588 = arith.index_cast %get3A_587 : i32 to index
      %get3A_589 = arith.index_cast %mul3A_32 : i32 to index
      %get3A_590 = tpu.vector_load %arg12[%get3A_588, %get3A_589] {strides = array<i32>} : memref<64x256xf32, #tpu.memory_space<vmem>>, vector<16xf32>,
      %mul3A_591 = arith.mulf %get3A_586, %get3A_590 : vector<16xf32>
      %add3A_592 = arith.addf %add3A_582, %mul3A_591 : vector<16xf32>
      %get3A_593 = arith.constant 56 : i32
      %get3A_594 = arith.index_cast %get3A_593 : i32 to index
      %get3A_595 = arith.index_cast %mul3A_32 : i32 to index
      %get3A_596 = tpu.vector_load %arg11[%get3A_594, %get3A_595] {strides = array<i32>} : memref<64x256xf32, #tpu.memory_space<vmem>>, vector<16xf32>,
      %get3A_597 = arith.constant 56 : i32
      %get3A_598 = arith.index_cast %get3A_597 : i32 to index
      %get3A_599 = arith.index_cast %mul3A_32 : i32 to index
      %get3A_600 = tpu.vector_load %arg12[%get3A_598, %get3A_599] {strides = array<i32>} : memref<64x256xf32, #tpu.memory_space<vmem>>, vector<16xf32>,
      %mul3A_601 = arith.mulf %get3A_596, %get3A_600 : vector<16xf32>
      %add3A_602 = arith.addf %add3A_592, %mul3A_601 : vector<16xf32>
      %get3A_603 = arith.constant 57 : i32
      %get3A_604 = arith.index_cast %get3A_603 : i32 to index
      %get3A_605 = arith.index_cast %mul3A_32 : i32 to index
      %get3A_606 = tpu.vector_load %arg11[%get3A_604, %get3A_605] {strides = array<i32>} : memref<64x256xf32, #tpu.memory_space<vmem>>, vector<16xf32>,
      %get3A_607 = arith.constant 57 : i32
      %get3A_608 = arith.index_cast %get3A_607 : i32 to index
      %get3A_609 = arith.index_cast %mul3A_32 : i32 to index
      %get3A_610 = tpu.vector_load %arg12[%get3A_608, %get3A_609] {strides = array<i32>} : memref<64x256xf32, #tpu.memory_space<vmem>>, vector<16xf32>,
      %mul3A_611 = arith.mulf %get3A_606, %get3A_610 : vector<16xf32>
      %add3A_612 = arith.addf %add3A_602, %mul3A_611 : vector<16xf32>
      %get3A_613 = arith.constant 58 : i32
      %get3A_614 = arith.index_cast %get3A_613 : i32 to index
      %get3A_615 = arith.index_cast %mul3A_32 : i32 to index
      %get3A_616 = tpu.vector_load %arg11[%get3A_614, %get3A_615] {strides = array<i32>} : memref<64x256xf32, #tpu.memory_space<vmem>>, vector<16xf32>,
      %get3A_617 = arith.constant 58 : i32
      %get3A_618 = arith.index_cast %get3A_617 : i32 to index
      %get3A_619 = arith.index_cast %mul3A_32 : i32 to index
      %get3A_620 = tpu.vector_load %arg12[%get3A_618, %get3A_619] {strides = array<i32>} : memref<64x256xf32, #tpu.memory_space<vmem>>, vector<16xf32>,
      %mul3A_621 = arith.mulf %get3A_616, %get3A_620 : vector<16xf32>
      %add3A_622 = arith.addf %add3A_612, %mul3A_621 : vector<16xf32>
      %get3A_623 = arith.constant 59 : i32
      %get3A_624 = arith.index_cast %get3A_623 : i32 to index
      %get3A_625 = arith.index_cast %mul3A_32 : i32 to index
      %get3A_626 = tpu.vector_load %arg11[%get3A_624, %get3A_625] {strides = array<i32>} : memref<64x256xf32, #tpu.memory_space<vmem>>, vector<16xf32>,
      %get3A_627 = arith.constant 59 : i32
      %get3A_628 = arith.index_cast %get3A_627 : i32 to index
      %get3A_629 = arith.index_cast %mul3A_32 : i32 to index
      %get3A_630 = tpu.vector_load %arg12[%get3A_628, %get3A_629] {strides = array<i32>} : memref<64x256xf32, #tpu.memory_space<vmem>>, vector<16xf32>,
      %mul3A_631 = arith.mulf %get3A_626, %get3A_630 : vector<16xf32>
      %add3A_632 = arith.addf %add3A_622, %mul3A_631 : vector<16xf32>
      %get3A_633 = arith.constant 60 : i32
      %get3A_634 = arith.index_cast %get3A_633 : i32 to index
      %get3A_635 = arith.index_cast %mul3A_32 : i32 to index
      %get3A_636 = tpu.vector_load %arg11[%get3A_634, %get3A_635] {strides = array<i32>} : memref<64x256xf32, #tpu.memory_space<vmem>>, vector<16xf32>,
      %get3A_637 = arith.constant 60 : i32
      %get3A_638 = arith.index_cast %get3A_637 : i32 to index
      %get3A_639 = arith.index_cast %mul3A_32 : i32 to index
      %get3A_640 = tpu.vector_load %arg12[%get3A_638, %get3A_639] {strides = array<i32>} : memref<64x256xf32, #tpu.memory_space<vmem>>, vector<16xf32>,
      %mul3A_641 = arith.mulf %get3A_636, %get3A_640 : vector<16xf32>
      %add3A_642 = arith.addf %add3A_632, %mul3A_641 : vector<16xf32>
      %get3A_643 = arith.constant 61 : i32
      %get3A_644 = arith.index_cast %get3A_643 : i32 to index
      %get3A_645 = arith.index_cast %mul3A_32 : i32 to index
      %get3A_646 = tpu.vector_load %arg11[%get3A_644, %get3A_645] {strides = array<i32>} : memref<64x256xf32, #tpu.memory_space<vmem>>, vector<16xf32>,
      %get3A_647 = arith.constant 61 : i32
      %get3A_648 = arith.index_cast %get3A_647 : i32 to index
      %get3A_649 = arith.index_cast %mul3A_32 : i32 to index
      %get3A_650 = tpu.vector_load %arg12[%get3A_648, %get3A_649] {strides = array<i32>} : memref<64x256xf32, #tpu.memory_space<vmem>>, vector<16xf32>,
      %mul3A_651 = arith.mulf %get3A_646, %get3A_650 : vector<16xf32>
      %add3A_652 = arith.addf %add3A_642, %mul3A_651 : vector<16xf32>
      %get3A_653 = arith.constant 62 : i32
      %get3A_654 = arith.index_cast %get3A_653 : i32 to index
      %get3A_655 = arith.index_cast %mul3A_32 : i32 to index
      %get3A_656 = tpu.vector_load %arg11[%get3A_654, %get3A_655] {strides = array<i32>} : memref<64x256xf32, #tpu.memory_space<vmem>>, vector<16xf32>,
      %get3A_657 = arith.constant 62 : i32
      %get3A_658 = arith.index_cast %get3A_657 : i32 to index
      %get3A_659 = arith.index_cast %mul3A_32 : i32 to index
      %get3A_660 = tpu.vector_load %arg12[%get3A_658, %get3A_659] {strides = array<i32>} : memref<64x256xf32, #tpu.memory_space<vmem>>, vector<16xf32>,
      %mul3A_661 = arith.mulf %get3A_656, %get3A_660 : vector<16xf32>
      %add3A_662 = arith.addf %add3A_652, %mul3A_661 : vector<16xf32>
      %get3A_663 = arith.constant 63 : i32
      %get3A_664 = arith.index_cast %get3A_663 : i32 to index
      %get3A_665 = arith.index_cast %mul3A_32 : i32 to index
      %get3A_666 = tpu.vector_load %arg11[%get3A_664, %get3A_665] {strides = array<i32>} : memref<64x256xf32, #tpu.memory_space<vmem>>, vector<16xf32>,
      %get3A_667 = arith.constant 63 : i32
      %get3A_668 = arith.index_cast %get3A_667 : i32 to index
      %get3A_669 = arith.index_cast %mul3A_32 : i32 to index
      %get3A_670 = tpu.vector_load %arg12[%get3A_668, %get3A_669] {strides = array<i32>} : memref<64x256xf32, #tpu.memory_space<vmem>>, vector<16xf32>,
      %mul3A_671 = arith.mulf %get3A_666, %get3A_670 : vector<16xf32>
      %add3A_672 = arith.addf %add3A_662, %mul3A_671 : vector<16xf32>
      %swap3A = arith.index_cast %mul3A_32 : i32 to index
      %swap3A_673 = tpu.vector_load %arg13[%swap3A] {strides = array<i32>} : memref<256xf32, #tpu.memory_space<vmem>>, vector<16xf32>,
      tpu.vector_store %arg13[%swap3A], %add3A_672 {strides = array<i32>} : memref<256xf32, #tpu.memory_space<vmem>>, vector<16xf32>,
    }
    %scan3A_27 = arith.constant 16 : i32
    %add3A_28 = arith.constant 256 : i32
    %add3A_29 = arith.addi %mul3A_2, %add3A_28 : i32
    "tpu.region"() ({
      %run_scoped3A = tpu.sem_alloc : memref<!tpu.dma_semaphore, #tpu.memory_space<semaphore_mem>>
      %dma_start3A = tpu.memref_slice %arg6[%add3A_29] : memref<16384xf32, #tpu.memory_space<hbm>> -> memref<256xf32, #tpu.memory_space<hbm>>
      %dma_start3A_30 = tpu.memref_slice %arg6[%add3A_29] : memref<16384xf32, #tpu.memory_space<hbm>> -> memref<256xf32, #tpu.memory_space<hbm>>
      tpu.enqueue_dma source(%arg13 : memref<256xf32, #tpu.memory_space<vmem>>) target(%dma_start3A_30 : memref<256xf32, #tpu.memory_space<hbm>>) target_semaphore(%run_scoped3A : memref<!tpu.dma_semaphore, #tpu.memory_space<semaphore_mem>>)
      %dma_wait3A = tpu.memref_slice %arg6[%add3A_29] : memref<16384xf32, #tpu.memory_space<hbm>> -> memref<256xf32, #tpu.memory_space<hbm>>
      %dma_wait3A_31 = tpu.memref_slice %arg6[%add3A_29] : memref<16384xf32, #tpu.memory_space<hbm>> -> memref<256xf32, #tpu.memory_space<hbm>>
      tpu.wait_dma2 semaphore(%run_scoped3A : memref<!tpu.dma_semaphore, #tpu.memory_space<semaphore_mem>>) src(%arg13 : memref<256xf32, #tpu.memory_space<vmem>>) dst(%dma_wait3A_31 : memref<256xf32, #tpu.memory_space<hbm>>)
      tpu.yield
    }) : () -> ()
    return
  }
}

</mosaic_0001>

<sc_bundles>
// kernel: kernel.3.cloned.1.call-start
scs
__scs_entry_jumppad:
0x0: {  	(pc) =	sbr.rel $0x88, $3  }
0x1: {  	(tag) =	ssettag $0x0;
	lr =	simm.s32 $0x1  }
0x2: {  	[smem:$0x3F9D] =	sst lr;
	_ =	strace $0xD0000000  }
0x3: {  	_ = 	snop  }
0x4: {  	_ = 	snop  }
0x5: {  	_ = 	snop  }
0x6: {  	_ = 	snop  }
0x7: {  	_ = 	snop  }
__scs_overlays_trampoline_lowered:
0x8: {  	[smem:$0x3FAC] =	sst s0  }
0x9: {  	[smem:$0x3FAD] =	sst s1  }
0xa: {  	[smem:$0x3FAE] =	sst s2  }
0xb: {  	[smem:$0x3FAF] =	sst s3  }
0xc: {  	[smem:$0x3FB0] =	sst s4  }
0xd: {  	[smem:$0x3FB1] =	sst s5  }
0xe: {  	[smem:$0x3FB2] =	sst s6  }
0xf: {  	[smem:$0x3FB3] =	sst s7  }
0x10: {  	[smem:$0x3FB4] =	sst s8  }
0x11: {  	[smem:$0x3FB5] =	sst s9;
	s0 =	simm.s32 @!p0 $0x0  }
0x12: {  	s1 =	sld [smem:$0x3F9B];
	s0 =	simm.s32 @p0 $0x1  }
0x13: {  	[smem:$0x3FB6] =	sst s0;
	s0 =	simm.s32 @!p1 $0x0  }
0x14: {  	s2 =	sld [smem:$0x3F9A];
	s0 =	simm.s32 @p1 $0x1  }
0x15: {  	[smem:$0x3FB7] =	sst s0;
	s0 =	simm.s32 @!p2 $0x0  }
0x16: {  	s3 =	sld [smem:$0x3FDB];
	s0 =	simm.s32 @p2 $0x1  }
0x17: {  	s4 =	simm.s32 $0x1BF5;
	[smem:$0x3FB9] =	sst s0  }
0x18: {  	s0 =	sld [smem:$0x3F9C];
	_ =	swait.ge [sflag:s4], $0x0  }
0x19: {  	s7 =	sld [smem:$0x3F9D]  }
0x1a: {  	s8 =	sadd.s32 $0xFFFFE003, lr  }
0x1b: {  	s9 =	sadd.s32 $0xFFFFFEF7, lr;
	s5 =	simm.s32 $0xFFFFFFFF;
	p2 =	slt.u32 s8, $0xFFFFF086  }
0x1c: {  	p1 =	slt.u32 s9, $0xF7A;
	s5 =	simm.s32 @!p2 $0x0  }
0x1d: {  	s5 =	simm.s32 @p1 $0x1;
	p0 =	seq.s32 s7, s2  }
0x1e: {  	s7 =	smul.u32 @!p0 $0xF7A, s2;
	p2 =	seq.s32 @!p0 s5, $0x0  }
0x1f: {  	s9 =	smul.u32 $0xF7A, s1;
	s8 =	simm.s32 @!p0 $0x1BF5;
	p2 =	por !p2, p0  }
0x20: {  	[sflag:s8] =	ssyncset.s32 @!p0 $0xFFFFF086;
	s6 =	sadd.s32 @!p0 s3, s7;
	s7 =	simm.s32 @!p0 $0x108  }
0x21: {  	s3 =	sadd.s32 s3, s9;
	s6 =	sadd.s32 @!p0 $0x88, s6;
	s7 =	simm.s32 @p2 $0x1082  }
0x22: {  	[simem:s7], [sflag:s8] =	dma.local @!p0 [hbm:s6], $0xF7A  }
0x23: {  	s9 =	sor.u32 $0xD0000000, s2;
	s6 =	simm.s32 $0x108;
	_ =	swait.ge @!p0 [sflag:s8], $0x0  }
0x24: {  	s3 =	sadd.s32 $0x88, s3;
	s6 =	simm.s32 @!p1 $0x1082;
	[sflag:s4] =	ssyncset.s32 $0xFFFFF086  }
0x25: {  	[simem:s6], [sflag:s4] =	dma.local [hbm:s3], $0xF7A  }
0x26: {  	[smem:$0x3F9D] =	sst s1;
	(tag) =	ssettag s2;
	_ =	strace s9  }
0x27: {  	s1 =	sld [smem:$0x3FAD]  }
0x28: {  	s2 =	sld [smem:$0x3FAE]  }
0x29: {  	s4 =	sld [smem:$0x3FB0]  }
0x2a: {  	p0 =	seq.s32 s5, $0x0;
	s5 =	sld [smem:$0x3FB1]  }
0x2b: {  	s6 =	sld [smem:$0x3FB2]  }
0x2c: {  	s7 =	sld [smem:$0x3FB3]  }
0x2d: {  	s3 =	simm.s32 $0x108;
	s8 =	sld [smem:$0x3FB4]  }
0x2e: {  	s3 =	simm.s32 @!p0 $0x1082;
	s9 =	sld [smem:$0x3FB5]  }
0x2f: {  	lr =	sadd.s32 s0, s3;
	s0 =	sld [smem:$0x3FAC]  }
0x30: {  	s3 =	sld [smem:$0x3FAF]  }
0x31: {  	[smem:$0x3FB8] =	sst s10  }
0x32: {  	s10 =	sld [smem:$0x3FB6];
	_ =	sdelay $0x3  }
0x33: {  	p0 =	seq.s32 s10, $0x1;
	s10 =	sld [smem:$0x3FB8];
	_ =	sdelay $0x3  }
0x34: {  	[smem:$0x3FB8] =	sst s10  }
0x35: {  	s10 =	sld [smem:$0x3FB7];
	_ =	sdelay $0x3  }
0x36: {  	p1 =	seq.s32 s10, $0x1;
	s10 =	sld [smem:$0x3FB8];
	_ =	sdelay $0x3  }
0x37: {  	[smem:$0x3FB8] =	sst s10  }
0x38: {  	s10 =	sld [smem:$0x3FB9]  }
0x39: {  	_ = 	snop;
	(pc) =	sbr.ind lr, $3  }
0x3a: {  	_ = 	snop  }
0x3b: {  	_ = 	snop  }
0x3c: {  	p2 =	seq.s32 s10, $0x1;
	s10 =	sld [smem:$0x3FB8]  }
0x3d: {  	_ =	shalt  }
0x3e: {  	_ =	shalt  }
0x3f: {  	_ =	shalt  }
0x40: {  	_ =	shalt  }
0x41: {  	_ =	shalt  }
0x42: {  	_ =	shalt  }
0x43: {  	_ =	shalt  }
0x44: {  	_ =	shalt  }
0x45: {  	_ =	shalt  }
0x46: {  	_ =	shalt  }
0x47: {  	_ =	shalt  }
0x48: {  	_ =	shalt  }
0x49: {  	_ =	shalt  }
0x4a: {  	_ =	shalt  }
0x4b: {  	_ =	shalt  }
0x4c: {  	_ =	shalt  }
0x4d: {  	_ =	shalt  }
0x4e: {  	_ =	shalt  }
0x4f: {  	_ =	shalt  }
0x50: {  	_ =	shalt  }
0x51: {  	_ =	shalt  }
0x52: {  	_ =	shalt  }
0x53: {  	_ =	shalt  }
0x54: {  	_ =	shalt  }
0x55: {  	_ =	shalt  }
0x56: {  	_ =	shalt  }
0x57: {  	_ =	shalt  }
0x58: {  	_ =	shalt  }
0x59: {  	_ =	shalt  }
0x5a: {  	_ =	shalt  }
0x5b: {  	_ =	shalt  }
0x5c: {  	_ =	shalt  }
0x5d: {  	_ =	shalt  }
0x5e: {  	_ =	shalt  }
0x5f: {  	_ =	shalt  }
0x60: {  	_ =	shalt  }
0x61: {  	_ =	shalt  }
0x62: {  	_ =	shalt  }
0x63: {  	_ =	shalt  }
0x64: {  	_ =	shalt  }
0x65: {  	_ =	shalt  }
0x66: {  	_ =	shalt  }
0x67: {  	_ =	shalt  }
0x68: {  	_ =	shalt  }
0x69: {  	_ =	shalt  }
0x6a: {  	_ =	shalt  }
0x6b: {  	_ =	shalt  }
0x6c: {  	_ =	shalt  }
0x6d: {  	_ =	shalt  }
0x6e: {  	_ =	shalt  }
0x6f: {  	_ =	shalt  }
0x70: {  	_ =	shalt  }
0x71: {  	_ =	shalt  }
0x72: {  	_ =	shalt  }
0x73: {  	_ =	shalt  }
0x74: {  	_ =	shalt  }
0x75: {  	_ =	shalt  }
0x76: {  	_ =	shalt  }
0x77: {  	_ =	shalt  }
0x78: {  	_ =	shalt  }
0x79: {  	_ =	shalt  }
0x7a: {  	_ =	shalt  }
0x7b: {  	_ =	shalt  }
0x7c: {  	_ =	shalt  }
0x7d: {  	_ =	shalt  }
0x7e: {  	_ =	shalt  }
0x7f: {  	_ =	shalt  }
0x80: {  	_ =	shalt  }
0x81: {  	_ =	shalt  }
0x82: {  	_ =	shalt  }
0x83: {  	_ =	shalt  }
0x84: {  	_ =	shalt  }
0x85: {  	_ =	shalt  }
0x86: {  	_ =	shalt  }
0x87: {  	_ =	shalt  }
.Lfunc_end0:
.L_simem_size_0:
called_computation_lowered:
.L_overlay_start_0:
0x88: {  	s2 =	sld [smem:$0x3FD9]  }
0x89: {  	s3 =	sld [smem:$0x3FFE];
	_ =	sdelay $0x1  }
0x8a: {  	s1 =	srdreg.scid  }
0x8b: {  	s0 =	sand.u32 $0x1, s1  }
0x8c: {  	s17 =	sshll.u32 s0, $0xA;
	s2 =	sadd.s32 s3, s2  }
0x8d: {  	s2 =	sadd.s32 s2, s17  }
0x8e: {  	[smem:$0x3FC4] =	sst s2  }
0x8f: {  	_ = 	snop  }
0x90: {  	s2 =	sld [smem:$0x3FC9]  }
0x91: {  	s18 =	sld [smem:$0x3FC8]  }
0x92: {  	s4 =	sld [smem:$0x3FD0];
	(tm) =	ssettm $0x1  }
0x93: {  	s5 =	sld [smem:$0x3FFB];
	_ =	sdelay $0x3  }
0x94: {  	_ =	strace s5  }
0x95: {  	s5 =	sld [smem:$0x3FFC];
	_ =	sdelay $0x3  }
0x96: {  	_ =	strace s5  }
0x97: {  	s5 =	sld [smem:$0x3FFD];
	_ =	sdelay $0x3  }
0x98: {  	_ =	strace s5  }
0x99: {  	_ =	strace $0x8FFFFFFF  }
0x9a: {  	s19 =	sld [smem:$0x3FDB];
	_ =	sdelay $0x1  }
0x9b: {  	s6 =	simm.s32 $_scs_section_size  }
0x9c: {  	s7 =	simm.s32 $_size__tile_overlayer_lowered;
	s8 =	simm.s32 $_tile_overlayer_lowered  }
0x9d: {  	s22 =	simm.s32 $0x1BFF;
	s21 =	sshll.u32 s8, $0x1;
	s5 =	sadd.s32 s6, s19  }
0x9e: {  	s9 =	simm.s32 $0x0;
	s20 =	sshll.u32 s7, $0x1;
	s7 =	sadd.s32 s21, s5  }
0x9f: {  	[timem:s9], [sflag:s22] =	dma.local [hbm:s7], s20  }
0xa0: {  	_ =	swait.ge [sflag:s22], s20  }
0xa1: {  	s6 =	ssub.s32 $0x0, s20;
	[sflag:s22] =	ssyncset.done $0x0  }
0xa2: {  	[sflag:s22] =	ssyncadd.s32 s6;
	_ =	sdelay $0x1  }
0xa3: {  	s23 =	simm.s32 $0x1B8B  }
0xa4: {  	_ =	swait.ge [sflag:s23], $0x1  }
0xa5: {  	[sflag:s23] =	ssyncset.done $0x0  }
0xa6: {  	s25 =	simm.s32 $0x1B8E;
	s24 =	sld [smem:$0x3FFE];
	[sflag:s23] =	ssyncadd.s32 $0xFFFFFFFF  }
0xa7: {  	s26 =	simm.s32 $execute0_lowered;
	[smem:$0x3FD2] =	sst s25  }
0xa8: {  	s7 =	sshll.u32 s26, $0x1;
	_ =	strace $0x80000046;
	[dreg:$0x1] =	wrdreg $0xFFFFFFFF  }
0xa9: {  	s28 =	simm.s32 $_size_execute0_lowered;
	s5 =	sadd.s32 s5, s7;
	[dreg:$0x0] =	wrdreg $0x0  }
0xaa: {  	s7 =	sshll.u32 s28, $0x1;
	[dreg:$0x2] =	wrdreg s5  }
0xab: {  	[dreg:$0x3] =	wrdreg s7  }
0xac: {  	[dreg:$0x4] =	wrdreg $0xC0  }
0xad: {  	_ =	task [dreg:s9], $0x5FFFF  }
0xae: {  	[dreg:$0x1] =	wrdreg $0xFFFFFFFF  }
0xaf: {  	[dreg:$0x0] =	wrdreg $0x60  }
0xb0: {  	[dreg:$0x2] =	wrdreg s2  }
0xb1: {  	[dreg:$0x3] =	wrdreg s18  }
0xb2: {  	[dreg:$0x4] =	wrdreg s24  }
0xb3: {  	[dreg:$0x5] =	wrdreg s4  }
0xb4: {  	[dreg:$0x6] =	wrdreg $0x9  }
0xb5: {  	_ =	task.clear_ibuf [dreg:s9], $0x7FFFF;
	_ =	strace $0x90000046  }
0xb6: {  	s29 =	simm.s32 $0x9;
	_ =	strace $0x80000048  }
0xb7: {  	_ =	swait.ge [sflag:s29], $0x1  }
0xb8: {  	[sflag:s29] =	ssyncadd.s32 $0xFFFFFFFF  }
0xb9: {  	_ =	strace $0x90000048  }
0xba: {  	_ =	sfence  }
0xbb: {  	s30 =	sld [smem:$0x0];
	_ =	sdelay $0x2  }
0xbc: {  	s31 =	sshll.u32 s1, $0xD;
	s1 =	sshrl.u32 s1, $0x2  }
0xbd: {  	s3 =	sand.u32 $0x4000, s31;
	s1 =	sadd.s32 s1, s30  }
0xbe: {  	s0 =	sor.u32 s3, s0;
	s1 =	sshll.u32 s1, $0x11  }
0xbf: {  	s0 =	sor.u32 s1, s0  }
0xc0: {  	s0 =	sadd.s32 $0x8F2B, s0  }
0xc1: {  	[sflag:s0] =	ssyncadd.remote.s32 $0x1  }
0xc2: {  	_ =	sfence.sel $0xFFFF  }
0xc3: {  	[dreg:$0x0] =	wrdreg $0xFFFFFFFF;
	(pc) =	sbr.abs _section_cstart, $3  }
0xc4: {  	[dreg:$0x1] =	wrdreg $0xFFFFFFFF  }
0xc5: {  	_ =	task.clear_ibuf [dreg:s9], $0x2FFFF;
	_ =	strace $0x9FFFFFFF  }
0xc6: {  	(tm) =	ssettm $0x7FFFFFFF  }
0xc7: {  	_ =	shalt  }
tec
execute0_lowered:
.L_overlay_start_1:
0x0: {  	(tag) =	ssettag $0x1  }
0x1: {  	s5 =	rddreg [dreg:$0x0]  }
0x2: {  	s6 =	rddreg [dreg:$0x1]  }
0x3: {  	s4 =	rddreg [dreg:$0x2]  }
0x4: {  	s7 =	rddreg [dreg:$0x3]  }
0x5: {  	s0 =	rddreg [dreg:$0x4];
	s1 =	simm.s32 $0x0;
	s2 =	srdreg.scid  }
0x6: {  	s12 =	simm.s32 $0x80;
	s13 =	simm.s32 $0x1;
	s14 =	simm.s32 $0x2  }
0x7: {  	s15 =	simm.s32 $0x10400;
	s16 =	simm.s32 $0x0;
	[smem:$0x7FF] =	sst s1  }
0x8: {  	s8 =	sand.u32 $0x1, s2;
	s3 =	sadd.s32 $0x200, s4;
	s2 =	stileid.u32  }
0x9: {  	s4 =	sadd.s32 $0x7A1400, s4;
	_ =	strace $0x80000047;
	s9 =	ssub.s32 $0x2, s8  }
0xa: {  	s11 =	sshll.u32 s2, $0x7;
	s8 =	sshll.u32 s8, $0x6;
	s10 =	sshrl.u32 s9, $0x1  }
0xb: {  	s8 =	sor.u32 s8, s11;
	s11 =	simm.s32 $0x200;
	s9 =	ssub.s32 s9, s10  }
0xc: {  	s5 =	sadd.s32 s5, s8;
	s6 =	sadd.s32 s6, s8;
	s7 =	sadd.s32 s7, s8  }
0xd: {  	s10 =	simm.s32 $0x3;
	s8 =	sadd.s32 $0x20, s7;
	s9 =	smax.u32 s9, $0x1  }
.LBB2_1:
0xe: {  	[tilespmem:s1], [sflag:$0x3] =	stream.linear.gather [hbm4b:s5+s1], $0x200, $0x38;
	[tilespmem:$0x10500] =	vst v63  }
0xf: {  	_ =	swait.ge [sflag:s10], $0x200  }
0x10: {  	[sflag:s10] =	ssyncset.done $0x0  }
0x11: {  	[sflag:s10] =	ssyncadd.s32 $0xFFFFFE00  }
0x12: {  	[tilespmem:s11], [sflag:$0x3] =	stream.linear.gather [hbm4b:s6+s1], $0x200, $0x38;
	[tilespmem:$0x10500] =	vst v63  }
0x13: {  	_ =	swait.ge [sflag:s10], $0x200  }
0x14: {  	[sflag:s10] =	ssyncset.done $0x0  }
0x15: {  	[sflag:s10] =	ssyncadd.s32 $0xFFFFFE00  }
0x16: {  	v0 =	vld [tilespmem:$0x0];
	_ =	sdelay $0x3  }
0x17: {  	s17 =	sand.u32 $0x3800, s1;
	s18 =	sand.u32 $0x380, s1  }
0x18: {  	s17 =	sor.u32 s18, s17;
	v0 =	vadd.s32 s1, v0  }
0x19: {  	[tilespmem:s17+$0x400] =	vst v0  }
0x1a: {  	v0 =	vld [tilespmem:$0x200];
	_ =	sdelay $0x4  }
0x1b: {  	v0 =	vadd.s32 s1, v0  }
0x1c: {  	[tilespmem:s17+$0x4400] =	vst v0  }
0x1d: {  	v0 =	vld [tilespmem:$0x10];
	_ =	sdelay $0x4  }
0x1e: {  	v0 =	vadd.s32 s1, v0  }
0x1f: {  	[tilespmem:s17+$0x410] =	vst v0  }
0x20: {  	v0 =	vld [tilespmem:$0x210];
	_ =	sdelay $0x4  }
0x21: {  	v0 =	vadd.s32 s1, v0  }
0x22: {  	[tilespmem:s17+$0x4410] =	vst v0  }
0x23: {  	v0 =	vld [tilespmem:$0x20];
	_ =	sdelay $0x4  }
0x24: {  	v0 =	vadd.s32 s1, v0  }
0x25: {  	[tilespmem:s17+$0x420] =	vst v0  }
0x26: {  	v0 =	vld [tilespmem:$0x220];
	_ =	sdelay $0x4  }
0x27: {  	v0 =	vadd.s32 s1, v0  }
0x28: {  	[tilespmem:s17+$0x4420] =	vst v0  }
0x29: {  	v0 =	vld [tilespmem:$0x30];
	_ =	sdelay $0x4  }
0x2a: {  	v0 =	vadd.s32 s1, v0  }
0x2b: {  	[tilespmem:s17+$0x430] =	vst v0  }
0x2c: {  	v0 =	vld [tilespmem:$0x230];
	_ =	sdelay $0x4  }
0x2d: {  	v0 =	vadd.s32 s1, v0  }
0x2e: {  	[tilespmem:s17+$0x4430] =	vst v0  }
0x2f: {  	v0 =	vld [tilespmem:$0x40];
	_ =	sdelay $0x4  }
0x30: {  	v0 =	vadd.s32 s1, v0  }
0x31: {  	[tilespmem:s17+$0x440] =	vst v0  }
0x32: {  	v0 =	vld [tilespmem:$0x240];
	_ =	sdelay $0x4  }
0x33: {  	v0 =	vadd.s32 s1, v0  }
0x34: {  	[tilespmem:s17+$0x4440] =	vst v0  }
0x35: {  	v0 =	vld [tilespmem:$0x50];
	_ =	sdelay $0x4  }
0x36: {  	v0 =	vadd.s32 s1, v0  }
0x37: {  	[tilespmem:s17+$0x450] =	vst v0  }
0x38: {  	v0 =	vld [tilespmem:$0x250];
	_ =	sdelay $0x4  }
0x39: {  	v0 =	vadd.s32 s1, v0  }
0x3a: {  	[tilespmem:s17+$0x4450] =	vst v0  }
0x3b: {  	v0 =	vld [tilespmem:$0x60];
	_ =	sdelay $0x4  }
0x3c: {  	v0 =	vadd.s32 s1, v0  }
0x3d: {  	[tilespmem:s17+$0x460] =	vst v0  }
0x3e: {  	v0 =	vld [tilespmem:$0x260];
	_ =	sdelay $0x4  }
0x3f: {  	v0 =	vadd.s32 s1, v0  }
0x40: {  	[tilespmem:s17+$0x4460] =	vst v0  }
0x41: {  	v0 =	vld [tilespmem:$0x70];
	_ =	sdelay $0x4  }
0x42: {  	v0 =	vadd.s32 s1, v0  }
0x43: {  	[tilespmem:s17+$0x470] =	vst v0  }
0x44: {  	v0 =	vld [tilespmem:$0x270];
	_ =	sdelay $0x4  }
0x45: {  	v0 =	vadd.s32 s1, v0  }
0x46: {  	[tilespmem:s17+$0x4470] =	vst v0  }
0x47: {  	v0 =	vld [tilespmem:$0x80];
	_ =	sdelay $0x4  }
0x48: {  	v0 =	vadd.s32 s1, v0  }
0x49: {  	[tilespmem:s17+$0x800] =	vst v0  }
0x4a: {  	v0 =	vld [tilespmem:$0x280];
	_ =	sdelay $0x4  }
0x4b: {  	v0 =	vadd.s32 s1, v0  }
0x4c: {  	[tilespmem:s17+$0x4800] =	vst v0  }
0x4d: {  	v0 =	vld [tilespmem:$0x90];
	_ =	sdelay $0x4  }
0x4e: {  	v0 =	vadd.s32 s1, v0  }
0x4f: {  	[tilespmem:s17+$0x810] =	vst v0  }
0x50: {  	v0 =	vld [tilespmem:$0x290];
	_ =	sdelay $0x4  }
0x51: {  	v0 =	vadd.s32 s1, v0  }
0x52: {  	[tilespmem:s17+$0x4810] =	vst v0  }
0x53: {  	v0 =	vld [tilespmem:$0xA0];
	_ =	sdelay $0x4  }
0x54: {  	v0 =	vadd.s32 s1, v0  }
0x55: {  	[tilespmem:s17+$0x820] =	vst v0  }
0x56: {  	v0 =	vld [tilespmem:$0x2A0];
	_ =	sdelay $0x4  }
0x57: {  	v0 =	vadd.s32 s1, v0  }
0x58: {  	[tilespmem:s17+$0x4820] =	vst v0  }
0x59: {  	v0 =	vld [tilespmem:$0xB0];
	_ =	sdelay $0x4  }
0x5a: {  	v0 =	vadd.s32 s1, v0  }
0x5b: {  	[tilespmem:s17+$0x830] =	vst v0  }
0x5c: {  	v0 =	vld [tilespmem:$0x2B0];
	_ =	sdelay $0x4  }
0x5d: {  	v0 =	vadd.s32 s1, v0  }
0x5e: {  	[tilespmem:s17+$0x4830] =	vst v0  }
0x5f: {  	v0 =	vld [tilespmem:$0xC0];
	_ =	sdelay $0x4  }
0x60: {  	v0 =	vadd.s32 s1, v0  }
0x61: {  	[tilespmem:s17+$0x840] =	vst v0  }
0x62: {  	v0 =	vld [tilespmem:$0x2C0];
	_ =	sdelay $0x4  }
0x63: {  	v0 =	vadd.s32 s1, v0  }
0x64: {  	[tilespmem:s17+$0x4840] =	vst v0  }
0x65: {  	v0 =	vld [tilespmem:$0xD0];
	_ =	sdelay $0x4  }
0x66: {  	v0 =	vadd.s32 s1, v0  }
0x67: {  	[tilespmem:s17+$0x850] =	vst v0  }
0x68: {  	v0 =	vld [tilespmem:$0x2D0];
	_ =	sdelay $0x4  }
0x69: {  	v0 =	vadd.s32 s1, v0  }
0x6a: {  	[tilespmem:s17+$0x4850] =	vst v0  }
0x6b: {  	v0 =	vld [tilespmem:$0xE0];
	_ =	sdelay $0x4  }
0x6c: {  	v0 =	vadd.s32 s1, v0  }
0x6d: {  	[tilespmem:s17+$0x860] =	vst v0  }
0x6e: {  	v0 =	vld [tilespmem:$0x2E0];
	_ =	sdelay $0x4  }
0x6f: {  	v0 =	vadd.s32 s1, v0  }
0x70: {  	[tilespmem:s17+$0x4860] =	vst v0  }
0x71: {  	v0 =	vld [tilespmem:$0xF0];
	_ =	sdelay $0x4  }
0x72: {  	v0 =	vadd.s32 s1, v0  }
0x73: {  	[tilespmem:s17+$0x870] =	vst v0  }
0x74: {  	v0 =	vld [tilespmem:$0x2F0];
	_ =	sdelay $0x4  }
0x75: {  	v0 =	vadd.s32 s1, v0  }
0x76: {  	s18 =	sor.u32 $0x400, s17;
	s19 =	sor.u32 $0x8400, s17;
	[tilespmem:s17+$0x4870] =	vst v0  }
0x77: {  	[tilespmem:s19], [sflag:$0x1] =	stream.indirect.gather [hbm4b:s3+s12], $0x1, s18, s12, $0xb8;
	[tilespmem:$0x10500] =	vst v63  }
0x78: {  	s26 =	sor.u32 $0x4400, s17;
	s28 =	sor.u32 $0xC400, s17  }
0x79: {  	[tilespmem:s28], [sflag:$0x2] =	stream.indirect.gather [hbm4b:s4+s12], $0x1, s26, s12, $0xb8;
	[tilespmem:$0x10500] =	vst v63  }
0x7a: {  	s29 =	sadd.s32 $0x800, s17;
	s30 =	sadd.s32 $0x8800, s17  }
0x7b: {  	[tilespmem:s30], [sflag:$0x1] =	stream.indirect.gather [hbm4b:s3+s12], $0x1, s29, s12, $0xb8;
	[tilespmem:$0x10500] =	vst v63  }
0x7c: {  	s31 =	sadd.s32 $0x4800, s17;
	s17 =	sadd.s32 $0xC800, s17  }
0x7d: {  	[tilespmem:s17], [sflag:$0x2] =	stream.indirect.gather [hbm4b:s4+s12], $0x1, s31, s12, $0xb8;
	[tilespmem:$0x10500] =	vst v63  }
0x7e: {  	_ =	swait.ge [sflag:s13], $0x80  }
0x7f: {  	[sflag:s13] =	ssyncset.done $0x0  }
0x80: {  	[sflag:s13] =	ssyncadd.s32 $0xFFFFFF80  }
0x81: {  	_ =	swait.ge [sflag:s14], $0x80  }
0x82: {  	[sflag:s14] =	ssyncset.done $0x0  }
0x83: {  	[sflag:s14] =	ssyncadd.s32 $0xFFFFFF80  }
0x84: {  	_ =	swait.ge [sflag:s13], $0x80  }
0x85: {  	[sflag:s13] =	ssyncset.done $0x0  }
0x86: {  	[sflag:s13] =	ssyncadd.s32 $0xFFFFFF80  }
0x87: {  	s20 =	simm.s32 $0x0;
	s18 =	simm.s32 $0x186A0;
	_ =	swait.ge [sflag:s14], $0x80  }
0x88: {  	s19 =	simm.s32 $0x0;
	s17 =	simm.s32 $0xF4240;
	[sflag:s14] =	ssyncset.done $0x0  }
.LBB2_2:
0x89: {  	[sflag:s14] =	ssyncadd.s32 $0xFFFFFF80;
	s19 =	sadd.s32 $0x80, s19;
	s20 =	sadd.s32 $0x100, s20  }
0x8a: {  	p0 =	sne.s32 s17, $0x3C14DC0;
	s22 =	smov.u32 s17;
	s17 =	sadd.s32 $0xF4240, s17;
	v0 =	vld [tilespmem:$0x0]  }
0x8b: {  	_ =	sdelay $0x2  }
0x8c: {  	s21 =	sand.u32 $0x3800, s20;
	s23 =	sand.u32 $0x380, s19  }
0x8d: {  	s21 =	sor.u32 s23, s21;
	v0 =	vadd.s32 s22, v0  }
0x8e: {  	[tilespmem:s21+$0x400] =	vst v0  }
0x8f: {  	v0 =	vld [tilespmem:$0x200];
	_ =	sdelay $0x4  }
0x90: {  	v0 =	vadd.s32 s18, v0  }
0x91: {  	[tilespmem:s21+$0x4400] =	vst v0  }
0x92: {  	v0 =	vld [tilespmem:$0x10];
	_ =	sdelay $0x4  }
0x93: {  	v0 =	vadd.s32 s22, v0  }
0x94: {  	[tilespmem:s21+$0x410] =	vst v0  }
0x95: {  	v0 =	vld [tilespmem:$0x210];
	_ =	sdelay $0x4  }
0x96: {  	v0 =	vadd.s32 s18, v0  }
0x97: {  	[tilespmem:s21+$0x4410] =	vst v0  }
0x98: {  	v0 =	vld [tilespmem:$0x20];
	_ =	sdelay $0x4  }
0x99: {  	v0 =	vadd.s32 s22, v0  }
0x9a: {  	[tilespmem:s21+$0x420] =	vst v0  }
0x9b: {  	v0 =	vld [tilespmem:$0x220];
	_ =	sdelay $0x4  }
0x9c: {  	v0 =	vadd.s32 s18, v0  }
0x9d: {  	[tilespmem:s21+$0x4420] =	vst v0  }
0x9e: {  	v0 =	vld [tilespmem:$0x30];
	_ =	sdelay $0x4  }
0x9f: {  	v0 =	vadd.s32 s22, v0  }
0xa0: {  	[tilespmem:s21+$0x430] =	vst v0  }
0xa1: {  	v0 =	vld [tilespmem:$0x230];
	_ =	sdelay $0x4  }
0xa2: {  	v0 =	vadd.s32 s18, v0  }
0xa3: {  	[tilespmem:s21+$0x4430] =	vst v0  }
0xa4: {  	v0 =	vld [tilespmem:$0x40];
	_ =	sdelay $0x4  }
0xa5: {  	v0 =	vadd.s32 s22, v0  }
0xa6: {  	[tilespmem:s21+$0x440] =	vst v0  }
0xa7: {  	v0 =	vld [tilespmem:$0x240];
	_ =	sdelay $0x4  }
0xa8: {  	v0 =	vadd.s32 s18, v0  }
0xa9: {  	[tilespmem:s21+$0x4440] =	vst v0  }
0xaa: {  	v0 =	vld [tilespmem:$0x50];
	_ =	sdelay $0x4  }
0xab: {  	v0 =	vadd.s32 s22, v0  }
0xac: {  	[tilespmem:s21+$0x450] =	vst v0  }
0xad: {  	v0 =	vld [tilespmem:$0x250];
	_ =	sdelay $0x4  }
0xae: {  	v0 =	vadd.s32 s18, v0  }
0xaf: {  	[tilespmem:s21+$0x4450] =	vst v0  }
0xb0: {  	v0 =	vld [tilespmem:$0x60];
	_ =	sdelay $0x4  }
0xb1: {  	v0 =	vadd.s32 s22, v0  }
0xb2: {  	[tilespmem:s21+$0x460] =	vst v0  }
0xb3: {  	v0 =	vld [tilespmem:$0x260];
	_ =	sdelay $0x4  }
0xb4: {  	v0 =	vadd.s32 s18, v0  }
0xb5: {  	[tilespmem:s21+$0x4460] =	vst v0  }
0xb6: {  	v0 =	vld [tilespmem:$0x70];
	_ =	sdelay $0x4  }
0xb7: {  	v0 =	vadd.s32 s22, v0  }
0xb8: {  	[tilespmem:s21+$0x470] =	vst v0  }
0xb9: {  	v0 =	vld [tilespmem:$0x270];
	_ =	sdelay $0x4  }
0xba: {  	v0 =	vadd.s32 s18, v0  }
0xbb: {  	[tilespmem:s21+$0x4470] =	vst v0  }
0xbc: {  	v0 =	vld [tilespmem:$0x80];
	_ =	sdelay $0x4  }
0xbd: {  	v0 =	vadd.s32 s22, v0  }
0xbe: {  	[tilespmem:s21+$0x800] =	vst v0  }
0xbf: {  	v0 =	vld [tilespmem:$0x280];
	_ =	sdelay $0x4  }
0xc0: {  	v0 =	vadd.s32 s18, v0  }
0xc1: {  	[tilespmem:s21+$0x4800] =	vst v0  }
0xc2: {  	v0 =	vld [tilespmem:$0x90];
	_ =	sdelay $0x4  }
0xc3: {  	v0 =	vadd.s32 s22, v0  }
0xc4: {  	[tilespmem:s21+$0x810] =	vst v0  }
0xc5: {  	v0 =	vld [tilespmem:$0x290];
	_ =	sdelay $0x4  }
0xc6: {  	v0 =	vadd.s32 s18, v0  }
0xc7: {  	[tilespmem:s21+$0x4810] =	vst v0  }
0xc8: {  	v0 =	vld [tilespmem:$0xA0];
	_ =	sdelay $0x4  }
0xc9: {  	v0 =	vadd.s32 s22, v0  }
0xca: {  	[tilespmem:s21+$0x820] =	vst v0  }
0xcb: {  	v0 =	vld [tilespmem:$0x2A0];
	_ =	sdelay $0x4  }
0xcc: {  	v0 =	vadd.s32 s18, v0  }
0xcd: {  	[tilespmem:s21+$0x4820] =	vst v0  }
0xce: {  	v0 =	vld [tilespmem:$0xB0];
	_ =	sdelay $0x4  }
0xcf: {  	v0 =	vadd.s32 s22, v0  }
0xd0: {  	[tilespmem:s21+$0x830] =	vst v0  }
0xd1: {  	v0 =	vld [tilespmem:$0x2B0];
	_ =	sdelay $0x4  }
0xd2: {  	v0 =	vadd.s32 s18, v0  }
0xd3: {  	[tilespmem:s21+$0x4830] =	vst v0  }
0xd4: {  	v0 =	vld [tilespmem:$0xC0];
	_ =	sdelay $0x4  }
0xd5: {  	v0 =	vadd.s32 s22, v0  }
0xd6: {  	[tilespmem:s21+$0x840] =	vst v0  }
0xd7: {  	v0 =	vld [tilespmem:$0x2C0];
	_ =	sdelay $0x4  }
0xd8: {  	v0 =	vadd.s32 s18, v0  }
0xd9: {  	[tilespmem:s21+$0x4840] =	vst v0  }
0xda: {  	v0 =	vld [tilespmem:$0xD0];
	_ =	sdelay $0x4  }
0xdb: {  	v0 =	vadd.s32 s22, v0  }
0xdc: {  	[tilespmem:s21+$0x850] =	vst v0  }
0xdd: {  	v0 =	vld [tilespmem:$0x2D0];
	_ =	sdelay $0x4  }
0xde: {  	v0 =	vadd.s32 s18, v0  }
0xdf: {  	[tilespmem:s21+$0x4850] =	vst v0  }
0xe0: {  	v0 =	vld [tilespmem:$0xE0];
	_ =	sdelay $0x4  }
0xe1: {  	v0 =	vadd.s32 s22, v0  }
0xe2: {  	[tilespmem:s21+$0x860] =	vst v0  }
0xe3: {  	v0 =	vld [tilespmem:$0x2E0];
	_ =	sdelay $0x4  }
0xe4: {  	v0 =	vadd.s32 s18, v0  }
0xe5: {  	[tilespmem:s21+$0x4860] =	vst v0  }
0xe6: {  	v0 =	vld [tilespmem:$0xF0];
	_ =	sdelay $0x4  }
0xe7: {  	v0 =	vadd.s32 s22, v0  }
0xe8: {  	[tilespmem:s21+$0x870] =	vst v0  }
0xe9: {  	v0 =	vld [tilespmem:$0x2F0];
	_ =	sdelay $0x4  }
0xea: {  	v0 =	vadd.s32 s18, v0  }
0xeb: {  	s23 =	sor.u32 $0x8400, s21;
	s22 =	sor.u32 $0x400, s21;
	[tilespmem:s21+$0x4870] =	vst v0  }
0xec: {  	[tilespmem:s23], [sflag:$0x1] =	stream.indirect.gather [hbm4b:s3+s12], $0x1, s22, s12, $0xb8;
	[tilespmem:$0x10500] =	vst v63  }
0xed: {  	s22 =	sor.u32 $0x4400, s21;
	s23 =	sor.u32 $0xC400, s21  }
0xee: {  	[tilespmem:s23], [sflag:$0x2] =	stream.indirect.gather [hbm4b:s4+s12], $0x1, s22, s12, $0xb8;
	[tilespmem:$0x10500] =	vst v63  }
0xef: {  	s22 =	sadd.s32 $0x800, s21;
	s23 =	sadd.s32 $0x8800, s21  }
0xf0: {  	[tilespmem:s23], [sflag:$0x1] =	stream.indirect.gather [hbm4b:s3+s12], $0x1, s22, s12, $0xb8;
	[tilespmem:$0x10500] =	vst v63  }
0xf1: {  	s22 =	sadd.s32 $0x4800, s21;
	s21 =	sadd.s32 $0xC800, s21  }
0xf2: {  	[tilespmem:s21], [sflag:$0x2] =	stream.indirect.gather [hbm4b:s4+s12], $0x1, s22, s12, $0xb8;
	[tilespmem:$0x10500] =	vst v63  }
0xf3: {  	_ =	swait.ge [sflag:s13], $0x80  }
0xf4: {  	[sflag:s13] =	ssyncset.done $0x0  }
0xf5: {  	[sflag:s13] =	ssyncadd.s32 $0xFFFFFF80  }
0xf6: {  	_ =	swait.ge [sflag:s14], $0x80  }
0xf7: {  	[sflag:s14] =	ssyncset.done $0x0  }
0xf8: {  	[sflag:s14] =	ssyncadd.s32 $0xFFFFFF80  }
.Ltmp0:
0xf9: {  	_ =	swait.ge [sflag:s13], $0x80;
	(pc) =	sbr.rel @p0 .LBB2_2-.Ltmp0, $4  }
0xfa: {  	[sflag:s13] =	ssyncset.done $0x0  }
0xfb: {  	[sflag:s13] =	ssyncadd.s32 $0xFFFFFF80  }
0xfc: {  	_ =	swait.ge [sflag:s14], $0x80  }
0xfd: {  	s18 =	sadd.s32 $0x186A0, s18;
	[sflag:s14] =	ssyncset.done $0x0  }
0xfe: {  	s19 =	simm.s32 $0x0  }
0xff: {  	s17 =	sand.u32 $0x70, s19;
	s18 =	sand.u32 $0x400, s19  }
0x100: {  	[sflag:s14] =	ssyncadd.s32 $0xFFFFFF80;
	s20 =	sand.u32 $0xFFFFFC00, s19;
	s17 =	sor.u32 s17, s18  }
0x101: {  	s18 =	sadd.s32 $0x0, s20;
	v0 =	vld [tilespmem:s17+$0xC400]  }
0x102: {  	v1 =	vld [tilespmem:s17+$0x8400];
	s20 =	sor.u32 $0x80, s18  }
0x103: {  	v2 =	vld [tilespmem:s20+$0x8400]  }
0x104: {  	v3 =	vld [tilespmem:s20+$0xC400]  }
0x105: {  	v4 =	vld [tilespmem:s17+$0x8500]  }
0x106: {  	v5 =	vld [tilespmem:s17+$0xC500];
	s31 =	sor.u32 $0x180, s18  }
0x107: {  	v48 =	vld [tilespmem:s31+$0x8400];
	v0 =	vmul.f32 v0, v1  }
0x108: {  	v6 =	vld [tilespmem:s31+$0xC400]  }
0x109: {  	v49 =	vld [tilespmem:s17+$0x8600];
	v2 =	vmul.f32 v3, v2;
	v0 =	vadd.f32 $0.0e+00, v0  }
0x10a: {  	v7 =	vld [tilespmem:s17+$0xC600];
	s21 =	sor.u32 $0x280, s18  }
0x10b: {  	v51 =	vld [tilespmem:s21+$0x8400];
	v50 =	vmul.f32 v5, v4;
	v0 =	vadd.f32 v2, v0  }
0x10c: {  	v52 =	vld [tilespmem:s21+$0xC400]  }
0x10d: {  	s19 =	sor.u32 s19, s19;
	v53 =	vld [tilespmem:s17+$0x8700];
	v1 =	vmul.f32 v6, v48;
	v0 =	vadd.f32 v50, v0  }
0x10e: {  	s22 =	sor.u32 $0x380, s19;
	v54 =	vld [tilespmem:s17+$0xC700]  }
0x10f: {  	v56 =	vld [tilespmem:s22+$0x8400];
	v55 =	vmul.f32 v7, v49;
	v0 =	vadd.f32 v1, v0  }
0x110: {  	v57 =	vld [tilespmem:s22+$0xC400]  }
0x111: {  	v59 =	vld [tilespmem:s17+$0x8C00];
	v58 =	vmul.f32 v52, v51;
	v0 =	vadd.f32 v55, v0  }
0x112: {  	v60 =	vld [tilespmem:s17+$0xCC00];
	s23 =	sor.u32 $0x880, s18  }
0x113: {  	v62 =	vld [tilespmem:s23+$0x8400];
	v61 =	vmul.f32 v54, v53;
	v0 =	vadd.f32 v58, v0  }
0x114: {  	v63 =	vld [tilespmem:s23+$0xC400]  }
0x115: {  	v10 =	vld [tilespmem:s17+$0x8D00];
	v9 =	vmul.f32 v57, v56;
	v0 =	vadd.f32 v61, v0  }
0x116: {  	v11 =	vld [tilespmem:s17+$0xCD00];
	s24 =	sor.u32 $0x980, s18  }
0x117: {  	v13 =	vld [tilespmem:s24+$0x8400];
	v12 =	vmul.f32 v60, v59;
	v0 =	vadd.f32 v9, v0  }
0x118: {  	v14 =	vld [tilespmem:s24+$0xC400]  }
0x119: {  	v16 =	vld [tilespmem:s17+$0x8E00];
	v15 =	vmul.f32 v63, v62;
	v0 =	vadd.f32 v12, v0  }
0x11a: {  	v17 =	vld [tilespmem:s17+$0xCE00];
	s25 =	sor.u32 $0xA80, s18  }
0x11b: {  	v19 =	vld [tilespmem:s25+$0x8400];
	v18 =	vmul.f32 v11, v10;
	v0 =	vadd.f32 v15, v0  }
0x11c: {  	v20 =	vld [tilespmem:s25+$0xC400]  }
0x11d: {  	v22 =	vld [tilespmem:s17+$0x8F00];
	v21 =	vmul.f32 v14, v13;
	v0 =	vadd.f32 v18, v0  }
0x11e: {  	s26 =	sor.u32 $0xB80, s19;
	v23 =	vld [tilespmem:s17+$0xCF00]  }
0x11f: {  	v25 =	vld [tilespmem:s26+$0x8400];
	v24 =	vmul.f32 v17, v16;
	v0 =	vadd.f32 v21, v0  }
0x120: {  	v26 =	vld [tilespmem:s26+$0xC400]  }
0x121: {  	v28 =	vld [tilespmem:s17+$0x9400];
	v27 =	vmul.f32 v20, v19;
	v0 =	vadd.f32 v24, v0  }
0x122: {  	v29 =	vld [tilespmem:s17+$0xD400];
	s28 =	sor.u32 $0x1080, s18  }
0x123: {  	v31 =	vld [tilespmem:s28+$0x8400];
	v30 =	vmul.f32 v23, v22;
	v0 =	vadd.f32 v27, v0  }
0x124: {  	v32 =	vld [tilespmem:s28+$0xC400]  }
0x125: {  	v34 =	vld [tilespmem:s17+$0x9500];
	v33 =	vmul.f32 v26, v25;
	v0 =	vadd.f32 v30, v0  }
0x126: {  	v35 =	vld [tilespmem:s17+$0xD500];
	s29 =	sor.u32 $0x1180, s18  }
0x127: {  	v37 =	vld [tilespmem:s29+$0x8400];
	v36 =	vmul.f32 v29, v28;
	v0 =	vadd.f32 v33, v0  }
0x128: {  	v38 =	vld [tilespmem:s29+$0xC400]  }
0x129: {  	v40 =	vld [tilespmem:s17+$0x9600];
	v39 =	vmul.f32 v32, v31;
	v0 =	vadd.f32 v36, v0  }
0x12a: {  	v41 =	vld [tilespmem:s17+$0xD600];
	s30 =	sor.u32 $0x1280, s18  }
0x12b: {  	v43 =	vld [tilespmem:s30+$0x8400];
	v42 =	vmul.f32 v35, v34;
	v0 =	vadd.f32 v39, v0  }
0x12c: {  	v44 =	vld [tilespmem:s30+$0xC400]  }
0x12d: {  	v46 =	vld [tilespmem:s17+$0x9700];
	v45 =	vmul.f32 v38, v37;
	v0 =	vadd.f32 v42, v0  }
0x12e: {  	v47 =	vld [tilespmem:s17+$0xD700];
	s31 =	sor.u32 $0x1380, s19  }
0x12f: {  	v49 =	vld [tilespmem:s31+$0x8400];
	v48 =	vmul.f32 v41, v40;
	v0 =	vadd.f32 v45, v0  }
0x130: {  	v50 =	vld [tilespmem:s31+$0xC400]  }
0x131: {  	v53 =	vld [tilespmem:s17+$0xDC00];
	v51 =	vmul.f32 v44, v43;
	v0 =	vadd.f32 v48, v0  }
0x132: {  	s21 =	sor.u32 $0x1880, s18;
	v52 =	vld [tilespmem:s17+$0x9C00]  }
0x133: {  	v54 =	vmul.f32 v47, v46;
	v56 =	vld [tilespmem:s21+$0xC400];
	v0 =	vadd.f32 v51, v0  }
0x134: {  	v55 =	vld [tilespmem:s21+$0x8400]  }
0x135: {  	v59 =	vld [tilespmem:s17+$0xDD00];
	v57 =	vmul.f32 v50, v49;
	v0 =	vadd.f32 v54, v0  }
0x136: {  	s22 =	sor.u32 $0x1980, s18;
	v58 =	vld [tilespmem:s17+$0x9D00]  }
0x137: {  	v62 =	vld [tilespmem:s22+$0xC400];
	v60 =	vmul.f32 v53, v52;
	v0 =	vadd.f32 v57, v0  }
0x138: {  	v61 =	vld [tilespmem:s22+$0x8400]  }
0x139: {  	v10 =	vld [tilespmem:s17+$0xDE00];
	v63 =	vmul.f32 v56, v55;
	v0 =	vadd.f32 v60, v0  }
0x13a: {  	s23 =	sor.u32 $0x1A80, s18;
	v9 =	vld [tilespmem:s17+$0x9E00]  }
0x13b: {  	v13 =	vld [tilespmem:s23+$0xC400];
	v11 =	vmul.f32 v59, v58;
	v0 =	vadd.f32 v63, v0  }
0x13c: {  	v12 =	vld [tilespmem:s23+$0x8400]  }
0x13d: {  	v16 =	vld [tilespmem:s17+$0xDF00];
	v14 =	vmul.f32 v62, v61;
	v0 =	vadd.f32 v11, v0  }
0x13e: {  	s24 =	sor.u32 $0x1B80, s19;
	v15 =	vld [tilespmem:s17+$0x9F00]  }
0x13f: {  	v19 =	vld [tilespmem:s24+$0xC400];
	v17 =	vmul.f32 v10, v9;
	v0 =	vadd.f32 v14, v0  }
0x140: {  	v18 =	vld [tilespmem:s24+$0x8400]  }
0x141: {  	v22 =	vld [tilespmem:s17+$0xE400];
	v20 =	vmul.f32 v13, v12;
	v0 =	vadd.f32 v17, v0  }
0x142: {  	s25 =	sor.u32 $0x2080, s18;
	v21 =	vld [tilespmem:s17+$0xA400]  }
0x143: {  	v25 =	vld [tilespmem:s25+$0xC400];
	v23 =	vmul.f32 v16, v15;
	v0 =	vadd.f32 v20, v0  }
0x144: {  	v24 =	vld [tilespmem:s25+$0x8400]  }
0x145: {  	v28 =	vld [tilespmem:s17+$0xE500];
	v26 =	vmul.f32 v19, v18;
	v0 =	vadd.f32 v23, v0  }
0x146: {  	s26 =	sor.u32 $0x2180, s18;
	v27 =	vld [tilespmem:s17+$0xA500]  }
0x147: {  	v31 =	vld [tilespmem:s26+$0xC400];
	v29 =	vmul.f32 v22, v21;
	v0 =	vadd.f32 v26, v0  }
0x148: {  	v30 =	vld [tilespmem:s26+$0x8400]  }
0x149: {  	v34 =	vld [tilespmem:s17+$0xE600];
	v32 =	vmul.f32 v25, v24;
	v0 =	vadd.f32 v29, v0  }
0x14a: {  	s28 =	sor.u32 $0x2280, s18;
	v33 =	vld [tilespmem:s17+$0xA600]  }
0x14b: {  	v37 =	vld [tilespmem:s28+$0xC400];
	v35 =	vmul.f32 v28, v27;
	v0 =	vadd.f32 v32, v0  }
0x14c: {  	v36 =	vld [tilespmem:s28+$0x8400]  }
0x14d: {  	v40 =	vld [tilespmem:s17+$0xE700];
	v38 =	vmul.f32 v31, v30;
	v0 =	vadd.f32 v35, v0  }
0x14e: {  	s29 =	sor.u32 $0x2380, s19;
	v39 =	vld [tilespmem:s17+$0xA700]  }
0x14f: {  	v43 =	vld [tilespmem:s29+$0xC400];
	v41 =	vmul.f32 v34, v33;
	v0 =	vadd.f32 v38, v0  }
0x150: {  	v42 =	vld [tilespmem:s29+$0x8400]  }
0x151: {  	v46 =	vld [tilespmem:s17+$0xEC00];
	v44 =	vmul.f32 v37, v36;
	v0 =	vadd.f32 v41, v0  }
0x152: {  	s30 =	sor.u32 $0x2880, s18;
	v45 =	vld [tilespmem:s17+$0xAC00]  }
0x153: {  	v49 =	vld [tilespmem:s30+$0xC400];
	v47 =	vmul.f32 v40, v39;
	v0 =	vadd.f32 v44, v0  }
0x154: {  	v48 =	vld [tilespmem:s30+$0x8400]  }
0x155: {  	v52 =	vld [tilespmem:s17+$0xED00];
	v50 =	vmul.f32 v43, v42;
	v0 =	vadd.f32 v47, v0  }
0x156: {  	s31 =	sor.u32 $0x2980, s18;
	v51 =	vld [tilespmem:s17+$0xAD00]  }
0x157: {  	v55 =	vld [tilespmem:s31+$0xC400];
	v53 =	vmul.f32 v46, v45;
	v0 =	vadd.f32 v50, v0  }
0x158: {  	v54 =	vld [tilespmem:s31+$0x8400]  }
0x159: {  	v58 =	vld [tilespmem:s17+$0xEE00];
	v56 =	vmul.f32 v49, v48;
	v0 =	vadd.f32 v53, v0  }
0x15a: {  	s21 =	sor.u32 $0x2A80, s18;
	v57 =	vld [tilespmem:s17+$0xAE00]  }
0x15b: {  	v61 =	vld [tilespmem:s21+$0xC400];
	v59 =	vmul.f32 v52, v51;
	v0 =	vadd.f32 v56, v0  }
0x15c: {  	v60 =	vld [tilespmem:s21+$0x8400]  }
0x15d: {  	v9 =	vld [tilespmem:s17+$0xEF00];
	v62 =	vmul.f32 v55, v54;
	v0 =	vadd.f32 v59, v0  }
0x15e: {  	s22 =	sor.u32 $0x2B80, s19;
	v63 =	vld [tilespmem:s17+$0xAF00]  }
0x15f: {  	v12 =	vld [tilespmem:s22+$0xC400];
	v10 =	vmul.f32 v58, v57;
	v0 =	vadd.f32 v62, v0  }
0x160: {  	v11 =	vld [tilespmem:s22+$0x8400]  }
0x161: {  	v15 =	vld [tilespmem:s17+$0xF400];
	v13 =	vmul.f32 v61, v60;
	v0 =	vadd.f32 v10, v0  }
0x162: {  	s23 =	sor.u32 $0x3080, s18;
	v14 =	vld [tilespmem:s17+$0xB400]  }
0x163: {  	v18 =	vld [tilespmem:s23+$0xC400];
	v16 =	vmul.f32 v9, v63;
	v0 =	vadd.f32 v13, v0  }
0x164: {  	v17 =	vld [tilespmem:s23+$0x8400]  }
0x165: {  	v21 =	vld [tilespmem:s17+$0xF500];
	v19 =	vmul.f32 v12, v11;
	v0 =	vadd.f32 v16, v0  }
0x166: {  	s24 =	sor.u32 $0x3180, s18;
	v20 =	vld [tilespmem:s17+$0xB500]  }
0x167: {  	v24 =	vld [tilespmem:s24+$0xC400];
	v22 =	vmul.f32 v15, v14;
	v0 =	vadd.f32 v19, v0  }
0x168: {  	v23 =	vld [tilespmem:s24+$0x8400]  }
0x169: {  	v27 =	vld [tilespmem:s17+$0xF600];
	v25 =	vmul.f32 v18, v17;
	v0 =	vadd.f32 v22, v0  }
0x16a: {  	s25 =	sor.u32 $0x3280, s18;
	v26 =	vld [tilespmem:s17+$0xB600]  }
0x16b: {  	v30 =	vld [tilespmem:s25+$0xC400];
	v28 =	vmul.f32 v21, v20;
	v0 =	vadd.f32 v25, v0  }
0x16c: {  	v29 =	vld [tilespmem:s25+$0x8400]  }
0x16d: {  	v33 =	vld [tilespmem:s17+$0xF700];
	v31 =	vmul.f32 v24, v23;
	v0 =	vadd.f32 v28, v0  }
0x16e: {  	s26 =	sor.u32 $0x3380, s19;
	v32 =	vld [tilespmem:s17+$0xB700]  }
0x16f: {  	v36 =	vld [tilespmem:s26+$0xC400];
	v34 =	vmul.f32 v27, v26;
	v0 =	vadd.f32 v31, v0  }
0x170: {  	v35 =	vld [tilespmem:s26+$0x8400]  }
0x171: {  	v39 =	vld [tilespmem:s17+$0xFC00];
	v37 =	vmul.f32 v30, v29;
	v0 =	vadd.f32 v34, v0  }
0x172: {  	s28 =	sor.u32 $0x3880, s18;
	v38 =	vld [tilespmem:s17+$0xBC00]  }
0x173: {  	v42 =	vld [tilespmem:s28+$0xC400];
	v40 =	vmul.f32 v33, v32;
	v0 =	vadd.f32 v37, v0  }
0x174: {  	v41 =	vld [tilespmem:s28+$0x8400]  }
0x175: {  	v45 =	vld [tilespmem:s17+$0xFD00];
	v43 =	vmul.f32 v36, v35;
	v0 =	vadd.f32 v40, v0  }
0x176: {  	s29 =	sor.u32 $0x3980, s18;
	v44 =	vld [tilespmem:s17+$0xBD00]  }
0x177: {  	v48 =	vld [tilespmem:s29+$0xC400];
	v46 =	vmul.f32 v39, v38;
	v0 =	vadd.f32 v43, v0  }
0x178: {  	v47 =	vld [tilespmem:s29+$0x8400]  }
0x179: {  	v51 =	vld [tilespmem:s17+$0xFE00];
	v49 =	vmul.f32 v42, v41;
	v0 =	vadd.f32 v46, v0  }
0x17a: {  	s18 =	sor.u32 $0x3A80, s18;
	v50 =	vld [tilespmem:s17+$0xBE00]  }
0x17b: {  	v54 =	vld [tilespmem:s18+$0xC400];
	v52 =	vmul.f32 v45, v44;
	v0 =	vadd.f32 v49, v0  }
0x17c: {  	v53 =	vld [tilespmem:s18+$0x8400]  }
0x17d: {  	v57 =	vld [tilespmem:s17+$0xFF00];
	v55 =	vmul.f32 v48, v47;
	v0 =	vadd.f32 v52, v0  }
0x17e: {  	s30 =	sor.u32 $0x3B80, s19;
	v56 =	vld [tilespmem:s17+$0xBF00]  }
0x17f: {  	v60 =	vld [tilespmem:s30+$0xC400];
	v58 =	vmul.f32 v51, v50;
	v0 =	vadd.f32 v55, v0  }
0x180: {  	v59 =	vld [tilespmem:s30+$0x8400]  }
0x181: {  	v61 =	vmul.f32 v54, v53;
	v0 =	vadd.f32 v58, v0;
	_ =	sdelay $0x1  }
0x182: {  	v62 =	vmul.f32 v57, v56;
	v0 =	vadd.f32 v61, v0;
	_ =	sdelay $0x1  }
0x183: {  	v63 =	vmul.f32 v60, v59;
	v0 =	vadd.f32 v62, v0;
	_ =	sdelay $0x1  }
0x184: {  	s20 =	simm.s32 $0x80;
	s19 =	simm.s32 $0x10;
	v0 =	vadd.f32 v63, v0  }
0x185: {  	s31 =	sand.u32 $0x70, s19;
	s21 =	sand.u32 $0x400, s20;
	s17 =	simm.s32 $0x10400  }
0x186: {  	s22 =	sand.u32 $0xFFFFFC00, s20;
	s18 =	sor.u32 s31, s21;
	s21 =	simm.s32 $0x20;
	[tilespmem:s17+$0x0] =	vst v0  }
.LBB2_4:
0x187: {  	p0 =	sne.s32 s21, $0xF0;
	v0 =	vld [tilespmem:s18+$0xC400];
	s22 =	sadd.s32 s22, s19  }
0x188: {  	v1 =	vld [tilespmem:s18+$0x8400];
	s23 =	sor.u32 $0x80, s22  }
0x189: {  	v2 =	vld [tilespmem:s23+$0x8400]  }
0x18a: {  	v3 =	vld [tilespmem:s23+$0xC400]  }
0x18b: {  	v4 =	vld [tilespmem:s18+$0x8500]  }
0x18c: {  	s23 =	sor.u32 $0x180, s22;
	v5 =	vld [tilespmem:s18+$0xC500]  }
0x18d: {  	v0 =	vmul.f32 v0, v1;
	v1 =	vld [tilespmem:s23+$0x8400]  }
0x18e: {  	v6 =	vld [tilespmem:s23+$0xC400]  }
0x18f: {  	v0 =	vadd.f32 $0.0e+00, v0;
	v2 =	vmul.f32 v3, v2;
	v3 =	vld [tilespmem:s18+$0x8600]  }
0x190: {  	s23 =	sor.u32 $0x280, s22;
	v7 =	vld [tilespmem:s18+$0xC600]  }
0x191: {  	v0 =	vadd.f32 v2, v0;
	v2 =	vmul.f32 v5, v4;
	v4 =	vld [tilespmem:s23+$0x8400]  }
0x192: {  	v5 =	vld [tilespmem:s23+$0xC400]  }
0x193: {  	s23 =	sor.u32 s19, s20;
	s19 =	smov.u32 s21;
	v0 =	vadd.f32 v2, v0;
	v1 =	vmul.f32 v6, v1;
	v2 =	vld [tilespmem:s18+$0x8700]  }
0x194: {  	s24 =	sor.u32 $0x380, s23;
	v6 =	vld [tilespmem:s18+$0xC700]  }
0x195: {  	v0 =	vadd.f32 v1, v0;
	v1 =	vmul.f32 v7, v3;
	v3 =	vld [tilespmem:s24+$0x8400]  }
0x196: {  	v7 =	vld [tilespmem:s24+$0xC400]  }
0x197: {  	v0 =	vadd.f32 v1, v0;
	v1 =	vmul.f32 v5, v4;
	v4 =	vld [tilespmem:s18+$0x8C00]  }
0x198: {  	s24 =	sor.u32 $0x880, s22;
	v5 =	vld [tilespmem:s18+$0xCC00]  }
0x199: {  	v0 =	vadd.f32 v1, v0;
	v1 =	vmul.f32 v6, v2;
	v2 =	vld [tilespmem:s24+$0x8400]  }
0x19a: {  	v6 =	vld [tilespmem:s24+$0xC400]  }
0x19b: {  	v0 =	vadd.f32 v1, v0;
	v1 =	vmul.f32 v7, v3;
	v3 =	vld [tilespmem:s18+$0x8D00]  }
0x19c: {  	s24 =	sor.u32 $0x980, s22;
	v7 =	vld [tilespmem:s18+$0xCD00]  }
0x19d: {  	v0 =	vadd.f32 v1, v0;
	v1 =	vmul.f32 v5, v4;
	v4 =	vld [tilespmem:s24+$0x8400]  }
0x19e: {  	v5 =	vld [tilespmem:s24+$0xC400]  }
0x19f: {  	v0 =	vadd.f32 v1, v0;
	v1 =	vmul.f32 v6, v2;
	v2 =	vld [tilespmem:s18+$0x8E00]  }
0x1a0: {  	s24 =	sor.u32 $0xA80, s22;
	v6 =	vld [tilespmem:s18+$0xCE00]  }
0x1a1: {  	v0 =	vadd.f32 v1, v0;
	v1 =	vmul.f32 v7, v3;
	v3 =	vld [tilespmem:s24+$0x8400]  }
0x1a2: {  	v7 =	vld [tilespmem:s24+$0xC400]  }
0x1a3: {  	v0 =	vadd.f32 v1, v0;
	v1 =	vmul.f32 v5, v4;
	v4 =	vld [tilespmem:s18+$0x8F00]  }
0x1a4: {  	s24 =	sor.u32 $0xB80, s23;
	v5 =	vld [tilespmem:s18+$0xCF00]  }
0x1a5: {  	v0 =	vadd.f32 v1, v0;
	v1 =	vmul.f32 v6, v2;
	v2 =	vld [tilespmem:s24+$0x8400]  }
0x1a6: {  	v6 =	vld [tilespmem:s24+$0xC400]  }
0x1a7: {  	v0 =	vadd.f32 v1, v0;
	v1 =	vmul.f32 v7, v3;
	v3 =	vld [tilespmem:s18+$0x9400]  }
0x1a8: {  	s24 =	sor.u32 $0x1080, s22;
	v7 =	vld [tilespmem:s18+$0xD400]  }
0x1a9: {  	v0 =	vadd.f32 v1, v0;
	v1 =	vmul.f32 v5, v4;
	v4 =	vld [tilespmem:s24+$0x8400]  }
0x1aa: {  	v5 =	vld [tilespmem:s24+$0xC400]  }
0x1ab: {  	v0 =	vadd.f32 v1, v0;
	v1 =	vmul.f32 v6, v2;
	v2 =	vld [tilespmem:s18+$0x9500]  }
0x1ac: {  	s24 =	sor.u32 $0x1180, s22;
	v6 =	vld [tilespmem:s18+$0xD500]  }
0x1ad: {  	v0 =	vadd.f32 v1, v0;
	v1 =	vmul.f32 v7, v3;
	v3 =	vld [tilespmem:s24+$0x8400]  }
0x1ae: {  	v7 =	vld [tilespmem:s24+$0xC400]  }
0x1af: {  	v0 =	vadd.f32 v1, v0;
	v1 =	vmul.f32 v5, v4;
	v4 =	vld [tilespmem:s18+$0x9600]  }
0x1b0: {  	s24 =	sor.u32 $0x1280, s22;
	v5 =	vld [tilespmem:s18+$0xD600]  }
0x1b1: {  	v0 =	vadd.f32 v1, v0;
	v1 =	vmul.f32 v6, v2;
	v2 =	vld [tilespmem:s24+$0x8400]  }
0x1b2: {  	v6 =	vld [tilespmem:s24+$0xC400]  }
0x1b3: {  	v0 =	vadd.f32 v1, v0;
	v1 =	vmul.f32 v7, v3;
	v3 =	vld [tilespmem:s18+$0x9700]  }
0x1b4: {  	s24 =	sor.u32 $0x1380, s23;
	v7 =	vld [tilespmem:s18+$0xD700]  }
0x1b5: {  	v0 =	vadd.f32 v1, v0;
	v1 =	vmul.f32 v5, v4;
	v4 =	vld [tilespmem:s24+$0x8400]  }
0x1b6: {  	v5 =	vld [tilespmem:s24+$0xC400]  }
0x1b7: {  	v0 =	vadd.f32 v1, v0;
	v1 =	vmul.f32 v6, v2;
	v2 =	vld [tilespmem:s18+$0x9C00]  }
0x1b8: {  	s24 =	sor.u32 $0x1880, s22;
	v6 =	vld [tilespmem:s18+$0xDC00]  }
0x1b9: {  	v0 =	vadd.f32 v1, v0;
	v1 =	vmul.f32 v7, v3;
	v3 =	vld [tilespmem:s24+$0x8400]  }
0x1ba: {  	v7 =	vld [tilespmem:s24+$0xC400]  }
0x1bb: {  	v0 =	vadd.f32 v1, v0;
	v1 =	vmul.f32 v5, v4;
	v4 =	vld [tilespmem:s18+$0x9D00]  }
0x1bc: {  	s24 =	sor.u32 $0x1980, s22;
	v5 =	vld [tilespmem:s18+$0xDD00]  }
0x1bd: {  	v0 =	vadd.f32 v1, v0;
	v1 =	vmul.f32 v6, v2;
	v2 =	vld [tilespmem:s24+$0x8400]  }
0x1be: {  	v6 =	vld [tilespmem:s24+$0xC400]  }
0x1bf: {  	v0 =	vadd.f32 v1, v0;
	v1 =	vmul.f32 v7, v3;
	v3 =	vld [tilespmem:s18+$0x9E00]  }
0x1c0: {  	s24 =	sor.u32 $0x1A80, s22;
	v7 =	vld [tilespmem:s18+$0xDE00]  }
0x1c1: {  	v0 =	vadd.f32 v1, v0;
	v1 =	vmul.f32 v5, v4;
	v4 =	vld [tilespmem:s24+$0x8400]  }
0x1c2: {  	v5 =	vld [tilespmem:s24+$0xC400]  }
0x1c3: {  	v0 =	vadd.f32 v1, v0;
	v1 =	vmul.f32 v6, v2;
	v2 =	vld [tilespmem:s18+$0x9F00]  }
0x1c4: {  	s24 =	sor.u32 $0x1B80, s23;
	v6 =	vld [tilespmem:s18+$0xDF00]  }
0x1c5: {  	v0 =	vadd.f32 v1, v0;
	v1 =	vmul.f32 v7, v3;
	v3 =	vld [tilespmem:s24+$0x8400]  }
0x1c6: {  	v7 =	vld [tilespmem:s24+$0xC400]  }
0x1c7: {  	v0 =	vadd.f32 v1, v0;
	v1 =	vmul.f32 v5, v4;
	v4 =	vld [tilespmem:s18+$0xA400]  }
0x1c8: {  	s24 =	sor.u32 $0x2080, s22;
	v5 =	vld [tilespmem:s18+$0xE400]  }
0x1c9: {  	v0 =	vadd.f32 v1, v0;
	v1 =	vmul.f32 v6, v2;
	v2 =	vld [tilespmem:s24+$0x8400]  }
0x1ca: {  	v6 =	vld [tilespmem:s24+$0xC400]  }
0x1cb: {  	v0 =	vadd.f32 v1, v0;
	v1 =	vmul.f32 v7, v3;
	v3 =	vld [tilespmem:s18+$0xA500]  }
0x1cc: {  	s24 =	sor.u32 $0x2180, s22;
	v7 =	vld [tilespmem:s18+$0xE500]  }
0x1cd: {  	v0 =	vadd.f32 v1, v0;
	v1 =	vmul.f32 v5, v4;
	v4 =	vld [tilespmem:s24+$0x8400]  }
0x1ce: {  	v5 =	vld [tilespmem:s24+$0xC400]  }
0x1cf: {  	v0 =	vadd.f32 v1, v0;
	v1 =	vmul.f32 v6, v2;
	v2 =	vld [tilespmem:s18+$0xA600]  }
0x1d0: {  	s24 =	sor.u32 $0x2280, s22;
	v6 =	vld [tilespmem:s18+$0xE600]  }
0x1d1: {  	v0 =	vadd.f32 v1, v0;
	v1 =	vmul.f32 v7, v3;
	v3 =	vld [tilespmem:s24+$0x8400]  }
0x1d2: {  	v7 =	vld [tilespmem:s24+$0xC400]  }
0x1d3: {  	v0 =	vadd.f32 v1, v0;
	v1 =	vmul.f32 v5, v4;
	v4 =	vld [tilespmem:s18+$0xA700]  }
0x1d4: {  	s24 =	sor.u32 $0x2380, s23;
	v5 =	vld [tilespmem:s18+$0xE700]  }
0x1d5: {  	v0 =	vadd.f32 v1, v0;
	v1 =	vmul.f32 v6, v2;
	v2 =	vld [tilespmem:s24+$0x8400]  }
0x1d6: {  	v6 =	vld [tilespmem:s24+$0xC400]  }
0x1d7: {  	v0 =	vadd.f32 v1, v0;
	v1 =	vmul.f32 v7, v3;
	v3 =	vld [tilespmem:s18+$0xAC00]  }
0x1d8: {  	s24 =	sor.u32 $0x2880, s22;
	v7 =	vld [tilespmem:s18+$0xEC00]  }
0x1d9: {  	v0 =	vadd.f32 v1, v0;
	v1 =	vmul.f32 v5, v4;
	v4 =	vld [tilespmem:s24+$0x8400]  }
0x1da: {  	v5 =	vld [tilespmem:s24+$0xC400]  }
0x1db: {  	v0 =	vadd.f32 v1, v0;
	v1 =	vmul.f32 v6, v2;
	v2 =	vld [tilespmem:s18+$0xAD00]  }
0x1dc: {  	s24 =	sor.u32 $0x2980, s22;
	v6 =	vld [tilespmem:s18+$0xED00]  }
0x1dd: {  	v0 =	vadd.f32 v1, v0;
	v1 =	vmul.f32 v7, v3;
	v3 =	vld [tilespmem:s24+$0x8400]  }
0x1de: {  	v7 =	vld [tilespmem:s24+$0xC400]  }
0x1df: {  	v0 =	vadd.f32 v1, v0;
	v1 =	vmul.f32 v5, v4;
	v4 =	vld [tilespmem:s18+$0xAE00]  }
0x1e0: {  	s24 =	sor.u32 $0x2A80, s22;
	v5 =	vld [tilespmem:s18+$0xEE00]  }
0x1e1: {  	v0 =	vadd.f32 v1, v0;
	v1 =	vmul.f32 v6, v2;
	v2 =	vld [tilespmem:s24+$0x8400]  }
0x1e2: {  	v6 =	vld [tilespmem:s24+$0xC400]  }
0x1e3: {  	v0 =	vadd.f32 v1, v0;
	v1 =	vmul.f32 v7, v3;
	v3 =	vld [tilespmem:s18+$0xAF00]  }
0x1e4: {  	s24 =	sor.u32 $0x2B80, s23;
	v7 =	vld [tilespmem:s18+$0xEF00]  }
0x1e5: {  	v0 =	vadd.f32 v1, v0;
	v1 =	vmul.f32 v5, v4;
	v4 =	vld [tilespmem:s24+$0x8400]  }
0x1e6: {  	v5 =	vld [tilespmem:s24+$0xC400]  }
0x1e7: {  	v0 =	vadd.f32 v1, v0;
	v1 =	vmul.f32 v6, v2;
	v2 =	vld [tilespmem:s18+$0xB400]  }
0x1e8: {  	s24 =	sor.u32 $0x3080, s22;
	v6 =	vld [tilespmem:s18+$0xF400]  }
0x1e9: {  	v0 =	vadd.f32 v1, v0;
	v1 =	vmul.f32 v7, v3;
	v3 =	vld [tilespmem:s24+$0x8400]  }
0x1ea: {  	v7 =	vld [tilespmem:s24+$0xC400]  }
0x1eb: {  	v0 =	vadd.f32 v1, v0;
	v1 =	vmul.f32 v5, v4;
	v4 =	vld [tilespmem:s18+$0xB500]  }
0x1ec: {  	s24 =	sor.u32 $0x3180, s22;
	v5 =	vld [tilespmem:s18+$0xF500]  }
0x1ed: {  	v0 =	vadd.f32 v1, v0;
	v1 =	vmul.f32 v6, v2;
	v2 =	vld [tilespmem:s24+$0x8400]  }
0x1ee: {  	v6 =	vld [tilespmem:s24+$0xC400]  }
0x1ef: {  	v0 =	vadd.f32 v1, v0;
	v1 =	vmul.f32 v7, v3;
	v3 =	vld [tilespmem:s18+$0xB600]  }
0x1f0: {  	s24 =	sor.u32 $0x3280, s22;
	v7 =	vld [tilespmem:s18+$0xF600]  }
0x1f1: {  	v0 =	vadd.f32 v1, v0;
	v1 =	vmul.f32 v5, v4;
	v4 =	vld [tilespmem:s24+$0x8400]  }
0x1f2: {  	v5 =	vld [tilespmem:s24+$0xC400]  }
0x1f3: {  	v0 =	vadd.f32 v1, v0;
	v1 =	vmul.f32 v6, v2;
	v2 =	vld [tilespmem:s18+$0xB700]  }
0x1f4: {  	s24 =	sor.u32 $0x3380, s23;
	v6 =	vld [tilespmem:s18+$0xF700]  }
0x1f5: {  	v0 =	vadd.f32 v1, v0;
	v1 =	vmul.f32 v7, v3;
	v3 =	vld [tilespmem:s24+$0x8400]  }
0x1f6: {  	v7 =	vld [tilespmem:s24+$0xC400]  }
0x1f7: {  	v0 =	vadd.f32 v1, v0;
	v1 =	vmul.f32 v5, v4;
	v4 =	vld [tilespmem:s18+$0xBC00]  }
0x1f8: {  	s24 =	sor.u32 $0x3880, s22;
	v5 =	vld [tilespmem:s18+$0xFC00]  }
0x1f9: {  	v0 =	vadd.f32 v1, v0;
	v1 =	vmul.f32 v6, v2;
	v2 =	vld [tilespmem:s24+$0x8400]  }
0x1fa: {  	v6 =	vld [tilespmem:s24+$0xC400]  }
0x1fb: {  	v0 =	vadd.f32 v1, v0;
	v1 =	vmul.f32 v7, v3;
	v3 =	vld [tilespmem:s18+$0xBD00]  }
0x1fc: {  	s24 =	sor.u32 $0x3980, s22;
	v7 =	vld [tilespmem:s18+$0xFD00]  }
0x1fd: {  	v0 =	vadd.f32 v1, v0;
	v1 =	vmul.f32 v5, v4;
	v4 =	vld [tilespmem:s24+$0x8400]  }
0x1fe: {  	v5 =	vld [tilespmem:s24+$0xC400]  }
0x1ff: {  	v0 =	vadd.f32 v1, v0;
	v1 =	vmul.f32 v6, v2;
	v2 =	vld [tilespmem:s18+$0xBE00]  }
0x200: {  	s22 =	sor.u32 $0x3A80, s22;
	v6 =	vld [tilespmem:s18+$0xFE00]  }
0x201: {  	v0 =	vadd.f32 v1, v0;
	v1 =	vmul.f32 v7, v3;
	v3 =	vld [tilespmem:s22+$0x8400]  }
0x202: {  	v7 =	vld [tilespmem:s22+$0xC400]  }
0x203: {  	v0 =	vadd.f32 v1, v0;
	v1 =	vmul.f32 v5, v4;
	v4 =	vld [tilespmem:s18+$0xBF00]  }
0x204: {  	v5 =	vld [tilespmem:s18+$0xFF00];
	s18 =	sor.u32 $0x3B80, s23  }
0x205: {  	v0 =	vadd.f32 v1, v0;
	v1 =	vmul.f32 v6, v2;
	v2 =	vld [tilespmem:s18+$0x8400]  }
0x206: {  	v6 =	vld [tilespmem:s18+$0xC400]  }
0x207: {  	v0 =	vadd.f32 v1, v0;
	v1 =	vmul.f32 v7, v3;
	_ =	sdelay $0x1  }
0x208: {  	v0 =	vadd.f32 v1, v0;
	v1 =	vmul.f32 v5, v4;
	_ =	sdelay $0x1  }
.Ltmp1:
0x209: {  	v0 =	vadd.f32 v1, v0;
	v1 =	vmul.f32 v6, v2;
	(pc) =	sbr.rel @p0 .LBB2_4-.Ltmp1, $4  }
0x20a: {  	_ = 	snop  }
0x20b: {  	s20 =	sadd.s32 $0x80, s20;
	v0 =	vadd.f32 v1, v0  }
0x20c: {  	s17 =	sadd.s32 $0x10, s17;
	s23 =	sand.u32 $0x400, s20;
	s18 =	sand.u32 $0x70, s21  }
0x20d: {  	s22 =	sand.u32 $0xFFFFFC00, s20;
	s21 =	sadd.s32 $0x10, s21;
	s18 =	sor.u32 s18, s23;
	[tilespmem:s17+$0x0] =	vst v0  }
0x20e: {  	v0 =	vld [tilespmem:s18+$0xC400];
	s21 =	sadd.s32 s22, s19  }
0x20f: {  	v1 =	vld [tilespmem:s18+$0x8400];
	s22 =	sor.u32 $0x80, s21  }
0x210: {  	v2 =	vld [tilespmem:s22+$0x8400]  }
0x211: {  	v3 =	vld [tilespmem:s22+$0xC400]  }
0x212: {  	v4 =	vld [tilespmem:s18+$0x8500]  }
0x213: {  	v5 =	vld [tilespmem:s18+$0xC500];
	s30 =	sor.u32 $0x180, s21  }
0x214: {  	v47 =	vld [tilespmem:s30+$0x8400];
	v0 =	vmul.f32 v0, v1  }
0x215: {  	v6 =	vld [tilespmem:s30+$0xC400]  }
0x216: {  	v48 =	vld [tilespmem:s18+$0x8600];
	v0 =	vadd.f32 $0.0e+00, v0;
	v2 =	vmul.f32 v3, v2  }
0x217: {  	v7 =	vld [tilespmem:s18+$0xC600];
	s31 =	sor.u32 $0x280, s21  }
0x218: {  	v50 =	vld [tilespmem:s31+$0x8400];
	v49 =	vmul.f32 v5, v4;
	v0 =	vadd.f32 v2, v0  }
0x219: {  	v51 =	vld [tilespmem:s31+$0xC400]  }
0x21a: {  	v52 =	vld [tilespmem:s18+$0x8700];
	s19 =	sor.u32 s19, s20;
	v1 =	vmul.f32 v6, v47;
	v0 =	vadd.f32 v49, v0  }
0x21b: {  	v53 =	vld [tilespmem:s18+$0xC700];
	s20 =	sor.u32 $0x380, s19  }
0x21c: {  	v55 =	vld [tilespmem:s20+$0x8400];
	v54 =	vmul.f32 v7, v48;
	v0 =	vadd.f32 v1, v0  }
0x21d: {  	v56 =	vld [tilespmem:s20+$0xC400]  }
0x21e: {  	v58 =	vld [tilespmem:s18+$0x8C00];
	v57 =	vmul.f32 v51, v50;
	v0 =	vadd.f32 v54, v0  }
0x21f: {  	v59 =	vld [tilespmem:s18+$0xCC00];
	s23 =	sor.u32 $0x880, s21  }
0x220: {  	v61 =	vld [tilespmem:s23+$0x8400];
	v60 =	vmul.f32 v53, v52;
	v0 =	vadd.f32 v57, v0  }
0x221: {  	v62 =	vld [tilespmem:s23+$0xC400]  }
0x222: {  	v9 =	vld [tilespmem:s18+$0x8D00];
	v63 =	vmul.f32 v56, v55;
	v0 =	vadd.f32 v60, v0  }
0x223: {  	v10 =	vld [tilespmem:s18+$0xCD00];
	s24 =	sor.u32 $0x980, s21  }
0x224: {  	v12 =	vld [tilespmem:s24+$0x8400];
	v11 =	vmul.f32 v59, v58;
	v0 =	vadd.f32 v63, v0  }
0x225: {  	v13 =	vld [tilespmem:s24+$0xC400]  }
0x226: {  	v15 =	vld [tilespmem:s18+$0x8E00];
	v14 =	vmul.f32 v62, v61;
	v0 =	vadd.f32 v11, v0  }
0x227: {  	v16 =	vld [tilespmem:s18+$0xCE00];
	s25 =	sor.u32 $0xA80, s21  }
0x228: {  	v18 =	vld [tilespmem:s25+$0x8400];
	v17 =	vmul.f32 v10, v9;
	v0 =	vadd.f32 v14, v0  }
0x229: {  	v19 =	vld [tilespmem:s25+$0xC400]  }
0x22a: {  	v21 =	vld [tilespmem:s18+$0x8F00];
	v20 =	vmul.f32 v13, v12;
	v0 =	vadd.f32 v17, v0  }
0x22b: {  	v22 =	vld [tilespmem:s18+$0xCF00];
	s26 =	sor.u32 $0xB80, s19  }
0x22c: {  	v24 =	vld [tilespmem:s26+$0x8400];
	v23 =	vmul.f32 v16, v15;
	v0 =	vadd.f32 v20, v0  }
0x22d: {  	v25 =	vld [tilespmem:s26+$0xC400]  }
0x22e: {  	v27 =	vld [tilespmem:s18+$0x9400];
	v26 =	vmul.f32 v19, v18;
	v0 =	vadd.f32 v23, v0  }
0x22f: {  	v28 =	vld [tilespmem:s18+$0xD400];
	s28 =	sor.u32 $0x1080, s21  }
0x230: {  	v30 =	vld [tilespmem:s28+$0x8400];
	v29 =	vmul.f32 v22, v21;
	v0 =	vadd.f32 v26, v0  }
0x231: {  	v31 =	vld [tilespmem:s28+$0xC400]  }
0x232: {  	v33 =	vld [tilespmem:s18+$0x9500];
	v32 =	vmul.f32 v25, v24;
	v0 =	vadd.f32 v29, v0  }
0x233: {  	v34 =	vld [tilespmem:s18+$0xD500];
	s29 =	sor.u32 $0x1180, s21  }
0x234: {  	v36 =	vld [tilespmem:s29+$0x8400];
	v35 =	vmul.f32 v28, v27;
	v0 =	vadd.f32 v32, v0  }
0x235: {  	v37 =	vld [tilespmem:s29+$0xC400]  }
0x236: {  	v39 =	vld [tilespmem:s18+$0x9600];
	v38 =	vmul.f32 v31, v30;
	v0 =	vadd.f32 v35, v0  }
0x237: {  	v40 =	vld [tilespmem:s18+$0xD600];
	s30 =	sor.u32 $0x1280, s21  }
0x238: {  	v42 =	vld [tilespmem:s30+$0x8400];
	v41 =	vmul.f32 v34, v33;
	v0 =	vadd.f32 v38, v0  }
0x239: {  	v43 =	vld [tilespmem:s30+$0xC400]  }
0x23a: {  	v45 =	vld [tilespmem:s18+$0x9700];
	v44 =	vmul.f32 v37, v36;
	v0 =	vadd.f32 v41, v0  }
0x23b: {  	v46 =	vld [tilespmem:s18+$0xD700];
	s31 =	sor.u32 $0x1380, s19  }
0x23c: {  	v48 =	vld [tilespmem:s31+$0x8400];
	v47 =	vmul.f32 v40, v39;
	v0 =	vadd.f32 v44, v0  }
0x23d: {  	v49 =	vld [tilespmem:s31+$0xC400]  }
0x23e: {  	v52 =	vld [tilespmem:s18+$0xDC00];
	v50 =	vmul.f32 v43, v42;
	v0 =	vadd.f32 v47, v0  }
0x23f: {  	s22 =	sor.u32 $0x1880, s21;
	v51 =	vld [tilespmem:s18+$0x9C00]  }
0x240: {  	v53 =	vmul.f32 v46, v45;
	v55 =	vld [tilespmem:s22+$0xC400];
	v0 =	vadd.f32 v50, v0  }
0x241: {  	v54 =	vld [tilespmem:s22+$0x8400]  }
0x242: {  	v58 =	vld [tilespmem:s18+$0xDD00];
	v56 =	vmul.f32 v49, v48;
	v0 =	vadd.f32 v53, v0  }
0x243: {  	s23 =	sor.u32 $0x1980, s21;
	v57 =	vld [tilespmem:s18+$0x9D00]  }
0x244: {  	v61 =	vld [tilespmem:s23+$0xC400];
	v59 =	vmul.f32 v52, v51;
	v0 =	vadd.f32 v56, v0  }
0x245: {  	v60 =	vld [tilespmem:s23+$0x8400]  }
0x246: {  	v9 =	vld [tilespmem:s18+$0xDE00];
	v62 =	vmul.f32 v55, v54;
	v0 =	vadd.f32 v59, v0  }
0x247: {  	s24 =	sor.u32 $0x1A80, s21;
	v63 =	vld [tilespmem:s18+$0x9E00]  }
0x248: {  	v12 =	vld [tilespmem:s24+$0xC400];
	v10 =	vmul.f32 v58, v57;
	v0 =	vadd.f32 v62, v0  }
0x249: {  	v11 =	vld [tilespmem:s24+$0x8400]  }
0x24a: {  	v15 =	vld [tilespmem:s18+$0xDF00];
	v13 =	vmul.f32 v61, v60;
	v0 =	vadd.f32 v10, v0  }
0x24b: {  	s25 =	sor.u32 $0x1B80, s19;
	v14 =	vld [tilespmem:s18+$0x9F00]  }
0x24c: {  	v18 =	vld [tilespmem:s25+$0xC400];
	v16 =	vmul.f32 v9, v63;
	v0 =	vadd.f32 v13, v0  }
0x24d: {  	v17 =	vld [tilespmem:s25+$0x8400]  }
0x24e: {  	v21 =	vld [tilespmem:s18+$0xE400];
	v19 =	vmul.f32 v12, v11;
	v0 =	vadd.f32 v16, v0  }
0x24f: {  	s26 =	sor.u32 $0x2080, s21;
	v20 =	vld [tilespmem:s18+$0xA400]  }
0x250: {  	v24 =	vld [tilespmem:s26+$0xC400];
	v22 =	vmul.f32 v15, v14;
	v0 =	vadd.f32 v19, v0  }
0x251: {  	v23 =	vld [tilespmem:s26+$0x8400]  }
0x252: {  	v27 =	vld [tilespmem:s18+$0xE500];
	v25 =	vmul.f32 v18, v17;
	v0 =	vadd.f32 v22, v0  }
0x253: {  	s28 =	sor.u32 $0x2180, s21;
	v26 =	vld [tilespmem:s18+$0xA500]  }
0x254: {  	v30 =	vld [tilespmem:s28+$0xC400];
	v28 =	vmul.f32 v21, v20;
	v0 =	vadd.f32 v25, v0  }
0x255: {  	v29 =	vld [tilespmem:s28+$0x8400]  }
0x256: {  	v33 =	vld [tilespmem:s18+$0xE600];
	v31 =	vmul.f32 v24, v23;
	v0 =	vadd.f32 v28, v0  }
0x257: {  	s29 =	sor.u32 $0x2280, s21;
	v32 =	vld [tilespmem:s18+$0xA600]  }
0x258: {  	v36 =	vld [tilespmem:s29+$0xC400];
	v34 =	vmul.f32 v27, v26;
	v0 =	vadd.f32 v31, v0  }
0x259: {  	v35 =	vld [tilespmem:s29+$0x8400]  }
0x25a: {  	v39 =	vld [tilespmem:s18+$0xE700];
	v37 =	vmul.f32 v30, v29;
	v0 =	vadd.f32 v34, v0  }
0x25b: {  	s30 =	sor.u32 $0x2380, s19;
	v38 =	vld [tilespmem:s18+$0xA700]  }
0x25c: {  	v42 =	vld [tilespmem:s30+$0xC400];
	v40 =	vmul.f32 v33, v32;
	v0 =	vadd.f32 v37, v0  }
0x25d: {  	v41 =	vld [tilespmem:s30+$0x8400]  }
0x25e: {  	v45 =	vld [tilespmem:s18+$0xEC00];
	v43 =	vmul.f32 v36, v35;
	v0 =	vadd.f32 v40, v0  }
0x25f: {  	s31 =	sor.u32 $0x2880, s21;
	v44 =	vld [tilespmem:s18+$0xAC00]  }
0x260: {  	v48 =	vld [tilespmem:s31+$0xC400];
	v46 =	vmul.f32 v39, v38;
	v0 =	vadd.f32 v43, v0  }
0x261: {  	v47 =	vld [tilespmem:s31+$0x8400]  }
0x262: {  	v51 =	vld [tilespmem:s18+$0xED00];
	v49 =	vmul.f32 v42, v41;
	v0 =	vadd.f32 v46, v0  }
0x263: {  	s22 =	sor.u32 $0x2980, s21;
	v50 =	vld [tilespmem:s18+$0xAD00]  }
0x264: {  	v54 =	vld [tilespmem:s22+$0xC400];
	v52 =	vmul.f32 v45, v44;
	v0 =	vadd.f32 v49, v0  }
0x265: {  	v53 =	vld [tilespmem:s22+$0x8400]  }
0x266: {  	v57 =	vld [tilespmem:s18+$0xEE00];
	v55 =	vmul.f32 v48, v47;
	v0 =	vadd.f32 v52, v0  }
0x267: {  	s23 =	sor.u32 $0x2A80, s21;
	v56 =	vld [tilespmem:s18+$0xAE00]  }
0x268: {  	v60 =	vld [tilespmem:s23+$0xC400];
	v58 =	vmul.f32 v51, v50;
	v0 =	vadd.f32 v55, v0  }
0x269: {  	v59 =	vld [tilespmem:s23+$0x8400]  }
0x26a: {  	v63 =	vld [tilespmem:s18+$0xEF00];
	v61 =	vmul.f32 v54, v53;
	v0 =	vadd.f32 v58, v0  }
0x26b: {  	s24 =	sor.u32 $0x2B80, s19;
	v62 =	vld [tilespmem:s18+$0xAF00]  }
0x26c: {  	v11 =	vld [tilespmem:s24+$0xC400];
	v9 =	vmul.f32 v57, v56;
	v0 =	vadd.f32 v61, v0  }
0x26d: {  	v10 =	vld [tilespmem:s24+$0x8400]  }
0x26e: {  	v14 =	vld [tilespmem:s18+$0xF400];
	v12 =	vmul.f32 v60, v59;
	v0 =	vadd.f32 v9, v0  }
0x26f: {  	s25 =	sor.u32 $0x3080, s21;
	v13 =	vld [tilespmem:s18+$0xB400]  }
0x270: {  	v17 =	vld [tilespmem:s25+$0xC400];
	v15 =	vmul.f32 v63, v62;
	v0 =	vadd.f32 v12, v0  }
0x271: {  	v16 =	vld [tilespmem:s25+$0x8400]  }
0x272: {  	v20 =	vld [tilespmem:s18+$0xF500];
	v18 =	vmul.f32 v11, v10;
	v0 =	vadd.f32 v15, v0  }
0x273: {  	s26 =	sor.u32 $0x3180, s21;
	v19 =	vld [tilespmem:s18+$0xB500]  }
0x274: {  	v23 =	vld [tilespmem:s26+$0xC400];
	v21 =	vmul.f32 v14, v13;
	v0 =	vadd.f32 v18, v0  }
0x275: {  	v22 =	vld [tilespmem:s26+$0x8400]  }
0x276: {  	v26 =	vld [tilespmem:s18+$0xF600];
	v24 =	vmul.f32 v17, v16;
	v0 =	vadd.f32 v21, v0  }
0x277: {  	s28 =	sor.u32 $0x3280, s21;
	v25 =	vld [tilespmem:s18+$0xB600]  }
0x278: {  	v29 =	vld [tilespmem:s28+$0xC400];
	v27 =	vmul.f32 v20, v19;
	v0 =	vadd.f32 v24, v0  }
0x279: {  	v28 =	vld [tilespmem:s28+$0x8400]  }
0x27a: {  	v32 =	vld [tilespmem:s18+$0xF700];
	v30 =	vmul.f32 v23, v22;
	v0 =	vadd.f32 v27, v0  }
0x27b: {  	s29 =	sor.u32 $0x3380, s19;
	v31 =	vld [tilespmem:s18+$0xB700]  }
0x27c: {  	v35 =	vld [tilespmem:s29+$0xC400];
	v33 =	vmul.f32 v26, v25;
	v0 =	vadd.f32 v30, v0  }
0x27d: {  	v34 =	vld [tilespmem:s29+$0x8400]  }
0x27e: {  	v38 =	vld [tilespmem:s18+$0xFC00];
	v36 =	vmul.f32 v29, v28;
	v0 =	vadd.f32 v33, v0  }
0x27f: {  	s30 =	sor.u32 $0x3880, s21;
	v37 =	vld [tilespmem:s18+$0xBC00]  }
0x280: {  	v41 =	vld [tilespmem:s30+$0xC400];
	v39 =	vmul.f32 v32, v31;
	v0 =	vadd.f32 v36, v0  }
0x281: {  	v40 =	vld [tilespmem:s30+$0x8400]  }
0x282: {  	v44 =	vld [tilespmem:s18+$0xFD00];
	v42 =	vmul.f32 v35, v34;
	v0 =	vadd.f32 v39, v0  }
0x283: {  	s31 =	sor.u32 $0x3980, s21;
	v43 =	vld [tilespmem:s18+$0xBD00]  }
0x284: {  	v47 =	vld [tilespmem:s31+$0xC400];
	v45 =	vmul.f32 v38, v37;
	v0 =	vadd.f32 v42, v0  }
0x285: {  	v46 =	vld [tilespmem:s31+$0x8400]  }
0x286: {  	v50 =	vld [tilespmem:s18+$0xFE00];
	v48 =	vmul.f32 v41, v40;
	v0 =	vadd.f32 v45, v0  }
0x287: {  	s21 =	sor.u32 $0x3A80, s21;
	v49 =	vld [tilespmem:s18+$0xBE00]  }
0x288: {  	v53 =	vld [tilespmem:s21+$0xC400];
	v51 =	vmul.f32 v44, v43;
	v0 =	vadd.f32 v48, v0  }
0x289: {  	v52 =	vld [tilespmem:s21+$0x8400]  }
0x28a: {  	v56 =	vld [tilespmem:s18+$0xFF00];
	v54 =	vmul.f32 v47, v46;
	v0 =	vadd.f32 v51, v0  }
0x28b: {  	s22 =	sor.u32 $0x3B80, s19;
	v55 =	vld [tilespmem:s18+$0xBF00]  }
0x28c: {  	v59 =	vld [tilespmem:s22+$0xC400];
	v57 =	vmul.f32 v50, v49;
	v0 =	vadd.f32 v54, v0  }
0x28d: {  	v58 =	vld [tilespmem:s22+$0x8400]  }
0x28e: {  	v60 =	vmul.f32 v53, v52;
	v0 =	vadd.f32 v57, v0;
	_ =	sdelay $0x1  }
0x28f: {  	v61 =	vmul.f32 v56, v55;
	v0 =	vadd.f32 v60, v0;
	_ =	sdelay $0x1  }
0x290: {  	v62 =	vmul.f32 v59, v58;
	v0 =	vadd.f32 v61, v0;
	_ =	sdelay $0x1  }
0x291: {  	v0 =	vadd.f32 v62, v0  }
0x292: {  	s17 =	sadd.s32 $0x10, s17  }
0x293: {  	[tilespmem:s17+$0x0] =	vst v0;
	s17 =	simm.s32 $0x0  }
0x294: {  	[hbm4b:s7+s17] =	stream.linear.scatter [tilespmem:s15], [sflag:$0x3], $0x100, $0x38;
	[tilespmem:$0x10500] =	vst v63  }
0x295: {  	_ =	swait.ge [sflag:s10], $0x100  }
0x296: {  	[sflag:s10] =	ssyncset.done $0x0  }
0x297: {  	[sflag:s10] =	ssyncadd.s32 $0xFFFFFF00  }
0x298: {  	v63 =	vld [tilespmem:$0x100];
	_ =	sdelay $0x3  }
0x299: {  	s23 =	sand.u32 $0x3800, s17;
	s24 =	sand.u32 $0x380, s17  }
0x29a: {  	s18 =	sor.u32 s24, s23;
	v0 =	vadd.s32 s17, v63  }
0x29b: {  	[tilespmem:s18+$0x400] =	vst v0  }
0x29c: {  	v0 =	vld [tilespmem:$0x300];
	_ =	sdelay $0x4  }
0x29d: {  	v0 =	vadd.s32 s17, v0  }
0x29e: {  	[tilespmem:s18+$0x4400] =	vst v0  }
0x29f: {  	v0 =	vld [tilespmem:$0x110];
	_ =	sdelay $0x4  }
0x2a0: {  	v0 =	vadd.s32 s17, v0  }
0x2a1: {  	[tilespmem:s18+$0x410] =	vst v0  }
0x2a2: {  	v0 =	vld [tilespmem:$0x310];
	_ =	sdelay $0x4  }
0x2a3: {  	v0 =	vadd.s32 s17, v0  }
0x2a4: {  	[tilespmem:s18+$0x4410] =	vst v0  }
0x2a5: {  	v0 =	vld [tilespmem:$0x120];
	_ =	sdelay $0x4  }
0x2a6: {  	v0 =	vadd.s32 s17, v0  }
0x2a7: {  	[tilespmem:s18+$0x420] =	vst v0  }
0x2a8: {  	v0 =	vld [tilespmem:$0x320];
	_ =	sdelay $0x4  }
0x2a9: {  	v0 =	vadd.s32 s17, v0  }
0x2aa: {  	[tilespmem:s18+$0x4420] =	vst v0  }
0x2ab: {  	v0 =	vld [tilespmem:$0x130];
	_ =	sdelay $0x4  }
0x2ac: {  	v0 =	vadd.s32 s17, v0  }
0x2ad: {  	[tilespmem:s18+$0x430] =	vst v0  }
0x2ae: {  	v0 =	vld [tilespmem:$0x330];
	_ =	sdelay $0x4  }
0x2af: {  	v0 =	vadd.s32 s17, v0  }
0x2b0: {  	[tilespmem:s18+$0x4430] =	vst v0  }
0x2b1: {  	v0 =	vld [tilespmem:$0x140];
	_ =	sdelay $0x4  }
0x2b2: {  	v0 =	vadd.s32 s17, v0  }
0x2b3: {  	[tilespmem:s18+$0x440] =	vst v0  }
0x2b4: {  	v0 =	vld [tilespmem:$0x340];
	_ =	sdelay $0x4  }
0x2b5: {  	v0 =	vadd.s32 s17, v0  }
0x2b6: {  	[tilespmem:s18+$0x4440] =	vst v0  }
0x2b7: {  	v0 =	vld [tilespmem:$0x150];
	_ =	sdelay $0x4  }
0x2b8: {  	v0 =	vadd.s32 s17, v0  }
0x2b9: {  	[tilespmem:s18+$0x450] =	vst v0  }
0x2ba: {  	v0 =	vld [tilespmem:$0x350];
	_ =	sdelay $0x4  }
0x2bb: {  	v0 =	vadd.s32 s17, v0  }
0x2bc: {  	[tilespmem:s18+$0x4450] =	vst v0  }
0x2bd: {  	v0 =	vld [tilespmem:$0x160];
	_ =	sdelay $0x4  }
0x2be: {  	v0 =	vadd.s32 s17, v0  }
0x2bf: {  	[tilespmem:s18+$0x460] =	vst v0  }
0x2c0: {  	v0 =	vld [tilespmem:$0x360];
	_ =	sdelay $0x4  }
0x2c1: {  	v0 =	vadd.s32 s17, v0  }
0x2c2: {  	[tilespmem:s18+$0x4460] =	vst v0  }
0x2c3: {  	v0 =	vld [tilespmem:$0x170];
	_ =	sdelay $0x4  }
0x2c4: {  	v0 =	vadd.s32 s17, v0  }
0x2c5: {  	[tilespmem:s18+$0x470] =	vst v0  }
0x2c6: {  	v0 =	vld [tilespmem:$0x370];
	_ =	sdelay $0x4  }
0x2c7: {  	v0 =	vadd.s32 s17, v0  }
0x2c8: {  	[tilespmem:s18+$0x4470] =	vst v0  }
0x2c9: {  	v0 =	vld [tilespmem:$0x180];
	_ =	sdelay $0x4  }
0x2ca: {  	v0 =	vadd.s32 s17, v0  }
0x2cb: {  	[tilespmem:s18+$0x800] =	vst v0  }
0x2cc: {  	v0 =	vld [tilespmem:$0x380];
	_ =	sdelay $0x4  }
0x2cd: {  	v0 =	vadd.s32 s17, v0  }
0x2ce: {  	[tilespmem:s18+$0x4800] =	vst v0  }
0x2cf: {  	v0 =	vld [tilespmem:$0x190];
	_ =	sdelay $0x4  }
0x2d0: {  	v0 =	vadd.s32 s17, v0  }
0x2d1: {  	[tilespmem:s18+$0x810] =	vst v0  }
0x2d2: {  	v0 =	vld [tilespmem:$0x390];
	_ =	sdelay $0x4  }
0x2d3: {  	v0 =	vadd.s32 s17, v0  }
0x2d4: {  	[tilespmem:s18+$0x4810] =	vst v0  }
0x2d5: {  	v0 =	vld [tilespmem:$0x1A0];
	_ =	sdelay $0x4  }
0x2d6: {  	v0 =	vadd.s32 s17, v0  }
0x2d7: {  	[tilespmem:s18+$0x820] =	vst v0  }
0x2d8: {  	v0 =	vld [tilespmem:$0x3A0];
	_ =	sdelay $0x4  }
0x2d9: {  	v0 =	vadd.s32 s17, v0  }
0x2da: {  	[tilespmem:s18+$0x4820] =	vst v0  }
0x2db: {  	v0 =	vld [tilespmem:$0x1B0];
	_ =	sdelay $0x4  }
0x2dc: {  	v0 =	vadd.s32 s17, v0  }
0x2dd: {  	[tilespmem:s18+$0x830] =	vst v0  }
0x2de: {  	v0 =	vld [tilespmem:$0x3B0];
	_ =	sdelay $0x4  }
0x2df: {  	v0 =	vadd.s32 s17, v0  }
0x2e0: {  	[tilespmem:s18+$0x4830] =	vst v0  }
0x2e1: {  	v0 =	vld [tilespmem:$0x1C0];
	_ =	sdelay $0x4  }
0x2e2: {  	v0 =	vadd.s32 s17, v0  }
0x2e3: {  	[tilespmem:s18+$0x840] =	vst v0  }
0x2e4: {  	v0 =	vld [tilespmem:$0x3C0];
	_ =	sdelay $0x4  }
0x2e5: {  	v0 =	vadd.s32 s17, v0  }
0x2e6: {  	[tilespmem:s18+$0x4840] =	vst v0  }
0x2e7: {  	v0 =	vld [tilespmem:$0x1D0];
	_ =	sdelay $0x4  }
0x2e8: {  	v0 =	vadd.s32 s17, v0  }
0x2e9: {  	[tilespmem:s18+$0x850] =	vst v0  }
0x2ea: {  	v0 =	vld [tilespmem:$0x3D0];
	_ =	sdelay $0x4  }
0x2eb: {  	v0 =	vadd.s32 s17, v0  }
0x2ec: {  	[tilespmem:s18+$0x4850] =	vst v0  }
0x2ed: {  	v0 =	vld [tilespmem:$0x1E0];
	_ =	sdelay $0x4  }
0x2ee: {  	v0 =	vadd.s32 s17, v0  }
0x2ef: {  	[tilespmem:s18+$0x860] =	vst v0  }
0x2f0: {  	v0 =	vld [tilespmem:$0x3E0];
	_ =	sdelay $0x4  }
0x2f1: {  	v0 =	vadd.s32 s17, v0  }
0x2f2: {  	[tilespmem:s18+$0x4860] =	vst v0  }
0x2f3: {  	v0 =	vld [tilespmem:$0x1F0];
	_ =	sdelay $0x4  }
0x2f4: {  	v0 =	vadd.s32 s17, v0  }
0x2f5: {  	[tilespmem:s18+$0x870] =	vst v0  }
0x2f6: {  	v0 =	vld [tilespmem:$0x3F0];
	_ =	sdelay $0x4  }
0x2f7: {  	v0 =	vadd.s32 s17, v0  }
0x2f8: {  	s19 =	sor.u32 $0x400, s18;
	s25 =	sor.u32 $0x8400, s18;
	[tilespmem:s18+$0x4870] =	vst v0  }
0x2f9: {  	[tilespmem:s25], [sflag:$0x1] =	stream.indirect.gather [hbm4b:s3+s12], $0x1, s19, s12, $0xb8;
	[tilespmem:$0x10500] =	vst v63  }
0x2fa: {  	s26 =	sor.u32 $0x4400, s18;
	s28 =	sor.u32 $0xC400, s18  }
0x2fb: {  	[tilespmem:s28], [sflag:$0x2] =	stream.indirect.gather [hbm4b:s4+s12], $0x1, s26, s12, $0xb8;
	[tilespmem:$0x10500] =	vst v63  }
0x2fc: {  	s29 =	sadd.s32 $0x800, s18;
	s30 =	sadd.s32 $0x8800, s18  }
0x2fd: {  	[tilespmem:s30], [sflag:$0x1] =	stream.indirect.gather [hbm4b:s3+s12], $0x1, s29, s12, $0xb8;
	[tilespmem:$0x10500] =	vst v63  }
0x2fe: {  	s31 =	sadd.s32 $0x4800, s18;
	s18 =	sadd.s32 $0xC800, s18  }
0x2ff: {  	[tilespmem:s18], [sflag:$0x2] =	stream.indirect.gather [hbm4b:s4+s12], $0x1, s31, s12, $0xb8;
	[tilespmem:$0x10500] =	vst v63  }
0x300: {  	_ =	swait.ge [sflag:s13], $0x80  }
0x301: {  	[sflag:s13] =	ssyncset.done $0x0  }
0x302: {  	[sflag:s13] =	ssyncadd.s32 $0xFFFFFF80  }
0x303: {  	_ =	swait.ge [sflag:s14], $0x80  }
0x304: {  	[sflag:s14] =	ssyncset.done $0x0  }
0x305: {  	[sflag:s14] =	ssyncadd.s32 $0xFFFFFF80  }
0x306: {  	_ =	swait.ge [sflag:s13], $0x80  }
0x307: {  	[sflag:s13] =	ssyncset.done $0x0  }
0x308: {  	[sflag:s13] =	ssyncadd.s32 $0xFFFFFF80  }
0x309: {  	s20 =	simm.s32 $0x0;
	s21 =	simm.s32 $0x0;
	_ =	swait.ge [sflag:s14], $0x80  }
0x30a: {  	s19 =	simm.s32 $0x186A0;
	s18 =	simm.s32 $0xF4240;
	[sflag:s14] =	ssyncset.done $0x0  }
.LBB2_6:
0x30b: {  	[sflag:s14] =	ssyncadd.s32 $0xFFFFFF80;
	s20 =	sadd.s32 $0x80, s20;
	s21 =	sadd.s32 $0x100, s21  }
0x30c: {  	p0 =	sne.s32 s18, $0x3C14DC0;
	s23 =	smov.u32 s18;
	s18 =	sadd.s32 $0xF4240, s18;
	v0 =	vld [tilespmem:$0x100]  }
0x30d: {  	_ =	sdelay $0x2  }
0x30e: {  	s22 =	sand.u32 $0x3800, s21;
	s24 =	sand.u32 $0x380, s20  }
0x30f: {  	s22 =	sor.u32 s24, s22;
	v0 =	vadd.s32 s23, v0  }
0x310: {  	[tilespmem:s22+$0x400] =	vst v0  }
0x311: {  	v0 =	vld [tilespmem:$0x300];
	_ =	sdelay $0x4  }
0x312: {  	v0 =	vadd.s32 s19, v0  }
0x313: {  	[tilespmem:s22+$0x4400] =	vst v0  }
0x314: {  	v0 =	vld [tilespmem:$0x110];
	_ =	sdelay $0x4  }
0x315: {  	v0 =	vadd.s32 s23, v0  }
0x316: {  	[tilespmem:s22+$0x410] =	vst v0  }
0x317: {  	v0 =	vld [tilespmem:$0x310];
	_ =	sdelay $0x4  }
0x318: {  	v0 =	vadd.s32 s19, v0  }
0x319: {  	[tilespmem:s22+$0x4410] =	vst v0  }
0x31a: {  	v0 =	vld [tilespmem:$0x120];
	_ =	sdelay $0x4  }
0x31b: {  	v0 =	vadd.s32 s23, v0  }
0x31c: {  	[tilespmem:s22+$0x420] =	vst v0  }
0x31d: {  	v0 =	vld [tilespmem:$0x320];
	_ =	sdelay $0x4  }
0x31e: {  	v0 =	vadd.s32 s19, v0  }
0x31f: {  	[tilespmem:s22+$0x4420] =	vst v0  }
0x320: {  	v0 =	vld [tilespmem:$0x130];
	_ =	sdelay $0x4  }
0x321: {  	v0 =	vadd.s32 s23, v0  }
0x322: {  	[tilespmem:s22+$0x430] =	vst v0  }
0x323: {  	v0 =	vld [tilespmem:$0x330];
	_ =	sdelay $0x4  }
0x324: {  	v0 =	vadd.s32 s19, v0  }
0x325: {  	[tilespmem:s22+$0x4430] =	vst v0  }
0x326: {  	v0 =	vld [tilespmem:$0x140];
	_ =	sdelay $0x4  }
0x327: {  	v0 =	vadd.s32 s23, v0  }
0x328: {  	[tilespmem:s22+$0x440] =	vst v0  }
0x329: {  	v0 =	vld [tilespmem:$0x340];
	_ =	sdelay $0x4  }
0x32a: {  	v0 =	vadd.s32 s19, v0  }
0x32b: {  	[tilespmem:s22+$0x4440] =	vst v0  }
0x32c: {  	v0 =	vld [tilespmem:$0x150];
	_ =	sdelay $0x4  }
0x32d: {  	v0 =	vadd.s32 s23, v0  }
0x32e: {  	[tilespmem:s22+$0x450] =	vst v0  }
0x32f: {  	v0 =	vld [tilespmem:$0x350];
	_ =	sdelay $0x4  }
0x330: {  	v0 =	vadd.s32 s19, v0  }
0x331: {  	[tilespmem:s22+$0x4450] =	vst v0  }
0x332: {  	v0 =	vld [tilespmem:$0x160];
	_ =	sdelay $0x4  }
0x333: {  	v0 =	vadd.s32 s23, v0  }
0x334: {  	[tilespmem:s22+$0x460] =	vst v0  }
0x335: {  	v0 =	vld [tilespmem:$0x360];
	_ =	sdelay $0x4  }
0x336: {  	v0 =	vadd.s32 s19, v0  }
0x337: {  	[tilespmem:s22+$0x4460] =	vst v0  }
0x338: {  	v0 =	vld [tilespmem:$0x170];
	_ =	sdelay $0x4  }
0x339: {  	v0 =	vadd.s32 s23, v0  }
0x33a: {  	[tilespmem:s22+$0x470] =	vst v0  }
0x33b: {  	v0 =	vld [tilespmem:$0x370];
	_ =	sdelay $0x4  }
0x33c: {  	v0 =	vadd.s32 s19, v0  }
0x33d: {  	[tilespmem:s22+$0x4470] =	vst v0  }
0x33e: {  	v0 =	vld [tilespmem:$0x180];
	_ =	sdelay $0x4  }
0x33f: {  	v0 =	vadd.s32 s23, v0  }
0x340: {  	[tilespmem:s22+$0x800] =	vst v0  }
0x341: {  	v0 =	vld [tilespmem:$0x380];
	_ =	sdelay $0x4  }
0x342: {  	v0 =	vadd.s32 s19, v0  }
0x343: {  	[tilespmem:s22+$0x4800] =	vst v0  }
0x344: {  	v0 =	vld [tilespmem:$0x190];
	_ =	sdelay $0x4  }
0x345: {  	v0 =	vadd.s32 s23, v0  }
0x346: {  	[tilespmem:s22+$0x810] =	vst v0  }
0x347: {  	v0 =	vld [tilespmem:$0x390];
	_ =	sdelay $0x4  }
0x348: {  	v0 =	vadd.s32 s19, v0  }
0x349: {  	[tilespmem:s22+$0x4810] =	vst v0  }
0x34a: {  	v0 =	vld [tilespmem:$0x1A0];
	_ =	sdelay $0x4  }
0x34b: {  	v0 =	vadd.s32 s23, v0  }
0x34c: {  	[tilespmem:s22+$0x820] =	vst v0  }
0x34d: {  	v0 =	vld [tilespmem:$0x3A0];
	_ =	sdelay $0x4  }
0x34e: {  	v0 =	vadd.s32 s19, v0  }
0x34f: {  	[tilespmem:s22+$0x4820] =	vst v0  }
0x350: {  	v0 =	vld [tilespmem:$0x1B0];
	_ =	sdelay $0x4  }
0x351: {  	v0 =	vadd.s32 s23, v0  }
0x352: {  	[tilespmem:s22+$0x830] =	vst v0  }
0x353: {  	v0 =	vld [tilespmem:$0x3B0];
	_ =	sdelay $0x4  }
0x354: {  	v0 =	vadd.s32 s19, v0  }
0x355: {  	[tilespmem:s22+$0x4830] =	vst v0  }
0x356: {  	v0 =	vld [tilespmem:$0x1C0];
	_ =	sdelay $0x4  }
0x357: {  	v0 =	vadd.s32 s23, v0  }
0x358: {  	[tilespmem:s22+$0x840] =	vst v0  }
0x359: {  	v0 =	vld [tilespmem:$0x3C0];
	_ =	sdelay $0x4  }
0x35a: {  	v0 =	vadd.s32 s19, v0  }
0x35b: {  	[tilespmem:s22+$0x4840] =	vst v0  }
0x35c: {  	v0 =	vld [tilespmem:$0x1D0];
	_ =	sdelay $0x4  }
0x35d: {  	v0 =	vadd.s32 s23, v0  }
0x35e: {  	[tilespmem:s22+$0x850] =	vst v0  }
0x35f: {  	v0 =	vld [tilespmem:$0x3D0];
	_ =	sdelay $0x4  }
0x360: {  	v0 =	vadd.s32 s19, v0  }
0x361: {  	[tilespmem:s22+$0x4850] =	vst v0  }
0x362: {  	v0 =	vld [tilespmem:$0x1E0];
	_ =	sdelay $0x4  }
0x363: {  	v0 =	vadd.s32 s23, v0  }
0x364: {  	[tilespmem:s22+$0x860] =	vst v0  }
0x365: {  	v0 =	vld [tilespmem:$0x3E0];
	_ =	sdelay $0x4  }
0x366: {  	v0 =	vadd.s32 s19, v0  }
0x367: {  	[tilespmem:s22+$0x4860] =	vst v0  }
0x368: {  	v0 =	vld [tilespmem:$0x1F0];
	_ =	sdelay $0x4  }
0x369: {  	v0 =	vadd.s32 s23, v0  }
0x36a: {  	[tilespmem:s22+$0x870] =	vst v0  }
0x36b: {  	v0 =	vld [tilespmem:$0x3F0];
	_ =	sdelay $0x4  }
0x36c: {  	v0 =	vadd.s32 s19, v0  }
0x36d: {  	s24 =	sor.u32 $0x8400, s22;
	s23 =	sor.u32 $0x400, s22;
	[tilespmem:s22+$0x4870] =	vst v0  }
0x36e: {  	[tilespmem:s24], [sflag:$0x1] =	stream.indirect.gather [hbm4b:s3+s12], $0x1, s23, s12, $0xb8;
	[tilespmem:$0x10500] =	vst v63  }
0x36f: {  	s23 =	sor.u32 $0x4400, s22;
	s24 =	sor.u32 $0xC400, s22  }
0x370: {  	[tilespmem:s24], [sflag:$0x2] =	stream.indirect.gather [hbm4b:s4+s12], $0x1, s23, s12, $0xb8;
	[tilespmem:$0x10500] =	vst v63  }
0x371: {  	s23 =	sadd.s32 $0x800, s22;
	s24 =	sadd.s32 $0x8800, s22  }
0x372: {  	[tilespmem:s24], [sflag:$0x1] =	stream.indirect.gather [hbm4b:s3+s12], $0x1, s23, s12, $0xb8;
	[tilespmem:$0x10500] =	vst v63  }
0x373: {  	s23 =	sadd.s32 $0x4800, s22;
	s22 =	sadd.s32 $0xC800, s22  }
0x374: {  	[tilespmem:s22], [sflag:$0x2] =	stream.indirect.gather [hbm4b:s4+s12], $0x1, s23, s12, $0xb8;
	[tilespmem:$0x10500] =	vst v63  }
0x375: {  	_ =	swait.ge [sflag:s13], $0x80  }
0x376: {  	[sflag:s13] =	ssyncset.done $0x0  }
0x377: {  	[sflag:s13] =	ssyncadd.s32 $0xFFFFFF80  }
0x378: {  	_ =	swait.ge [sflag:s14], $0x80  }
0x379: {  	[sflag:s14] =	ssyncset.done $0x0  }
0x37a: {  	[sflag:s14] =	ssyncadd.s32 $0xFFFFFF80  }
.Ltmp2:
0x37b: {  	_ =	swait.ge [sflag:s13], $0x80;
	(pc) =	sbr.rel @p0 .LBB2_6-.Ltmp2, $4  }
0x37c: {  	[sflag:s13] =	ssyncset.done $0x0  }
0x37d: {  	[sflag:s13] =	ssyncadd.s32 $0xFFFFFF80  }
0x37e: {  	_ =	swait.ge [sflag:s14], $0x80  }
0x37f: {  	s19 =	sadd.s32 $0x186A0, s19;
	[sflag:s14] =	ssyncset.done $0x0  }
0x380: {  	s18 =	sand.u32 $0x70, s17;
	s19 =	sand.u32 $0x400, s17  }
0x381: {  	[sflag:s14] =	ssyncadd.s32 $0xFFFFFF80;
	s20 =	sand.u32 $0xFFFFFC00, s17;
	s18 =	sor.u32 s18, s19  }
0x382: {  	s19 =	sadd.s32 $0x0, s20;
	v0 =	vld [tilespmem:s18+$0xC400]  }
0x383: {  	v1 =	vld [tilespmem:s18+$0x8400];
	s20 =	sor.u32 $0x80, s19  }
0x384: {  	v2 =	vld [tilespmem:s20+$0x8400]  }
0x385: {  	v3 =	vld [tilespmem:s20+$0xC400]  }
0x386: {  	v4 =	vld [tilespmem:s18+$0x8500]  }
0x387: {  	v5 =	vld [tilespmem:s18+$0xC500];
	s21 =	sor.u32 $0x180, s19  }
0x388: {  	v48 =	vld [tilespmem:s21+$0x8400];
	v0 =	vmul.f32 v0, v1  }
0x389: {  	v6 =	vld [tilespmem:s21+$0xC400]  }
0x38a: {  	v49 =	vld [tilespmem:s18+$0x8600];
	v2 =	vmul.f32 v3, v2;
	v0 =	vadd.f32 $0.0e+00, v0  }
0x38b: {  	v7 =	vld [tilespmem:s18+$0xC600];
	s22 =	sor.u32 $0x280, s19  }
0x38c: {  	v51 =	vld [tilespmem:s22+$0x8400];
	v50 =	vmul.f32 v5, v4;
	v0 =	vadd.f32 v2, v0  }
0x38d: {  	v52 =	vld [tilespmem:s22+$0xC400]  }
0x38e: {  	s17 =	sor.u32 s17, s17;
	v53 =	vld [tilespmem:s18+$0x8700];
	v1 =	vmul.f32 v6, v48;
	v0 =	vadd.f32 v50, v0  }
0x38f: {  	s23 =	sor.u32 $0x380, s17;
	v54 =	vld [tilespmem:s18+$0xC700]  }
0x390: {  	v56 =	vld [tilespmem:s23+$0x8400];
	v55 =	vmul.f32 v7, v49;
	v0 =	vadd.f32 v1, v0  }
0x391: {  	v57 =	vld [tilespmem:s23+$0xC400]  }
0x392: {  	v59 =	vld [tilespmem:s18+$0x8C00];
	v58 =	vmul.f32 v52, v51;
	v0 =	vadd.f32 v55, v0  }
0x393: {  	v60 =	vld [tilespmem:s18+$0xCC00];
	s24 =	sor.u32 $0x880, s19  }
0x394: {  	v62 =	vld [tilespmem:s24+$0x8400];
	v61 =	vmul.f32 v54, v53;
	v0 =	vadd.f32 v58, v0  }
0x395: {  	v63 =	vld [tilespmem:s24+$0xC400]  }
0x396: {  	v10 =	vld [tilespmem:s18+$0x8D00];
	v9 =	vmul.f32 v57, v56;
	v0 =	vadd.f32 v61, v0  }
0x397: {  	v11 =	vld [tilespmem:s18+$0xCD00];
	s25 =	sor.u32 $0x980, s19  }
0x398: {  	v13 =	vld [tilespmem:s25+$0x8400];
	v12 =	vmul.f32 v60, v59;
	v0 =	vadd.f32 v9, v0  }
0x399: {  	v14 =	vld [tilespmem:s25+$0xC400]  }
0x39a: {  	v16 =	vld [tilespmem:s18+$0x8E00];
	v15 =	vmul.f32 v63, v62;
	v0 =	vadd.f32 v12, v0  }
0x39b: {  	v17 =	vld [tilespmem:s18+$0xCE00];
	s26 =	sor.u32 $0xA80, s19  }
0x39c: {  	v19 =	vld [tilespmem:s26+$0x8400];
	v18 =	vmul.f32 v11, v10;
	v0 =	vadd.f32 v15, v0  }
0x39d: {  	v20 =	vld [tilespmem:s26+$0xC400]  }
0x39e: {  	v22 =	vld [tilespmem:s18+$0x8F00];
	v21 =	vmul.f32 v14, v13;
	v0 =	vadd.f32 v18, v0  }
0x39f: {  	s28 =	sor.u32 $0xB80, s17;
	v23 =	vld [tilespmem:s18+$0xCF00]  }
0x3a0: {  	v25 =	vld [tilespmem:s28+$0x8400];
	v24 =	vmul.f32 v17, v16;
	v0 =	vadd.f32 v21, v0  }
0x3a1: {  	v26 =	vld [tilespmem:s28+$0xC400]  }
0x3a2: {  	v28 =	vld [tilespmem:s18+$0x9400];
	v27 =	vmul.f32 v20, v19;
	v0 =	vadd.f32 v24, v0  }
0x3a3: {  	v29 =	vld [tilespmem:s18+$0xD400];
	s29 =	sor.u32 $0x1080, s19  }
0x3a4: {  	v31 =	vld [tilespmem:s29+$0x8400];
	v30 =	vmul.f32 v23, v22;
	v0 =	vadd.f32 v27, v0  }
0x3a5: {  	v32 =	vld [tilespmem:s29+$0xC400]  }
0x3a6: {  	v34 =	vld [tilespmem:s18+$0x9500];
	v33 =	vmul.f32 v26, v25;
	v0 =	vadd.f32 v30, v0  }
0x3a7: {  	v35 =	vld [tilespmem:s18+$0xD500];
	s30 =	sor.u32 $0x1180, s19  }
0x3a8: {  	v37 =	vld [tilespmem:s30+$0x8400];
	v36 =	vmul.f32 v29, v28;
	v0 =	vadd.f32 v33, v0  }
0x3a9: {  	v38 =	vld [tilespmem:s30+$0xC400]  }
0x3aa: {  	v40 =	vld [tilespmem:s18+$0x9600];
	v39 =	vmul.f32 v32, v31;
	v0 =	vadd.f32 v36, v0  }
0x3ab: {  	v41 =	vld [tilespmem:s18+$0xD600];
	s31 =	sor.u32 $0x1280, s19  }
0x3ac: {  	v43 =	vld [tilespmem:s31+$0x8400];
	v42 =	vmul.f32 v35, v34;
	v0 =	vadd.f32 v39, v0  }
0x3ad: {  	v44 =	vld [tilespmem:s31+$0xC400]  }
0x3ae: {  	v46 =	vld [tilespmem:s18+$0x9700];
	v45 =	vmul.f32 v38, v37;
	v0 =	vadd.f32 v42, v0  }
0x3af: {  	v47 =	vld [tilespmem:s18+$0xD700];
	s21 =	sor.u32 $0x1380, s17  }
0x3b0: {  	v49 =	vld [tilespmem:s21+$0x8400];
	v48 =	vmul.f32 v41, v40;
	v0 =	vadd.f32 v45, v0  }
0x3b1: {  	v50 =	vld [tilespmem:s21+$0xC400]  }
0x3b2: {  	v53 =	vld [tilespmem:s18+$0xDC00];
	v51 =	vmul.f32 v44, v43;
	v0 =	vadd.f32 v48, v0  }
0x3b3: {  	s22 =	sor.u32 $0x1880, s19;
	v52 =	vld [tilespmem:s18+$0x9C00]  }
0x3b4: {  	v54 =	vmul.f32 v47, v46;
	v56 =	vld [tilespmem:s22+$0xC400];
	v0 =	vadd.f32 v51, v0  }
0x3b5: {  	v55 =	vld [tilespmem:s22+$0x8400]  }
0x3b6: {  	v59 =	vld [tilespmem:s18+$0xDD00];
	v57 =	vmul.f32 v50, v49;
	v0 =	vadd.f32 v54, v0  }
0x3b7: {  	s23 =	sor.u32 $0x1980, s19;
	v58 =	vld [tilespmem:s18+$0x9D00]  }
0x3b8: {  	v62 =	vld [tilespmem:s23+$0xC400];
	v60 =	vmul.f32 v53, v52;
	v0 =	vadd.f32 v57, v0  }
0x3b9: {  	v61 =	vld [tilespmem:s23+$0x8400]  }
0x3ba: {  	v10 =	vld [tilespmem:s18+$0xDE00];
	v63 =	vmul.f32 v56, v55;
	v0 =	vadd.f32 v60, v0  }
0x3bb: {  	s24 =	sor.u32 $0x1A80, s19;
	v9 =	vld [tilespmem:s18+$0x9E00]  }
0x3bc: {  	v13 =	vld [tilespmem:s24+$0xC400];
	v11 =	vmul.f32 v59, v58;
	v0 =	vadd.f32 v63, v0  }
0x3bd: {  	v12 =	vld [tilespmem:s24+$0x8400]  }
0x3be: {  	v16 =	vld [tilespmem:s18+$0xDF00];
	v14 =	vmul.f32 v62, v61;
	v0 =	vadd.f32 v11, v0  }
0x3bf: {  	s25 =	sor.u32 $0x1B80, s17;
	v15 =	vld [tilespmem:s18+$0x9F00]  }
0x3c0: {  	v19 =	vld [tilespmem:s25+$0xC400];
	v17 =	vmul.f32 v10, v9;
	v0 =	vadd.f32 v14, v0  }
0x3c1: {  	v18 =	vld [tilespmem:s25+$0x8400]  }
0x3c2: {  	v22 =	vld [tilespmem:s18+$0xE400];
	v20 =	vmul.f32 v13, v12;
	v0 =	vadd.f32 v17, v0  }
0x3c3: {  	s26 =	sor.u32 $0x2080, s19;
	v21 =	vld [tilespmem:s18+$0xA400]  }
0x3c4: {  	v25 =	vld [tilespmem:s26+$0xC400];
	v23 =	vmul.f32 v16, v15;
	v0 =	vadd.f32 v20, v0  }
0x3c5: {  	v24 =	vld [tilespmem:s26+$0x8400]  }
0x3c6: {  	v28 =	vld [tilespmem:s18+$0xE500];
	v26 =	vmul.f32 v19, v18;
	v0 =	vadd.f32 v23, v0  }
0x3c7: {  	s28 =	sor.u32 $0x2180, s19;
	v27 =	vld [tilespmem:s18+$0xA500]  }
0x3c8: {  	v31 =	vld [tilespmem:s28+$0xC400];
	v29 =	vmul.f32 v22, v21;
	v0 =	vadd.f32 v26, v0  }
0x3c9: {  	v30 =	vld [tilespmem:s28+$0x8400]  }
0x3ca: {  	v34 =	vld [tilespmem:s18+$0xE600];
	v32 =	vmul.f32 v25, v24;
	v0 =	vadd.f32 v29, v0  }
0x3cb: {  	s29 =	sor.u32 $0x2280, s19;
	v33 =	vld [tilespmem:s18+$0xA600]  }
0x3cc: {  	v37 =	vld [tilespmem:s29+$0xC400];
	v35 =	vmul.f32 v28, v27;
	v0 =	vadd.f32 v32, v0  }
0x3cd: {  	v36 =	vld [tilespmem:s29+$0x8400]  }
0x3ce: {  	v40 =	vld [tilespmem:s18+$0xE700];
	v38 =	vmul.f32 v31, v30;
	v0 =	vadd.f32 v35, v0  }
0x3cf: {  	s30 =	sor.u32 $0x2380, s17;
	v39 =	vld [tilespmem:s18+$0xA700]  }
0x3d0: {  	v43 =	vld [tilespmem:s30+$0xC400];
	v41 =	vmul.f32 v34, v33;
	v0 =	vadd.f32 v38, v0  }
0x3d1: {  	v42 =	vld [tilespmem:s30+$0x8400]  }
0x3d2: {  	v46 =	vld [tilespmem:s18+$0xEC00];
	v44 =	vmul.f32 v37, v36;
	v0 =	vadd.f32 v41, v0  }
0x3d3: {  	s31 =	sor.u32 $0x2880, s19;
	v45 =	vld [tilespmem:s18+$0xAC00]  }
0x3d4: {  	v49 =	vld [tilespmem:s31+$0xC400];
	v47 =	vmul.f32 v40, v39;
	v0 =	vadd.f32 v44, v0  }
0x3d5: {  	v48 =	vld [tilespmem:s31+$0x8400]  }
0x3d6: {  	v52 =	vld [tilespmem:s18+$0xED00];
	v50 =	vmul.f32 v43, v42;
	v0 =	vadd.f32 v47, v0  }
0x3d7: {  	s21 =	sor.u32 $0x2980, s19;
	v51 =	vld [tilespmem:s18+$0xAD00]  }
0x3d8: {  	v55 =	vld [tilespmem:s21+$0xC400];
	v53 =	vmul.f32 v46, v45;
	v0 =	vadd.f32 v50, v0  }
0x3d9: {  	v54 =	vld [tilespmem:s21+$0x8400]  }
0x3da: {  	v58 =	vld [tilespmem:s18+$0xEE00];
	v56 =	vmul.f32 v49, v48;
	v0 =	vadd.f32 v53, v0  }
0x3db: {  	s22 =	sor.u32 $0x2A80, s19;
	v57 =	vld [tilespmem:s18+$0xAE00]  }
0x3dc: {  	v61 =	vld [tilespmem:s22+$0xC400];
	v59 =	vmul.f32 v52, v51;
	v0 =	vadd.f32 v56, v0  }
0x3dd: {  	v60 =	vld [tilespmem:s22+$0x8400]  }
0x3de: {  	v9 =	vld [tilespmem:s18+$0xEF00];
	v62 =	vmul.f32 v55, v54;
	v0 =	vadd.f32 v59, v0  }
0x3df: {  	s23 =	sor.u32 $0x2B80, s17;
	v63 =	vld [tilespmem:s18+$0xAF00]  }
0x3e0: {  	v12 =	vld [tilespmem:s23+$0xC400];
	v10 =	vmul.f32 v58, v57;
	v0 =	vadd.f32 v62, v0  }
0x3e1: {  	v11 =	vld [tilespmem:s23+$0x8400]  }
0x3e2: {  	v15 =	vld [tilespmem:s18+$0xF400];
	v13 =	vmul.f32 v61, v60;
	v0 =	vadd.f32 v10, v0  }
0x3e3: {  	s24 =	sor.u32 $0x3080, s19;
	v14 =	vld [tilespmem:s18+$0xB400]  }
0x3e4: {  	v18 =	vld [tilespmem:s24+$0xC400];
	v16 =	vmul.f32 v9, v63;
	v0 =	vadd.f32 v13, v0  }
0x3e5: {  	v17 =	vld [tilespmem:s24+$0x8400]  }
0x3e6: {  	v21 =	vld [tilespmem:s18+$0xF500];
	v19 =	vmul.f32 v12, v11;
	v0 =	vadd.f32 v16, v0  }
0x3e7: {  	s25 =	sor.u32 $0x3180, s19;
	v20 =	vld [tilespmem:s18+$0xB500]  }
0x3e8: {  	v24 =	vld [tilespmem:s25+$0xC400];
	v22 =	vmul.f32 v15, v14;
	v0 =	vadd.f32 v19, v0  }
0x3e9: {  	v23 =	vld [tilespmem:s25+$0x8400]  }
0x3ea: {  	v27 =	vld [tilespmem:s18+$0xF600];
	v25 =	vmul.f32 v18, v17;
	v0 =	vadd.f32 v22, v0  }
0x3eb: {  	s26 =	sor.u32 $0x3280, s19;
	v26 =	vld [tilespmem:s18+$0xB600]  }
0x3ec: {  	v30 =	vld [tilespmem:s26+$0xC400];
	v28 =	vmul.f32 v21, v20;
	v0 =	vadd.f32 v25, v0  }
0x3ed: {  	v29 =	vld [tilespmem:s26+$0x8400]  }
0x3ee: {  	v33 =	vld [tilespmem:s18+$0xF700];
	v31 =	vmul.f32 v24, v23;
	v0 =	vadd.f32 v28, v0  }
0x3ef: {  	s28 =	sor.u32 $0x3380, s17;
	v32 =	vld [tilespmem:s18+$0xB700]  }
0x3f0: {  	v36 =	vld [tilespmem:s28+$0xC400];
	v34 =	vmul.f32 v27, v26;
	v0 =	vadd.f32 v31, v0  }
0x3f1: {  	v35 =	vld [tilespmem:s28+$0x8400]  }
0x3f2: {  	v39 =	vld [tilespmem:s18+$0xFC00];
	v37 =	vmul.f32 v30, v29;
	v0 =	vadd.f32 v34, v0  }
0x3f3: {  	s29 =	sor.u32 $0x3880, s19;
	v38 =	vld [tilespmem:s18+$0xBC00]  }
0x3f4: {  	v42 =	vld [tilespmem:s29+$0xC400];
	v40 =	vmul.f32 v33, v32;
	v0 =	vadd.f32 v37, v0  }
0x3f5: {  	v41 =	vld [tilespmem:s29+$0x8400]  }
0x3f6: {  	v45 =	vld [tilespmem:s18+$0xFD00];
	v43 =	vmul.f32 v36, v35;
	v0 =	vadd.f32 v40, v0  }
0x3f7: {  	s30 =	sor.u32 $0x3980, s19;
	v44 =	vld [tilespmem:s18+$0xBD00]  }
0x3f8: {  	v48 =	vld [tilespmem:s30+$0xC400];
	v46 =	vmul.f32 v39, v38;
	v0 =	vadd.f32 v43, v0  }
0x3f9: {  	v47 =	vld [tilespmem:s30+$0x8400]  }
0x3fa: {  	v51 =	vld [tilespmem:s18+$0xFE00];
	v49 =	vmul.f32 v42, v41;
	v0 =	vadd.f32 v46, v0  }
0x3fb: {  	s19 =	sor.u32 $0x3A80, s19;
	v50 =	vld [tilespmem:s18+$0xBE00]  }
0x3fc: {  	v54 =	vld [tilespmem:s19+$0xC400];
	v52 =	vmul.f32 v45, v44;
	v0 =	vadd.f32 v49, v0  }
0x3fd: {  	v53 =	vld [tilespmem:s19+$0x8400]  }
0x3fe: {  	v57 =	vld [tilespmem:s18+$0xFF00];
	v55 =	vmul.f32 v48, v47;
	v0 =	vadd.f32 v52, v0  }
0x3ff: {  	s17 =	sor.u32 $0x3B80, s17;
	v56 =	vld [tilespmem:s18+$0xBF00]  }
0x400: {  	v60 =	vld [tilespmem:s17+$0xC400];
	v58 =	vmul.f32 v51, v50;
	v0 =	vadd.f32 v55, v0  }
0x401: {  	v59 =	vld [tilespmem:s17+$0x8400]  }
0x402: {  	v61 =	vmul.f32 v54, v53;
	v0 =	vadd.f32 v58, v0;
	_ =	sdelay $0x1  }
0x403: {  	v62 =	vmul.f32 v57, v56;
	v0 =	vadd.f32 v61, v0;
	_ =	sdelay $0x1  }
0x404: {  	v63 =	vmul.f32 v60, v59;
	v0 =	vadd.f32 v62, v0;
	_ =	sdelay $0x1  }
0x405: {  	s20 =	simm.s32 $0x80;
	s19 =	simm.s32 $0x10;
	v0 =	vadd.f32 v63, v0  }
0x406: {  	s21 =	sand.u32 $0x400, s20;
	s31 =	sand.u32 $0x70, s19;
	s17 =	simm.s32 $0x10400  }
0x407: {  	s22 =	sand.u32 $0xFFFFFC00, s20;
	s18 =	sor.u32 s31, s21;
	s21 =	simm.s32 $0x20;
	[tilespmem:s17+$0x0] =	vst v0  }
.LBB2_8:
0x408: {  	p0 =	sne.s32 s21, $0xF0;
	v0 =	vld [tilespmem:s18+$0xC400];
	s22 =	sadd.s32 s22, s19  }
0x409: {  	v1 =	vld [tilespmem:s18+$0x8400];
	s23 =	sor.u32 $0x80, s22  }
0x40a: {  	v2 =	vld [tilespmem:s23+$0x8400]  }
0x40b: {  	v3 =	vld [tilespmem:s23+$0xC400]  }
0x40c: {  	v4 =	vld [tilespmem:s18+$0x8500]  }
0x40d: {  	s23 =	sor.u32 $0x180, s22;
	v5 =	vld [tilespmem:s18+$0xC500]  }
0x40e: {  	v0 =	vmul.f32 v0, v1;
	v1 =	vld [tilespmem:s23+$0x8400]  }
0x40f: {  	v6 =	vld [tilespmem:s23+$0xC400]  }
0x410: {  	v0 =	vadd.f32 $0.0e+00, v0;
	v2 =	vmul.f32 v3, v2;
	v3 =	vld [tilespmem:s18+$0x8600]  }
0x411: {  	s23 =	sor.u32 $0x280, s22;
	v7 =	vld [tilespmem:s18+$0xC600]  }
0x412: {  	v0 =	vadd.f32 v2, v0;
	v2 =	vmul.f32 v5, v4;
	v4 =	vld [tilespmem:s23+$0x8400]  }
0x413: {  	v5 =	vld [tilespmem:s23+$0xC400]  }
0x414: {  	s23 =	sor.u32 s19, s20;
	s19 =	smov.u32 s21;
	v0 =	vadd.f32 v2, v0;
	v1 =	vmul.f32 v6, v1;
	v2 =	vld [tilespmem:s18+$0x8700]  }
0x415: {  	s24 =	sor.u32 $0x380, s23;
	v6 =	vld [tilespmem:s18+$0xC700]  }
0x416: {  	v0 =	vadd.f32 v1, v0;
	v1 =	vmul.f32 v7, v3;
	v3 =	vld [tilespmem:s24+$0x8400]  }
0x417: {  	v7 =	vld [tilespmem:s24+$0xC400]  }
0x418: {  	v0 =	vadd.f32 v1, v0;
	v1 =	vmul.f32 v5, v4;
	v4 =	vld [tilespmem:s18+$0x8C00]  }
0x419: {  	s24 =	sor.u32 $0x880, s22;
	v5 =	vld [tilespmem:s18+$0xCC00]  }
0x41a: {  	v0 =	vadd.f32 v1, v0;
	v1 =	vmul.f32 v6, v2;
	v2 =	vld [tilespmem:s24+$0x8400]  }
0x41b: {  	v6 =	vld [tilespmem:s24+$0xC400]  }
0x41c: {  	v0 =	vadd.f32 v1, v0;
	v1 =	vmul.f32 v7, v3;
	v3 =	vld [tilespmem:s18+$0x8D00]  }
0x41d: {  	s24 =	sor.u32 $0x980, s22;
	v7 =	vld [tilespmem:s18+$0xCD00]  }
0x41e: {  	v0 =	vadd.f32 v1, v0;
	v1 =	vmul.f32 v5, v4;
	v4 =	vld [tilespmem:s24+$0x8400]  }
0x41f: {  	v5 =	vld [tilespmem:s24+$0xC400]  }
0x420: {  	v0 =	vadd.f32 v1, v0;
	v1 =	vmul.f32 v6, v2;
	v2 =	vld [tilespmem:s18+$0x8E00]  }
0x421: {  	s24 =	sor.u32 $0xA80, s22;
	v6 =	vld [tilespmem:s18+$0xCE00]  }
0x422: {  	v0 =	vadd.f32 v1, v0;
	v1 =	vmul.f32 v7, v3;
	v3 =	vld [tilespmem:s24+$0x8400]  }
0x423: {  	v7 =	vld [tilespmem:s24+$0xC400]  }
0x424: {  	v0 =	vadd.f32 v1, v0;
	v1 =	vmul.f32 v5, v4;
	v4 =	vld [tilespmem:s18+$0x8F00]  }
0x425: {  	s24 =	sor.u32 $0xB80, s23;
	v5 =	vld [tilespmem:s18+$0xCF00]  }
0x426: {  	v0 =	vadd.f32 v1, v0;
	v1 =	vmul.f32 v6, v2;
	v2 =	vld [tilespmem:s24+$0x8400]  }
0x427: {  	v6 =	vld [tilespmem:s24+$0xC400]  }
0x428: {  	v0 =	vadd.f32 v1, v0;
	v1 =	vmul.f32 v7, v3;
	v3 =	vld [tilespmem:s18+$0x9400]  }
0x429: {  	s24 =	sor.u32 $0x1080, s22;
	v7 =	vld [tilespmem:s18+$0xD400]  }
0x42a: {  	v0 =	vadd.f32 v1, v0;
	v1 =	vmul.f32 v5, v4;
	v4 =	vld [tilespmem:s24+$0x8400]  }
0x42b: {  	v5 =	vld [tilespmem:s24+$0xC400]  }
0x42c: {  	v0 =	vadd.f32 v1, v0;
	v1 =	vmul.f32 v6, v2;
	v2 =	vld [tilespmem:s18+$0x9500]  }
0x42d: {  	s24 =	sor.u32 $0x1180, s22;
	v6 =	vld [tilespmem:s18+$0xD500]  }
0x42e: {  	v0 =	vadd.f32 v1, v0;
	v1 =	vmul.f32 v7, v3;
	v3 =	vld [tilespmem:s24+$0x8400]  }
0x42f: {  	v7 =	vld [tilespmem:s24+$0xC400]  }
0x430: {  	v0 =	vadd.f32 v1, v0;
	v1 =	vmul.f32 v5, v4;
	v4 =	vld [tilespmem:s18+$0x9600]  }
0x431: {  	s24 =	sor.u32 $0x1280, s22;
	v5 =	vld [tilespmem:s18+$0xD600]  }
0x432: {  	v0 =	vadd.f32 v1, v0;
	v1 =	vmul.f32 v6, v2;
	v2 =	vld [tilespmem:s24+$0x8400]  }
0x433: {  	v6 =	vld [tilespmem:s24+$0xC400]  }
0x434: {  	v0 =	vadd.f32 v1, v0;
	v1 =	vmul.f32 v7, v3;
	v3 =	vld [tilespmem:s18+$0x9700]  }
0x435: {  	s24 =	sor.u32 $0x1380, s23;
	v7 =	vld [tilespmem:s18+$0xD700]  }
0x436: {  	v0 =	vadd.f32 v1, v0;
	v1 =	vmul.f32 v5, v4;
	v4 =	vld [tilespmem:s24+$0x8400]  }
0x437: {  	v5 =	vld [tilespmem:s24+$0xC400]  }
0x438: {  	v0 =	vadd.f32 v1, v0;
	v1 =	vmul.f32 v6, v2;
	v2 =	vld [tilespmem:s18+$0x9C00]  }
0x439: {  	s24 =	sor.u32 $0x1880, s22;
	v6 =	vld [tilespmem:s18+$0xDC00]  }
0x43a: {  	v0 =	vadd.f32 v1, v0;
	v1 =	vmul.f32 v7, v3;
	v3 =	vld [tilespmem:s24+$0x8400]  }
0x43b: {  	v7 =	vld [tilespmem:s24+$0xC400]  }
0x43c: {  	v0 =	vadd.f32 v1, v0;
	v1 =	vmul.f32 v5, v4;
	v4 =	vld [tilespmem:s18+$0x9D00]  }
0x43d: {  	s24 =	sor.u32 $0x1980, s22;
	v5 =	vld [tilespmem:s18+$0xDD00]  }
0x43e: {  	v0 =	vadd.f32 v1, v0;
	v1 =	vmul.f32 v6, v2;
	v2 =	vld [tilespmem:s24+$0x8400]  }
0x43f: {  	v6 =	vld [tilespmem:s24+$0xC400]  }
0x440: {  	v0 =	vadd.f32 v1, v0;
	v1 =	vmul.f32 v7, v3;
	v3 =	vld [tilespmem:s18+$0x9E00]  }
0x441: {  	s24 =	sor.u32 $0x1A80, s22;
	v7 =	vld [tilespmem:s18+$0xDE00]  }
0x442: {  	v0 =	vadd.f32 v1, v0;
	v1 =	vmul.f32 v5, v4;
	v4 =	vld [tilespmem:s24+$0x8400]  }
0x443: {  	v5 =	vld [tilespmem:s24+$0xC400]  }
0x444: {  	v0 =	vadd.f32 v1, v0;
	v1 =	vmul.f32 v6, v2;
	v2 =	vld [tilespmem:s18+$0x9F00]  }
0x445: {  	s24 =	sor.u32 $0x1B80, s23;
	v6 =	vld [tilespmem:s18+$0xDF00]  }
0x446: {  	v0 =	vadd.f32 v1, v0;
	v1 =	vmul.f32 v7, v3;
	v3 =	vld [tilespmem:s24+$0x8400]  }
0x447: {  	v7 =	vld [tilespmem:s24+$0xC400]  }
0x448: {  	v0 =	vadd.f32 v1, v0;
	v1 =	vmul.f32 v5, v4;
	v4 =	vld [tilespmem:s18+$0xA400]  }
0x449: {  	s24 =	sor.u32 $0x2080, s22;
	v5 =	vld [tilespmem:s18+$0xE400]  }
0x44a: {  	v0 =	vadd.f32 v1, v0;
	v1 =	vmul.f32 v6, v2;
	v2 =	vld [tilespmem:s24+$0x8400]  }
0x44b: {  	v6 =	vld [tilespmem:s24+$0xC400]  }
0x44c: {  	v0 =	vadd.f32 v1, v0;
	v1 =	vmul.f32 v7, v3;
	v3 =	vld [tilespmem:s18+$0xA500]  }
0x44d: {  	s24 =	sor.u32 $0x2180, s22;
	v7 =	vld [tilespmem:s18+$0xE500]  }
0x44e: {  	v0 =	vadd.f32 v1, v0;
	v1 =	vmul.f32 v5, v4;
	v4 =	vld [tilespmem:s24+$0x8400]  }
0x44f: {  	v5 =	vld [tilespmem:s24+$0xC400]  }
0x450: {  	v0 =	vadd.f32 v1, v0;
	v1 =	vmul.f32 v6, v2;
	v2 =	vld [tilespmem:s18+$0xA600]  }
0x451: {  	s24 =	sor.u32 $0x2280, s22;
	v6 =	vld [tilespmem:s18+$0xE600]  }
0x452: {  	v0 =	vadd.f32 v1, v0;
	v1 =	vmul.f32 v7, v3;
	v3 =	vld [tilespmem:s24+$0x8400]  }
0x453: {  	v7 =	vld [tilespmem:s24+$0xC400]  }
0x454: {  	v0 =	vadd.f32 v1, v0;
	v1 =	vmul.f32 v5, v4;
	v4 =	vld [tilespmem:s18+$0xA700]  }
0x455: {  	s24 =	sor.u32 $0x2380, s23;
	v5 =	vld [tilespmem:s18+$0xE700]  }
0x456: {  	v0 =	vadd.f32 v1, v0;
	v1 =	vmul.f32 v6, v2;
	v2 =	vld [tilespmem:s24+$0x8400]  }
0x457: {  	v6 =	vld [tilespmem:s24+$0xC400]  }
0x458: {  	v0 =	vadd.f32 v1, v0;
	v1 =	vmul.f32 v7, v3;
	v3 =	vld [tilespmem:s18+$0xAC00]  }
0x459: {  	s24 =	sor.u32 $0x2880, s22;
	v7 =	vld [tilespmem:s18+$0xEC00]  }
0x45a: {  	v0 =	vadd.f32 v1, v0;
	v1 =	vmul.f32 v5, v4;
	v4 =	vld [tilespmem:s24+$0x8400]  }
0x45b: {  	v5 =	vld [tilespmem:s24+$0xC400]  }
0x45c: {  	v0 =	vadd.f32 v1, v0;
	v1 =	vmul.f32 v6, v2;
	v2 =	vld [tilespmem:s18+$0xAD00]  }
0x45d: {  	s24 =	sor.u32 $0x2980, s22;
	v6 =	vld [tilespmem:s18+$0xED00]  }
0x45e: {  	v0 =	vadd.f32 v1, v0;
	v1 =	vmul.f32 v7, v3;
	v3 =	vld [tilespmem:s24+$0x8400]  }
0x45f: {  	v7 =	vld [tilespmem:s24+$0xC400]  }
0x460: {  	v0 =	vadd.f32 v1, v0;
	v1 =	vmul.f32 v5, v4;
	v4 =	vld [tilespmem:s18+$0xAE00]  }
0x461: {  	s24 =	sor.u32 $0x2A80, s22;
	v5 =	vld [tilespmem:s18+$0xEE00]  }
0x462: {  	v0 =	vadd.f32 v1, v0;
	v1 =	vmul.f32 v6, v2;
	v2 =	vld [tilespmem:s24+$0x8400]  }
0x463: {  	v6 =	vld [tilespmem:s24+$0xC400]  }
0x464: {  	v0 =	vadd.f32 v1, v0;
	v1 =	vmul.f32 v7, v3;
	v3 =	vld [tilespmem:s18+$0xAF00]  }
0x465: {  	s24 =	sor.u32 $0x2B80, s23;
	v7 =	vld [tilespmem:s18+$0xEF00]  }
0x466: {  	v0 =	vadd.f32 v1, v0;
	v1 =	vmul.f32 v5, v4;
	v4 =	vld [tilespmem:s24+$0x8400]  }
0x467: {  	v5 =	vld [tilespmem:s24+$0xC400]  }
0x468: {  	v0 =	vadd.f32 v1, v0;
	v1 =	vmul.f32 v6, v2;
	v2 =	vld [tilespmem:s18+$0xB400]  }
0x469: {  	s24 =	sor.u32 $0x3080, s22;
	v6 =	vld [tilespmem:s18+$0xF400]  }
0x46a: {  	v0 =	vadd.f32 v1, v0;
	v1 =	vmul.f32 v7, v3;
	v3 =	vld [tilespmem:s24+$0x8400]  }
0x46b: {  	v7 =	vld [tilespmem:s24+$0xC400]  }
0x46c: {  	v0 =	vadd.f32 v1, v0;
	v1 =	vmul.f32 v5, v4;
	v4 =	vld [tilespmem:s18+$0xB500]  }
0x46d: {  	s24 =	sor.u32 $0x3180, s22;
	v5 =	vld [tilespmem:s18+$0xF500]  }
0x46e: {  	v0 =	vadd.f32 v1, v0;
	v1 =	vmul.f32 v6, v2;
	v2 =	vld [tilespmem:s24+$0x8400]  }
0x46f: {  	v6 =	vld [tilespmem:s24+$0xC400]  }
0x470: {  	v0 =	vadd.f32 v1, v0;
	v1 =	vmul.f32 v7, v3;
	v3 =	vld [tilespmem:s18+$0xB600]  }
0x471: {  	s24 =	sor.u32 $0x3280, s22;
	v7 =	vld [tilespmem:s18+$0xF600]  }
0x472: {  	v0 =	vadd.f32 v1, v0;
	v1 =	vmul.f32 v5, v4;
	v4 =	vld [tilespmem:s24+$0x8400]  }
0x473: {  	v5 =	vld [tilespmem:s24+$0xC400]  }
0x474: {  	v0 =	vadd.f32 v1, v0;
	v1 =	vmul.f32 v6, v2;
	v2 =	vld [tilespmem:s18+$0xB700]  }
0x475: {  	s24 =	sor.u32 $0x3380, s23;
	v6 =	vld [tilespmem:s18+$0xF700]  }
0x476: {  	v0 =	vadd.f32 v1, v0;
	v1 =	vmul.f32 v7, v3;
	v3 =	vld [tilespmem:s24+$0x8400]  }
0x477: {  	v7 =	vld [tilespmem:s24+$0xC400]  }
0x478: {  	v0 =	vadd.f32 v1, v0;
	v1 =	vmul.f32 v5, v4;
	v4 =	vld [tilespmem:s18+$0xBC00]  }
0x479: {  	s24 =	sor.u32 $0x3880, s22;
	v5 =	vld [tilespmem:s18+$0xFC00]  }
0x47a: {  	v0 =	vadd.f32 v1, v0;
	v1 =	vmul.f32 v6, v2;
	v2 =	vld [tilespmem:s24+$0x8400]  }
0x47b: {  	v6 =	vld [tilespmem:s24+$0xC400]  }
0x47c: {  	v0 =	vadd.f32 v1, v0;
	v1 =	vmul.f32 v7, v3;
	v3 =	vld [tilespmem:s18+$0xBD00]  }
0x47d: {  	s24 =	sor.u32 $0x3980, s22;
	v7 =	vld [tilespmem:s18+$0xFD00]  }
0x47e: {  	v0 =	vadd.f32 v1, v0;
	v1 =	vmul.f32 v5, v4;
	v4 =	vld [tilespmem:s24+$0x8400]  }
0x47f: {  	v5 =	vld [tilespmem:s24+$0xC400]  }
0x480: {  	v0 =	vadd.f32 v1, v0;
	v1 =	vmul.f32 v6, v2;
	v2 =	vld [tilespmem:s18+$0xBE00]  }
0x481: {  	s22 =	sor.u32 $0x3A80, s22;
	v6 =	vld [tilespmem:s18+$0xFE00]  }
0x482: {  	v0 =	vadd.f32 v1, v0;
	v1 =	vmul.f32 v7, v3;
	v3 =	vld [tilespmem:s22+$0x8400]  }
0x483: {  	v7 =	vld [tilespmem:s22+$0xC400]  }
0x484: {  	v0 =	vadd.f32 v1, v0;
	v1 =	vmul.f32 v5, v4;
	v4 =	vld [tilespmem:s18+$0xBF00]  }
0x485: {  	v5 =	vld [tilespmem:s18+$0xFF00];
	s18 =	sor.u32 $0x3B80, s23  }
0x486: {  	v0 =	vadd.f32 v1, v0;
	v1 =	vmul.f32 v6, v2;
	v2 =	vld [tilespmem:s18+$0x8400]  }
0x487: {  	v6 =	vld [tilespmem:s18+$0xC400]  }
0x488: {  	v0 =	vadd.f32 v1, v0;
	v1 =	vmul.f32 v7, v3;
	_ =	sdelay $0x1  }
0x489: {  	v0 =	vadd.f32 v1, v0;
	v1 =	vmul.f32 v5, v4;
	_ =	sdelay $0x1  }
.Ltmp3:
0x48a: {  	v0 =	vadd.f32 v1, v0;
	v1 =	vmul.f32 v6, v2;
	(pc) =	sbr.rel @p0 .LBB2_8-.Ltmp3, $4  }
0x48b: {  	_ = 	snop  }
0x48c: {  	s20 =	sadd.s32 $0x80, s20;
	v0 =	vadd.f32 v1, v0  }
0x48d: {  	s17 =	sadd.s32 $0x10, s17;
	s23 =	sand.u32 $0x400, s20;
	s18 =	sand.u32 $0x70, s21  }
0x48e: {  	s22 =	sand.u32 $0xFFFFFC00, s20;
	s21 =	sadd.s32 $0x10, s21;
	s18 =	sor.u32 s18, s23;
	[tilespmem:s17+$0x0] =	vst v0  }
0x48f: {  	v0 =	vld [tilespmem:s18+$0xC400];
	s21 =	sadd.s32 s22, s19  }
0x490: {  	v1 =	vld [tilespmem:s18+$0x8400];
	s22 =	sor.u32 $0x80, s21  }
0x491: {  	v2 =	vld [tilespmem:s22+$0x8400]  }
0x492: {  	v3 =	vld [tilespmem:s22+$0xC400]  }
0x493: {  	v4 =	vld [tilespmem:s18+$0x8500]  }
0x494: {  	v5 =	vld [tilespmem:s18+$0xC500];
	s29 =	sor.u32 $0x180, s21  }
0x495: {  	v48 =	vld [tilespmem:s29+$0x8400];
	v0 =	vmul.f32 v0, v1  }
0x496: {  	v6 =	vld [tilespmem:s29+$0xC400]  }
0x497: {  	v49 =	vld [tilespmem:s18+$0x8600];
	v0 =	vadd.f32 $0.0e+00, v0;
	v2 =	vmul.f32 v3, v2  }
0x498: {  	v7 =	vld [tilespmem:s18+$0xC600];
	s30 =	sor.u32 $0x280, s21  }
0x499: {  	v51 =	vld [tilespmem:s30+$0x8400];
	v50 =	vmul.f32 v5, v4;
	v0 =	vadd.f32 v2, v0  }
0x49a: {  	v52 =	vld [tilespmem:s30+$0xC400]  }
0x49b: {  	v53 =	vld [tilespmem:s18+$0x8700];
	s19 =	sor.u32 s19, s20;
	v1 =	vmul.f32 v6, v48;
	v0 =	vadd.f32 v50, v0  }
0x49c: {  	v54 =	vld [tilespmem:s18+$0xC700];
	s20 =	sor.u32 $0x380, s19  }
0x49d: {  	v56 =	vld [tilespmem:s20+$0x8400];
	v55 =	vmul.f32 v7, v49;
	v0 =	vadd.f32 v1, v0  }
0x49e: {  	v57 =	vld [tilespmem:s20+$0xC400]  }
0x49f: {  	v59 =	vld [tilespmem:s18+$0x8C00];
	v58 =	vmul.f32 v52, v51;
	v0 =	vadd.f32 v55, v0  }
0x4a0: {  	v60 =	vld [tilespmem:s18+$0xCC00];
	s31 =	sor.u32 $0x880, s21  }
0x4a1: {  	v62 =	vld [tilespmem:s31+$0x8400];
	v61 =	vmul.f32 v54, v53;
	v0 =	vadd.f32 v58, v0  }
0x4a2: {  	v63 =	vld [tilespmem:s31+$0xC400]  }
0x4a3: {  	v10 =	vld [tilespmem:s18+$0x8D00];
	v9 =	vmul.f32 v57, v56;
	v0 =	vadd.f32 v61, v0  }
0x4a4: {  	v11 =	vld [tilespmem:s18+$0xCD00];
	s22 =	sor.u32 $0x980, s21  }
0x4a5: {  	v13 =	vld [tilespmem:s22+$0x8400];
	v12 =	vmul.f32 v60, v59;
	v0 =	vadd.f32 v9, v0  }
0x4a6: {  	v14 =	vld [tilespmem:s22+$0xC400]  }
0x4a7: {  	v16 =	vld [tilespmem:s18+$0x8E00];
	v15 =	vmul.f32 v63, v62;
	v0 =	vadd.f32 v12, v0  }
0x4a8: {  	v17 =	vld [tilespmem:s18+$0xCE00];
	s23 =	sor.u32 $0xA80, s21  }
0x4a9: {  	v19 =	vld [tilespmem:s23+$0x8400];
	v18 =	vmul.f32 v11, v10;
	v0 =	vadd.f32 v15, v0  }
0x4aa: {  	v20 =	vld [tilespmem:s23+$0xC400]  }
0x4ab: {  	v22 =	vld [tilespmem:s18+$0x8F00];
	v21 =	vmul.f32 v14, v13;
	v0 =	vadd.f32 v18, v0  }
0x4ac: {  	v23 =	vld [tilespmem:s18+$0xCF00];
	s24 =	sor.u32 $0xB80, s19  }
0x4ad: {  	v25 =	vld [tilespmem:s24+$0x8400];
	v24 =	vmul.f32 v17, v16;
	v0 =	vadd.f32 v21, v0  }
0x4ae: {  	v26 =	vld [tilespmem:s24+$0xC400]  }
0x4af: {  	v28 =	vld [tilespmem:s18+$0x9400];
	v27 =	vmul.f32 v20, v19;
	v0 =	vadd.f32 v24, v0  }
0x4b0: {  	v29 =	vld [tilespmem:s18+$0xD400];
	s25 =	sor.u32 $0x1080, s21  }
0x4b1: {  	v31 =	vld [tilespmem:s25+$0x8400];
	v30 =	vmul.f32 v23, v22;
	v0 =	vadd.f32 v27, v0  }
0x4b2: {  	v32 =	vld [tilespmem:s25+$0xC400]  }
0x4b3: {  	v34 =	vld [tilespmem:s18+$0x9500];
	v33 =	vmul.f32 v26, v25;
	v0 =	vadd.f32 v30, v0  }
0x4b4: {  	v35 =	vld [tilespmem:s18+$0xD500];
	s26 =	sor.u32 $0x1180, s21  }
0x4b5: {  	v37 =	vld [tilespmem:s26+$0x8400];
	v36 =	vmul.f32 v29, v28;
	v0 =	vadd.f32 v33, v0  }
0x4b6: {  	v38 =	vld [tilespmem:s26+$0xC400]  }
0x4b7: {  	v40 =	vld [tilespmem:s18+$0x9600];
	v39 =	vmul.f32 v32, v31;
	v0 =	vadd.f32 v36, v0  }
0x4b8: {  	v41 =	vld [tilespmem:s18+$0xD600];
	s28 =	sor.u32 $0x1280, s21  }
0x4b9: {  	v43 =	vld [tilespmem:s28+$0x8400];
	v42 =	vmul.f32 v35, v34;
	v0 =	vadd.f32 v39, v0  }
0x4ba: {  	v44 =	vld [tilespmem:s28+$0xC400]  }
0x4bb: {  	v46 =	vld [tilespmem:s18+$0x9700];
	v45 =	vmul.f32 v38, v37;
	v0 =	vadd.f32 v42, v0  }
0x4bc: {  	v47 =	vld [tilespmem:s18+$0xD700];
	s29 =	sor.u32 $0x1380, s19  }
0x4bd: {  	v49 =	vld [tilespmem:s29+$0x8400];
	v48 =	vmul.f32 v41, v40;
	v0 =	vadd.f32 v45, v0  }
0x4be: {  	v50 =	vld [tilespmem:s29+$0xC400]  }
0x4bf: {  	v53 =	vld [tilespmem:s18+$0xDC00];
	v51 =	vmul.f32 v44, v43;
	v0 =	vadd.f32 v48, v0  }
0x4c0: {  	s30 =	sor.u32 $0x1880, s21;
	v52 =	vld [tilespmem:s18+$0x9C00]  }
0x4c1: {  	v54 =	vmul.f32 v47, v46;
	v56 =	vld [tilespmem:s30+$0xC400];
	v0 =	vadd.f32 v51, v0  }
0x4c2: {  	v55 =	vld [tilespmem:s30+$0x8400]  }
0x4c3: {  	v59 =	vld [tilespmem:s18+$0xDD00];
	v57 =	vmul.f32 v50, v49;
	v0 =	vadd.f32 v54, v0  }
0x4c4: {  	s31 =	sor.u32 $0x1980, s21;
	v58 =	vld [tilespmem:s18+$0x9D00]  }
0x4c5: {  	v62 =	vld [tilespmem:s31+$0xC400];
	v60 =	vmul.f32 v53, v52;
	v0 =	vadd.f32 v57, v0  }
0x4c6: {  	v61 =	vld [tilespmem:s31+$0x8400]  }
0x4c7: {  	v10 =	vld [tilespmem:s18+$0xDE00];
	v63 =	vmul.f32 v56, v55;
	v0 =	vadd.f32 v60, v0  }
0x4c8: {  	s22 =	sor.u32 $0x1A80, s21;
	v9 =	vld [tilespmem:s18+$0x9E00]  }
0x4c9: {  	v13 =	vld [tilespmem:s22+$0xC400];
	v11 =	vmul.f32 v59, v58;
	v0 =	vadd.f32 v63, v0  }
0x4ca: {  	v12 =	vld [tilespmem:s22+$0x8400]  }
0x4cb: {  	v16 =	vld [tilespmem:s18+$0xDF00];
	v14 =	vmul.f32 v62, v61;
	v0 =	vadd.f32 v11, v0  }
0x4cc: {  	s23 =	sor.u32 $0x1B80, s19;
	v15 =	vld [tilespmem:s18+$0x9F00]  }
0x4cd: {  	v19 =	vld [tilespmem:s23+$0xC400];
	v17 =	vmul.f32 v10, v9;
	v0 =	vadd.f32 v14, v0  }
0x4ce: {  	v18 =	vld [tilespmem:s23+$0x8400]  }
0x4cf: {  	v22 =	vld [tilespmem:s18+$0xE400];
	v20 =	vmul.f32 v13, v12;
	v0 =	vadd.f32 v17, v0  }
0x4d0: {  	s24 =	sor.u32 $0x2080, s21;
	v21 =	vld [tilespmem:s18+$0xA400]  }
0x4d1: {  	v25 =	vld [tilespmem:s24+$0xC400];
	v23 =	vmul.f32 v16, v15;
	v0 =	vadd.f32 v20, v0  }
0x4d2: {  	v24 =	vld [tilespmem:s24+$0x8400]  }
0x4d3: {  	v28 =	vld [tilespmem:s18+$0xE500];
	v26 =	vmul.f32 v19, v18;
	v0 =	vadd.f32 v23, v0  }
0x4d4: {  	s25 =	sor.u32 $0x2180, s21;
	v27 =	vld [tilespmem:s18+$0xA500]  }
0x4d5: {  	v31 =	vld [tilespmem:s25+$0xC400];
	v29 =	vmul.f32 v22, v21;
	v0 =	vadd.f32 v26, v0  }
0x4d6: {  	v30 =	vld [tilespmem:s25+$0x8400]  }
0x4d7: {  	v34 =	vld [tilespmem:s18+$0xE600];
	v32 =	vmul.f32 v25, v24;
	v0 =	vadd.f32 v29, v0  }
0x4d8: {  	s26 =	sor.u32 $0x2280, s21;
	v33 =	vld [tilespmem:s18+$0xA600]  }
0x4d9: {  	v37 =	vld [tilespmem:s26+$0xC400];
	v35 =	vmul.f32 v28, v27;
	v0 =	vadd.f32 v32, v0  }
0x4da: {  	v36 =	vld [tilespmem:s26+$0x8400]  }
0x4db: {  	v40 =	vld [tilespmem:s18+$0xE700];
	v38 =	vmul.f32 v31, v30;
	v0 =	vadd.f32 v35, v0  }
0x4dc: {  	s28 =	sor.u32 $0x2380, s19;
	v39 =	vld [tilespmem:s18+$0xA700]  }
0x4dd: {  	v43 =	vld [tilespmem:s28+$0xC400];
	v41 =	vmul.f32 v34, v33;
	v0 =	vadd.f32 v38, v0  }
0x4de: {  	v42 =	vld [tilespmem:s28+$0x8400]  }
0x4df: {  	v46 =	vld [tilespmem:s18+$0xEC00];
	v44 =	vmul.f32 v37, v36;
	v0 =	vadd.f32 v41, v0  }
0x4e0: {  	s29 =	sor.u32 $0x2880, s21;
	v45 =	vld [tilespmem:s18+$0xAC00]  }
0x4e1: {  	v49 =	vld [tilespmem:s29+$0xC400];
	v47 =	vmul.f32 v40, v39;
	v0 =	vadd.f32 v44, v0  }
0x4e2: {  	v48 =	vld [tilespmem:s29+$0x8400]  }
0x4e3: {  	v52 =	vld [tilespmem:s18+$0xED00];
	v50 =	vmul.f32 v43, v42;
	v0 =	vadd.f32 v47, v0  }
0x4e4: {  	s30 =	sor.u32 $0x2980, s21;
	v51 =	vld [tilespmem:s18+$0xAD00]  }
0x4e5: {  	v55 =	vld [tilespmem:s30+$0xC400];
	v53 =	vmul.f32 v46, v45;
	v0 =	vadd.f32 v50, v0  }
0x4e6: {  	v54 =	vld [tilespmem:s30+$0x8400]  }
0x4e7: {  	v58 =	vld [tilespmem:s18+$0xEE00];
	v56 =	vmul.f32 v49, v48;
	v0 =	vadd.f32 v53, v0  }
0x4e8: {  	s31 =	sor.u32 $0x2A80, s21;
	v57 =	vld [tilespmem:s18+$0xAE00]  }
0x4e9: {  	v61 =	vld [tilespmem:s31+$0xC400];
	v59 =	vmul.f32 v52, v51;
	v0 =	vadd.f32 v56, v0  }
0x4ea: {  	v60 =	vld [tilespmem:s31+$0x8400]  }
0x4eb: {  	v9 =	vld [tilespmem:s18+$0xEF00];
	v62 =	vmul.f32 v55, v54;
	v0 =	vadd.f32 v59, v0  }
0x4ec: {  	s22 =	sor.u32 $0x2B80, s19;
	v63 =	vld [tilespmem:s18+$0xAF00]  }
0x4ed: {  	v12 =	vld [tilespmem:s22+$0xC400];
	v10 =	vmul.f32 v58, v57;
	v0 =	vadd.f32 v62, v0  }
0x4ee: {  	v11 =	vld [tilespmem:s22+$0x8400]  }
0x4ef: {  	v15 =	vld [tilespmem:s18+$0xF400];
	v13 =	vmul.f32 v61, v60;
	v0 =	vadd.f32 v10, v0  }
0x4f0: {  	s23 =	sor.u32 $0x3080, s21;
	v14 =	vld [tilespmem:s18+$0xB400]  }
0x4f1: {  	v18 =	vld [tilespmem:s23+$0xC400];
	v16 =	vmul.f32 v9, v63;
	v0 =	vadd.f32 v13, v0  }
0x4f2: {  	v17 =	vld [tilespmem:s23+$0x8400]  }
0x4f3: {  	v21 =	vld [tilespmem:s18+$0xF500];
	v19 =	vmul.f32 v12, v11;
	v0 =	vadd.f32 v16, v0  }
0x4f4: {  	s24 =	sor.u32 $0x3180, s21;
	v20 =	vld [tilespmem:s18+$0xB500]  }
0x4f5: {  	v24 =	vld [tilespmem:s24+$0xC400];
	v22 =	vmul.f32 v15, v14;
	v0 =	vadd.f32 v19, v0  }
0x4f6: {  	v23 =	vld [tilespmem:s24+$0x8400]  }
0x4f7: {  	v27 =	vld [tilespmem:s18+$0xF600];
	v25 =	vmul.f32 v18, v17;
	v0 =	vadd.f32 v22, v0  }
0x4f8: {  	s25 =	sor.u32 $0x3280, s21;
	v26 =	vld [tilespmem:s18+$0xB600]  }
0x4f9: {  	v30 =	vld [tilespmem:s25+$0xC400];
	v28 =	vmul.f32 v21, v20;
	v0 =	vadd.f32 v25, v0  }
0x4fa: {  	v29 =	vld [tilespmem:s25+$0x8400]  }
0x4fb: {  	v33 =	vld [tilespmem:s18+$0xF700];
	v31 =	vmul.f32 v24, v23;
	v0 =	vadd.f32 v28, v0  }
0x4fc: {  	s26 =	sor.u32 $0x3380, s19;
	v32 =	vld [tilespmem:s18+$0xB700]  }
0x4fd: {  	v36 =	vld [tilespmem:s26+$0xC400];
	v34 =	vmul.f32 v27, v26;
	v0 =	vadd.f32 v31, v0  }
0x4fe: {  	v35 =	vld [tilespmem:s26+$0x8400]  }
0x4ff: {  	v39 =	vld [tilespmem:s18+$0xFC00];
	v37 =	vmul.f32 v30, v29;
	v0 =	vadd.f32 v34, v0  }
0x500: {  	s28 =	sor.u32 $0x3880, s21;
	v38 =	vld [tilespmem:s18+$0xBC00]  }
0x501: {  	v42 =	vld [tilespmem:s28+$0xC400];
	v40 =	vmul.f32 v33, v32;
	v0 =	vadd.f32 v37, v0  }
0x502: {  	v41 =	vld [tilespmem:s28+$0x8400]  }
0x503: {  	v45 =	vld [tilespmem:s18+$0xFD00];
	v43 =	vmul.f32 v36, v35;
	v0 =	vadd.f32 v40, v0  }
0x504: {  	s29 =	sor.u32 $0x3980, s21;
	v44 =	vld [tilespmem:s18+$0xBD00]  }
0x505: {  	v48 =	vld [tilespmem:s29+$0xC400];
	v46 =	vmul.f32 v39, v38;
	v0 =	vadd.f32 v43, v0  }
0x506: {  	v47 =	vld [tilespmem:s29+$0x8400]  }
0x507: {  	v51 =	vld [tilespmem:s18+$0xFE00];
	v49 =	vmul.f32 v42, v41;
	v0 =	vadd.f32 v46, v0  }
0x508: {  	s30 =	sor.u32 $0x3A80, s21;
	v50 =	vld [tilespmem:s18+$0xBE00]  }
0x509: {  	v54 =	vld [tilespmem:s30+$0xC400];
	v52 =	vmul.f32 v45, v44;
	v0 =	vadd.f32 v49, v0  }
0x50a: {  	v53 =	vld [tilespmem:s30+$0x8400]  }
0x50b: {  	v57 =	vld [tilespmem:s18+$0xFF00];
	v55 =	vmul.f32 v48, v47;
	v0 =	vadd.f32 v52, v0  }
0x50c: {  	s31 =	sor.u32 $0x3B80, s19;
	v56 =	vld [tilespmem:s18+$0xBF00]  }
0x50d: {  	v60 =	vld [tilespmem:s31+$0xC400];
	v58 =	vmul.f32 v51, v50;
	v0 =	vadd.f32 v55, v0  }
0x50e: {  	v59 =	vld [tilespmem:s31+$0x8400]  }
0x50f: {  	v61 =	vmul.f32 v54, v53;
	v0 =	vadd.f32 v58, v0;
	_ =	sdelay $0x1  }
0x510: {  	v62 =	vmul.f32 v57, v56;
	v0 =	vadd.f32 v61, v0;
	_ =	sdelay $0x1  }
0x511: {  	v63 =	vmul.f32 v60, v59;
	v0 =	vadd.f32 v62, v0;
	_ =	sdelay $0x1  }
0x512: {  	s16 =	sadd.s32 $0x1, s16;
	v0 =	vadd.f32 v63, v0  }
0x513: {  	s17 =	sadd.s32 $0x10, s17;
	p0 =	sne.s32 s16, s9  }
.Ltmp4:
0x514: {  	[tilespmem:s17+$0x0] =	vst v0;
	(pc) =	sbr.rel @p0 .LBB2_1-.Ltmp4, $4  }
0x515: {  	[hbm4b:s8+s1] =	stream.linear.scatter [tilespmem:s15], [sflag:$0x3], $0x100, $0x38;
	[tilespmem:$0x10500] =	vst v63  }
0x516: {  	_ =	swait.ge [sflag:s10], $0x100  }
0x517: {  	[sflag:s10] =	ssyncset.done $0x0  }
0x518: {  	[sflag:s10] =	ssyncadd.s32 $0xFFFFFF00  }
0x519: {  	_ =	sfence.sel $0x180000  }
0x51a: {  	[bflag:$0x0] =	sbarrier.arrive $0xFFFF  }
0x51b: {  	p0 =	sne.s32 s2, $0x0;
	_ =	strace $0x90000047  }
0x51c: {  	s0 =	sadd.s32 @!p0 $0x100000, s0;
	[bflag:$0x2] =	sbarrier.arrive $0xFFFF  }
0x51d: {  	[sflag:s0] =	ssyncadd.tile.s32 @!p0 $0x1;
	_ =	shalt  }
.Lfunc_end2:
_tile_overlayer_lowered:
.L_overlay_start_2:
0x51e: {  	(tag) =	ssettag $0x2  }
0x51f: {  	s0 =	rddreg [dreg:$0x0];
	s2 =	stileid.u32  }
0x520: {  	s1 =	rddreg [dreg:$0x1];
	p0 =	sne.s32 s2, $0x0  }
0x521: {  	s3 =	rddreg [dreg:$0x2];
	[bflag:$0x3] =	sbarrier.arrive $0xFFFF;
	s2 =	simm.s32 @!p0 $0x1C03  }
0x522: {  	[timem:s3], [sflag:s2] =	dma.local @!p0 [hbm:s0], s1  }
0x523: {  	s0 =	simm.s32 @!p0 $0x3  }
0x524: {  	_ =	swait.ge @!p0 [sflag:s0], s1  }
0x525: {  	s1 =	ssub.s32 @!p0 $0x0, s1;
	[sflag:s0] =	ssyncset.done @!p0 $0x0  }
0x526: {  	[sflag:s0] =	ssyncadd.s32 @!p0 s1  }
0x527: {  	[bflag:$0x3] =	sbarrier.arrive $0xFFFF  }
0x528: {  	_ =	shalt  }

</sc_bundles>
